<compile_context>
chip_gen: v7x
topology: tpu7x:2x2x1
jax: 0.10.2.dev20260603
libtpu: 0.0.44.dev20260713+nightly
codegen_flags: <defaults>
</compile_context>

<pallas_src>
import functools

import jax
import jax.numpy as jnp
from jax.experimental import pallas as pl
from jax.experimental.pallas import tpu as pltpu
from jax.experimental.pallas import tpu_sc as plsc

B, S, D = 1, 2048, 1024
H, KV, HD = 16, 8, 64
E, TOPK, F = 8, 2, 1024
L = 2
EPS = 1e-6
THETA = 10000.0

BQ = 256
BA = 512
BLK = 256
PADN = S * TOPK + E * BLK
NB = PADN // BLK
NW = 32
TPW = S // NW


def _rms(x, w):
    return x * jax.lax.rsqrt(jnp.mean(x * x, axis=-1, keepdims=True) + EPS) * w


def _qkv_common(h, ln_ref, wq_ref, wk_ref, wv_ref, cos_ref, sin_ref,
                q_ref, k_ref, v_ref):
    r = _rms(h, ln_ref[...]).astype(jnp.bfloat16)
    cos = cos_ref[...]
    sin = sin_ref[...]

    def rope(x, nheads):
        cf = jnp.concatenate([cos] * nheads, axis=1)
        sf = jnp.concatenate([sin] * nheads, axis=1)
        lane = jax.lax.broadcasted_iota(jnp.int32, x.shape, 1) % HD
        first = lane < (HD // 2)
        xm = pltpu.roll(x, x.shape[1] - HD // 2, 1)
        xp = pltpu.roll(x, HD // 2, 1)
        rot = jnp.where(first, -xm, xp)
        return x * cf + rot * sf

    q = jnp.dot(r, wq_ref[...], preferred_element_type=jnp.float32)
    k = jnp.dot(r, wk_ref[...], preferred_element_type=jnp.float32)
    v = jnp.dot(r, wv_ref[...], preferred_element_type=jnp.float32)
    q = q * (1.0 / (HD ** 0.5))

    q_ref[...] = rope(q, H).astype(jnp.bfloat16)
    k_ref[...] = rope(k, KV).astype(jnp.bfloat16)
    v_ref[...] = v.astype(jnp.bfloat16)


def _qkv_body(h_ref, ln_ref, wq_ref, wk_ref, wv_ref, cos_ref, sin_ref,
              q_ref, k_ref, v_ref):
    _qkv_common(h_ref[...], ln_ref, wq_ref, wk_ref, wv_ref, cos_ref,
                sin_ref, q_ref, k_ref, v_ref)


def _qkvr_body(h2_ref, za_ref, zb_ref, ln_ref, wq_ref, wk_ref, wv_ref,
               cos_ref, sin_ref, q_ref, k_ref, v_ref, h_ref):
    h = h2_ref[...] + za_ref[...] + zb_ref[...]
    h_ref[...] = h
    _qkv_common(h, ln_ref, wq_ref, wk_ref, wv_ref, cos_ref, sin_ref,
                q_ref, k_ref, v_ref)


def _qkvr(h2, za, zb, ln1, wq, wk, wv, cos, sin):
    grid = (S // BQ,)
    return pl.pallas_call(
        _qkvr_body,
        grid=grid,
        in_specs=[
            pl.BlockSpec((BQ, D), lambda i: (i, 0)),
            pl.BlockSpec((BQ, D), lambda i: (i, 0)),
            pl.BlockSpec((BQ, D), lambda i: (i, 0)),
            pl.BlockSpec((1, D), lambda i: (0, 0)),
            pl.BlockSpec((D, H * HD), lambda i: (0, 0)),
            pl.BlockSpec((D, KV * HD), lambda i: (0, 0)),
            pl.BlockSpec((D, KV * HD), lambda i: (0, 0)),
            pl.BlockSpec((BQ, HD), lambda i: (i, 0)),
            pl.BlockSpec((BQ, HD), lambda i: (i, 0)),
        ],
        out_specs=[
            pl.BlockSpec((BQ, H * HD), lambda i: (i, 0)),
            pl.BlockSpec((BQ, KV * HD), lambda i: (i, 0)),
            pl.BlockSpec((BQ, KV * HD), lambda i: (i, 0)),
            pl.BlockSpec((BQ, D), lambda i: (i, 0)),
        ],
        out_shape=[
            jax.ShapeDtypeStruct((S, H * HD), jnp.bfloat16),
            jax.ShapeDtypeStruct((S, KV * HD), jnp.bfloat16),
            jax.ShapeDtypeStruct((S, KV * HD), jnp.bfloat16),
            jax.ShapeDtypeStruct((S, D), jnp.float32),
        ],
        compiler_params=pltpu.CompilerParams(
            dimension_semantics=("arbitrary",)),
    )(h2, za, zb, ln1, wq, wk, wv, cos, sin)


def _qkv(h, ln1, wq, wk, wv, cos, sin):
    grid = (S // BQ,)
    return pl.pallas_call(
        _qkv_body,
        grid=grid,
        in_specs=[
            pl.BlockSpec((BQ, D), lambda i: (i, 0)),
            pl.BlockSpec((1, D), lambda i: (0, 0)),
            pl.BlockSpec((D, H * HD), lambda i: (0, 0)),
            pl.BlockSpec((D, KV * HD), lambda i: (0, 0)),
            pl.BlockSpec((D, KV * HD), lambda i: (0, 0)),
            pl.BlockSpec((BQ, HD), lambda i: (i, 0)),
            pl.BlockSpec((BQ, HD), lambda i: (i, 0)),
        ],
        out_specs=[
            pl.BlockSpec((BQ, H * HD), lambda i: (i, 0)),
            pl.BlockSpec((BQ, KV * HD), lambda i: (i, 0)),
            pl.BlockSpec((BQ, KV * HD), lambda i: (i, 0)),
        ],
        out_shape=[
            jax.ShapeDtypeStruct((S, H * HD), jnp.bfloat16),
            jax.ShapeDtypeStruct((S, KV * HD), jnp.bfloat16),
            jax.ShapeDtypeStruct((S, KV * HD), jnp.bfloat16),
        ],
        compiler_params=pltpu.CompilerParams(
            dimension_semantics=("arbitrary",)),
    )(h, ln1, wq, wk, wv, cos, sin)


def _post_body(q_ref, k_ref, v_ref, wo_ref, h_ref, ln_ref, wg_ref,
               h2_ref, r2_ref, wf_ref, r_ref, cnt_ref, carry):
    i = pl.program_id(0)
    q2 = q_ref[...]
    kf = k_ref[...]
    vf = v_ref[...]
    row = i * BQ + jax.lax.broadcasted_iota(jnp.int32, (BQ, S), 0)
    col = jax.lax.broadcasted_iota(jnp.int32, (BQ, S), 1)
    causal = col <= row
    heads_o = []
    for hh in range(H):
        j = hh // (H // KV)
        qh = q2[:, hh * HD:(hh + 1) * HD]
        kh = kf[:, j * HD:(j + 1) * HD]
        vh = vf[:, j * HD:(j + 1) * HD]
        s = jax.lax.dot_general(qh, kh, (((1,), (1,)), ((), ())),
                                preferred_element_type=jnp.float32)
        p = jnp.exp(jnp.where(causal, s, -1e9))
        o = jnp.dot(p.astype(jnp.bfloat16), vh,
                    preferred_element_type=jnp.float32)
        heads_o.append((o / jnp.sum(p, axis=-1, keepdims=True)
                        ).astype(jnp.bfloat16))
    a = jnp.concatenate(heads_o, axis=1)
    h2 = h_ref[...] + jnp.dot(a, wo_ref[...],
                              preferred_element_type=jnp.float32)
    h2_ref[...] = h2
    r2 = _rms(h2, ln_ref[...])
    r2_ref[...] = r2
    logits = jnp.dot(r2, wg_ref[...], preferred_element_type=jnp.float32)
    mx = jnp.max(logits, axis=-1, keepdims=True)
    ex = jnp.exp(logits - mx)
    probs = ex / jnp.sum(ex, axis=-1, keepdims=True)
    eidx = jax.lax.broadcasted_iota(jnp.int32, probs.shape, 1)
    m1 = jnp.max(probs, axis=-1, keepdims=True)
    i1 = jnp.min(jnp.where(probs == m1, eidx, E), axis=-1, keepdims=True)
    mask1 = eidx == i1
    pm = jnp.where(mask1, -1.0, probs)
    m2 = jnp.max(pm, axis=-1, keepdims=True)
    i2 = jnp.min(jnp.where(pm == m2, eidx, E), axis=-1, keepdims=True)
    mask2 = eidx == i2
    denom = m1 + m2
    wf = (jnp.where(mask1, m1, 0.0) + jnp.where(mask2, m2, 0.0)) / denom
    wf_ref[...] = wf

    @pl.when(i == 0)
    def _():
        carry[...] = jnp.zeros_like(carry)

    sel = (mask1 | mask2).astype(jnp.float32)
    ri2 = jax.lax.broadcasted_iota(jnp.int32, (BQ, BQ), 0)
    ci2 = jax.lax.broadcasted_iota(jnp.int32, (BQ, BQ), 1)
    tri = (ci2 < ri2).astype(jnp.bfloat16)
    r_ref[...] = jnp.dot(tri, sel.astype(jnp.bfloat16),
                         preferred_element_type=jnp.float32) + carry[...]
    carry[...] = carry[...] + jnp.sum(sel, axis=0, keepdims=True)
    cnt_ref[...] = carry[...]


def _post(q, k, v, wo, h, ln2, wg):
    grid = (S // BQ,)
    return pl.pallas_call(
        _post_body,
        grid=grid,
        in_specs=[
            pl.BlockSpec((BQ, H * HD), lambda i: (i, 0)),
            pl.BlockSpec((S, KV * HD), lambda i: (0, 0)),
            pl.BlockSpec((S, KV * HD), lambda i: (0, 0)),
            pl.BlockSpec((H * HD, D), lambda i: (0, 0)),
            pl.BlockSpec((BQ, D), lambda i: (i, 0)),
            pl.BlockSpec((1, D), lambda i: (0, 0)),
            pl.BlockSpec((D, E), lambda i: (0, 0)),
        ],
        out_specs=[
            pl.BlockSpec((BQ, D), lambda i: (i, 0)),
            pl.BlockSpec((BQ, D), lambda i: (i, 0)),
            pl.BlockSpec((BQ, E), lambda i: (i, 0)),
            pl.BlockSpec((BQ, E), lambda i: (i, 0)),
            pl.BlockSpec((1, E), lambda i: (0, 0)),
        ],
        out_shape=[
            jax.ShapeDtypeStruct((S, D), jnp.float32),
            jax.ShapeDtypeStruct((S, D), jnp.float32),
            jax.ShapeDtypeStruct((S, E), jnp.float32),
            jax.ShapeDtypeStruct((S, E), jnp.float32),
            jax.ShapeDtypeStruct((1, E), jnp.float32),
        ],
        scratch_shapes=[pltpu.VMEM((1, E), jnp.float32)],
        compiler_params=pltpu.CompilerParams(
            dimension_semantics=("arbitrary",)),
    )(q, k, v, wo, h, ln2, wg)


def _rpos_body(wf_ref, r_ref, cnt_ref, pa_ref, pb_ref, wa_ref, wb_ref):
    cnt = cnt_ref[...].astype(jnp.int32)
    cp = ((cnt + BLK - 1) // BLK) * BLK
    ri = jax.lax.broadcasted_iota(jnp.int32, (E, E), 0)
    ci = jax.lax.broadcasted_iota(jnp.int32, (E, E), 1)
    tri = (ri < ci).astype(jnp.float32)
    off = jnp.dot(cp.astype(jnp.float32), tri,
                  preferred_element_type=jnp.float32)
    wf = wf_ref[...]
    sel = wf > 0
    eidx = jax.lax.broadcasted_iota(jnp.int32, wf.shape, 1)
    ia = jnp.min(jnp.where(sel, eidx, E), axis=-1, keepdims=True)
    ib = jnp.max(jnp.where(sel, eidx, -1), axis=-1, keepdims=True)
    pos = off + r_ref[...]
    pa = jnp.sum(jnp.where(eidx == ia, pos, 0.0), axis=-1, keepdims=True)
    pb = jnp.sum(jnp.where(eidx == ib, pos, 0.0), axis=-1, keepdims=True)
    wa = jnp.sum(jnp.where(eidx == ia, wf, 0.0), axis=-1, keepdims=True)
    wb = jnp.sum(jnp.where(eidx == ib, wf, 0.0), axis=-1, keepdims=True)
    pa_ref[...] = jnp.broadcast_to(pa.astype(jnp.int32), (BQ, 8))
    pb_ref[...] = jnp.broadcast_to(pb.astype(jnp.int32), (BQ, 8))
    wa_ref[...] = jnp.broadcast_to(wa, (BQ, 128))
    wb_ref[...] = jnp.broadcast_to(wb, (BQ, 128))


def _rpos(wf, r, cnt):
    return pl.pallas_call(
        _rpos_body,
        grid=(S // BQ,),
        in_specs=[
            pl.BlockSpec((BQ, E), lambda i: (i, 0)),
            pl.BlockSpec((BQ, E), lambda i: (i, 0)),
            pl.BlockSpec((1, E), lambda i: (0, 0)),
        ],
        out_specs=[
            pl.BlockSpec((BQ, 8), lambda i: (i, 0)),
            pl.BlockSpec((BQ, 8), lambda i: (i, 0)),
            pl.BlockSpec((BQ, 128), lambda i: (i, 0)),
            pl.BlockSpec((BQ, 128), lambda i: (i, 0)),
        ],
        out_shape=[
            jax.ShapeDtypeStruct((S, 8), jnp.int32),
            jax.ShapeDtypeStruct((S, 8), jnp.int32),
            jax.ShapeDtypeStruct((S, 128), jnp.float32),
            jax.ShapeDtypeStruct((S, 128), jnp.float32),
        ],
        compiler_params=pltpu.CompilerParams(
            dimension_semantics=("arbitrary",)),
    )(wf, r, cnt)


def _dispatch(r2, posa, posb, wab, wbb):
    mesh = plsc.VectorSubcoreMesh(core_axis_name="c", subcore_axis_name="s")

    @functools.partial(
        pl.kernel, mesh=mesh,
        out_type=[
            jax.ShapeDtypeStruct((PADN, D), jnp.float32),
            jax.ShapeDtypeStruct((PADN, 128), jnp.float32),
        ],
        scratch_types=[
            pltpu.VMEM((TPW,), jnp.int32),
            pltpu.VMEM((TPW,), jnp.int32),
            pltpu.VMEM((TPW, D), jnp.float32),
            pltpu.VMEM((TPW, 128), jnp.float32),
            pltpu.VMEM((TPW, 128), jnp.float32),
            pltpu.SemaphoreType.DMA,
        ],
    )
    def disp(r2_hbm, pa_hbm, pb_hbm, wa_hbm, wb_hbm, xs_hbm, sw_hbm,
             pa_v, pb_v, rows_v, wa_v, wb_v, sem):
        c = jax.lax.axis_index("c")
        sidx = jax.lax.axis_index("s")
        base = (sidx * 2 + c) * TPW
        pltpu.sync_copy(pa_hbm.at[pl.ds(base, TPW)], pa_v)
        pltpu.sync_copy(pb_hbm.at[pl.ds(base, TPW)], pb_v)
        pltpu.sync_copy(wa_hbm.at[pl.ds(base, TPW)], wa_v)
        pltpu.sync_copy(wb_hbm.at[pl.ds(base, TPW)], wb_v)
        pltpu.sync_copy(r2_hbm.at[pl.ds(base, TPW)], rows_v)
        pltpu.async_copy(rows_v, xs_hbm.at[pa_v], sem).wait()
        pltpu.async_copy(rows_v, xs_hbm.at[pb_v], sem).wait()
        pltpu.async_copy(wa_v, sw_hbm.at[pa_v], sem).wait()
        pltpu.async_copy(wb_v, sw_hbm.at[pb_v], sem).wait()

    return disp(r2, posa, posb, wab, wbb)


def _gffn_body(be_ref, nu_ref, xs_ref, w1_ref, w3_ref, w2_ref, sw_ref,
               ys_ref):
    b = pl.program_id(0)

    @pl.when(b < nu_ref[0])
    def _():
        x = xs_ref[...].astype(jnp.bfloat16)
        t1 = jnp.dot(x, w1_ref[0], preferred_element_type=jnp.float32)
        t3 = jnp.dot(x, w3_ref[0], preferred_element_type=jnp.float32)
        t = (t1 * jax.lax.logistic(t1) * t3).astype(jnp.bfloat16)
        ex = jnp.dot(t, w2_ref[0], preferred_element_type=jnp.float32)
        ys_ref[...] = ex * sw_ref[:, :1]


def _gffn(be, nu, xs, w1, w3, w2, sw):
    grid_spec = pltpu.PrefetchScalarGridSpec(
        num_scalar_prefetch=2,
        grid=(NB,),
        in_specs=[
            pl.BlockSpec((BLK, D), lambda b, be, nu: (b, 0)),
            pl.BlockSpec((1, D, F), lambda b, be, nu: (be[b], 0, 0)),
            pl.BlockSpec((1, D, F), lambda b, be, nu: (be[b], 0, 0)),
            pl.BlockSpec((1, F, D), lambda b, be, nu: (be[b], 0, 0)),
            pl.BlockSpec((BLK, 128), lambda b, be, nu: (b, 0)),
        ],
        out_specs=pl.BlockSpec((BLK, D), lambda b, be, nu: (b, 0)),
    )
    return pl.pallas_call(
        _gffn_body,
        grid_spec=grid_spec,
        out_shape=jax.ShapeDtypeStruct((PADN, D), jnp.float32),
        compiler_params=pltpu.CompilerParams(
            dimension_semantics=("arbitrary",)),
    )(be, nu, xs, w1, w3, w2, sw)


def _gather2(ys, posa, posb):
    mesh = plsc.VectorSubcoreMesh(core_axis_name="c", subcore_axis_name="s")

    @functools.partial(
        pl.kernel, mesh=mesh,
        out_type=[
            jax.ShapeDtypeStruct((S, D), jnp.float32),
            jax.ShapeDtypeStruct((S, D), jnp.float32),
        ],
        scratch_types=[
            pltpu.VMEM((TPW,), jnp.int32),
            pltpu.VMEM((TPW,), jnp.int32),
            pltpu.VMEM((TPW, D), jnp.float32),
            pltpu.SemaphoreType.DMA,
        ],
    )
    def comb(ys_hbm, pa_hbm, pb_hbm, za_hbm, zb_hbm, pa_v, pb_v, buf_v,
             sem):
        c = jax.lax.axis_index("c")
        sidx = jax.lax.axis_index("s")
        base = (sidx * 2 + c) * TPW
        pltpu.sync_copy(pa_hbm.at[pl.ds(base, TPW)], pa_v)
        pltpu.sync_copy(pb_hbm.at[pl.ds(base, TPW)], pb_v)
        pltpu.async_copy(ys_hbm.at[pa_v], buf_v, sem).wait()
        pltpu.sync_copy(buf_v, za_hbm.at[pl.ds(base, TPW)])
        pltpu.async_copy(ys_hbm.at[pb_v], buf_v, sem).wait()
        pltpu.sync_copy(buf_v, zb_hbm.at[pl.ds(base, TPW)])

    return comb(ys, posa, posb)


def _moe_sparse(r2, w1, w3, w2, wf, r_, cnt):
    pa8, pb8, wab, wbb = _rpos(wf, r_, cnt)
    posa = pa8[:, 0]
    posb = pb8[:, 0]
    cnt_i = cnt.reshape(E).astype(jnp.int32)
    cp = ((cnt_i + BLK - 1) // BLK) * BLK
    cs = jnp.cumsum(cp)
    bidx = jnp.arange(NB, dtype=jnp.int32)
    be = jnp.minimum(
        jnp.sum((bidx[:, None] * BLK >= cs[None, :]).astype(jnp.int32),
                axis=1), E - 1).astype(jnp.int32)
    nu = (cs[E - 1] // BLK).reshape(1).astype(jnp.int32)
    xs, sw = _dispatch(r2, posa, posb, wab, wbb)
    ys = _gffn(be, nu, xs, w1, w3, w2, sw)
    za, zb = _gather2(ys, posa, posb)
    return za, zb


def _fln_body(h2_ref, za_ref, zb_ref, ln_ref, o_ref):
    h = h2_ref[...] + za_ref[...] + zb_ref[...]
    o_ref[...] = _rms(h, ln_ref[...])


def _fln(h2, za, zb, ln):
    return pl.pallas_call(
        _fln_body,
        grid=(S // BQ,),
        in_specs=[
            pl.BlockSpec((BQ, D), lambda i: (i, 0)),
            pl.BlockSpec((BQ, D), lambda i: (i, 0)),
            pl.BlockSpec((BQ, D), lambda i: (i, 0)),
            pl.BlockSpec((1, D), lambda i: (0, 0)),
        ],
        out_specs=pl.BlockSpec((BQ, D), lambda i: (i, 0)),
        out_shape=jax.ShapeDtypeStruct((S, D), jnp.float32),
        compiler_params=pltpu.CompilerParams(
            dimension_semantics=("arbitrary",)),
    )(h2, za, zb, ln)


def kernel(input_ids, params):
    x = input_ids.reshape(S, D)

    pos = jnp.arange(S, dtype=jnp.float32)
    inv_freq = 1.0 / (THETA ** (jnp.arange(0, HD, 2, dtype=jnp.float32) / HD))
    freqs = jnp.outer(pos, inv_freq)
    emb = jnp.concatenate([freqs, freqs], axis=-1)
    cos = jnp.cos(emb)
    sin = jnp.sin(emb)

    h = x
    za = zb = None
    for l in range(L):
        p = params['layer_%d' % l]
        wq = p['wq'].astype(jnp.bfloat16)
        wk = p['wk'].astype(jnp.bfloat16)
        wv = p['wv'].astype(jnp.bfloat16)
        wo = p['wo'].astype(jnp.bfloat16)
        w1 = p['w1'].astype(jnp.bfloat16)
        w3 = p['w3'].astype(jnp.bfloat16)
        w2 = p['w2'].astype(jnp.bfloat16)

        if l == 0:
            q, k, v = _qkv(h, p['ln1'].reshape(1, D), wq, wk, wv, cos,
                           sin)
        else:
            q, k, v, h = _qkvr(h2, za, zb, p['ln1'].reshape(1, D), wq,
                               wk, wv, cos, sin)
        h2, r2, wf, r_, cnt = _post(q, k, v, wo, h,
                                    p['ln2'].reshape(1, D), p['wg'])
        za, zb = _moe_sparse(r2, w1, w3, w2, wf, r_, cnt)

    out = _fln(h2, za, zb, params['final_ln'].reshape(1, D))
    return out.reshape(B, S, D)

# --- scband reference (transcript-rebuilt; emitter-appended) ---
"""Pipeline reference for scband-moe-already-emb-16741782520582 (READ-ONLY COPY).

The authoritative reference and input builder live on the scoring server;
editing this copy changes nothing except your own understanding.
"""

import jax, jax.numpy as jnp
import numpy as np

B, S, D = 1, 2048, 1024
H, KV, HD = 16, 8, 64
E, TOPK, F = 8, 2, 1024
L = 2
EPS = 1e-6
THETA = 10000.0


def _rms(x, w):
    return x * jax.lax.rsqrt(jnp.mean(x * x, axis=-1, keepdims=True) + EPS) * w


def _rot_half(x):
    x1 = x[..., : HD // 2]
    x2 = x[..., HD // 2:]
    return jnp.concatenate([-x2, x1], axis=-1)


def _forward(x, params):
    pos = jnp.arange(S)
    inv_freq = 1.0 / (THETA ** (jnp.arange(0, HD, 2).astype(jnp.float32) / HD))
    freqs = jnp.outer(pos.astype(jnp.float32), inv_freq)
    emb = jnp.concatenate([freqs, freqs], axis=-1)
    cos = jnp.cos(emb)[None, None, :, :]
    sin = jnp.sin(emb)[None, None, :, :]
    causal = jnp.tril(jnp.ones((S, S), dtype=bool))
    bias = jnp.where(causal, 0.0, -1e9)[None, None, :, :]

    h = x
    for l in range(L):
        p = params['layer_%d' % l]
        r = _rms(h, p['ln1'])
        q = (r @ p['wq']).reshape(B, S, H, HD).transpose(0, 2, 1, 3)
        k = (r @ p['wk']).reshape(B, S, KV, HD).transpose(0, 2, 1, 3)
        v = (r @ p['wv']).reshape(B, S, KV, HD).transpose(0, 2, 1, 3)
        q = q * cos + _rot_half(q) * sin
        k = k * cos + _rot_half(k) * sin
        k = jnp.repeat(k, H // KV, axis=1)
        v = jnp.repeat(v, H // KV, axis=1)
        scores = jnp.einsum('bhqd,bhkd->bhqk', q, k) / jnp.sqrt(float(HD)) + bias
        attn = jax.nn.softmax(scores, axis=-1)
        o = jnp.einsum('bhqk,bhkd->bhqd', attn, v)
        o = o.transpose(0, 2, 1, 3).reshape(B, S, H * HD) @ p['wo']
        h = h + o
        r = _rms(h, p['ln2'])
        flat = r.reshape(-1, D)
        logits = flat @ p['wg']
        probs = jax.nn.softmax(logits, axis=-1)
        topv, topi = jax.lax.top_k(probs, TOPK)
        topv = topv / jnp.sum(topv, axis=-1, keepdims=True)
        moe = jnp.zeros_like(flat)
        for e in range(E):
            w_e = jnp.sum((topi == e).astype(flat.dtype) * topv, axis=-1)
            ex = (jax.nn.silu(flat @ p['w1'][e]) * (flat @ p['w3'][e])) @ p['w2'][e]
            moe = moe + w_e[:, None] * ex
        h = h + moe.reshape(B, S, D)
    return _rms(h, params['final_ln'])


def setup_inputs(seed: int = 0):
    key = jax.random.key(seed)
    ks = jax.random.split(key, 80)
    x = jax.random.normal(ks[0], (B, S, D), dtype=jnp.float32)
    params = {}
    i = 1
    for l in range(L):
        p = {}
        p['ln1'] = jnp.ones((D,), jnp.float32)
        p['ln2'] = jnp.ones((D,), jnp.float32)
        p['wq'] = jax.random.normal(ks[i], (D, H * HD), jnp.float32) * 0.02; i += 1
        p['wk'] = jax.random.normal(ks[i], (D, KV * HD), jnp.float32) * 0.02; i += 1
        p['wv'] = jax.random.normal(ks[i], (D, KV * HD), jnp.float32) * 0.02; i += 1
        p['wo'] = jax.random.normal(ks[i], (H * HD, D), jnp.float32) * 0.02; i += 1
        p['wg'] = jax.random.normal(ks[i], (D, E), jnp.float32) * 0.02; i += 1
        p['w1'] = jax.random.normal(ks[i], (E, D, F), jnp.float32) * 0.02; i += 1
        p['w3'] = jax.random.normal(ks[i], (E, D, F), jnp.float32) * 0.02; i += 1
        p['w2'] = jax.random.normal(ks[i], (E, F, D), jnp.float32) * 0.02; i += 1
        params['layer_%d' % l] = p
    params['final_ln'] = jnp.ones((D,), jnp.float32)
    return {'input_ids': x, 'params': params}


def reference(input_ids, params):
    return _forward(input_ids, params)

if __name__ == "__main__":
    import jax
    _d = setup_inputs()
    print(jax.jit(kernel)(*tuple(_d.values())))

</pallas_src>

<mosaic_0001>
#map = affine_map<(d0, d1) -> (0, 0)>
#map1 = affine_map<(d0, d1) -> (0)>
module attributes {stable_mosaic.version = 14 : i64} {
  func.func @comb(%arg0: i32, %arg1: i32, %arg2: memref<6144x1024xf32, #tpu.memory_space<hbm>>, %arg3: memref<2048xi32, #tpu.memory_space<hbm>>, %arg4: memref<2048xi32, #tpu.memory_space<hbm>>, %arg5: memref<2048x1024xf32, #tpu.memory_space<hbm>>, %arg6: memref<2048x1024xf32, #tpu.memory_space<hbm>>, %arg7: memref<64xi32, #tpu.memory_space<vmem>>, %arg8: memref<64xi32, #tpu.memory_space<vmem>>, %arg9: memref<64x1024xf32, #tpu.memory_space<vmem>>, %arg10: memref<!tpu.dma_semaphore, #tpu.memory_space<semaphore_mem>>) attributes {dimension_semantics = [#tpu.dimension_semantics<core_parallel>, #tpu.dimension_semantics<subcore_parallel>], iteration_bounds = array<i64: 2, 16>, scalar_prefetch = 0 : i64, scratch_operands = 4 : i64, tpu.core_type = #tpu.core_type<sc_vector_subcore>, window_params = [{transform_indices = #map}, {transform_indices = #map1}, {transform_indices = #map1}, {transform_indices = #map}, {transform_indices = #map}]} {
    %mul3A = arith.constant 2 : i32
    %mul3A_0 = arith.muli %arg1, %mul3A : i32
    %add3A = arith.addi %mul3A_0, %arg0 : i32
    %mul3A_1 = arith.constant 64 : i32
    %mul3A_2 = arith.muli %add3A, %mul3A_1 : i32
    "tpu.region"() ({
      %run_scoped3A = tpu.sem_alloc : memref<!tpu.dma_semaphore, #tpu.memory_space<semaphore_mem>>
      %dma_start3A_13 = tpu.memref_slice %arg3[%mul3A_2] : memref<2048xi32, #tpu.memory_space<hbm>> -> memref<64xi32, #tpu.memory_space<hbm>>
      %dma_start3A_14 = tpu.memref_slice %arg3[%mul3A_2] : memref<2048xi32, #tpu.memory_space<hbm>> -> memref<64xi32, #tpu.memory_space<hbm>>
      tpu.enqueue_dma source(%dma_start3A_14 : memref<64xi32, #tpu.memory_space<hbm>>) target(%arg7 : memref<64xi32, #tpu.memory_space<vmem>>) target_semaphore(%run_scoped3A : memref<!tpu.dma_semaphore, #tpu.memory_space<semaphore_mem>>)
      %dma_wait3A_15 = tpu.memref_slice %arg3[%mul3A_2] : memref<2048xi32, #tpu.memory_space<hbm>> -> memref<64xi32, #tpu.memory_space<hbm>>
      %dma_wait3A_16 = tpu.memref_slice %arg3[%mul3A_2] : memref<2048xi32, #tpu.memory_space<hbm>> -> memref<64xi32, #tpu.memory_space<hbm>>
      tpu.wait_dma2 semaphore(%run_scoped3A : memref<!tpu.dma_semaphore, #tpu.memory_space<semaphore_mem>>) src(%dma_wait3A_16 : memref<64xi32, #tpu.memory_space<hbm>>) dst(%arg7 : memref<64xi32, #tpu.memory_space<vmem>>)
      tpu.yield
    }) : () -> ()
    "tpu.region"() ({
      %run_scoped3A = tpu.sem_alloc : memref<!tpu.dma_semaphore, #tpu.memory_space<semaphore_mem>>
      %dma_start3A_13 = tpu.memref_slice %arg4[%mul3A_2] : memref<2048xi32, #tpu.memory_space<hbm>> -> memref<64xi32, #tpu.memory_space<hbm>>
      %dma_start3A_14 = tpu.memref_slice %arg4[%mul3A_2] : memref<2048xi32, #tpu.memory_space<hbm>> -> memref<64xi32, #tpu.memory_space<hbm>>
      tpu.enqueue_dma source(%dma_start3A_14 : memref<64xi32, #tpu.memory_space<hbm>>) target(%arg8 : memref<64xi32, #tpu.memory_space<vmem>>) target_semaphore(%run_scoped3A : memref<!tpu.dma_semaphore, #tpu.memory_space<semaphore_mem>>)
      %dma_wait3A_15 = tpu.memref_slice %arg4[%mul3A_2] : memref<2048xi32, #tpu.memory_space<hbm>> -> memref<64xi32, #tpu.memory_space<hbm>>
      %dma_wait3A_16 = tpu.memref_slice %arg4[%mul3A_2] : memref<2048xi32, #tpu.memory_space<hbm>> -> memref<64xi32, #tpu.memory_space<hbm>>
      tpu.wait_dma2 semaphore(%run_scoped3A : memref<!tpu.dma_semaphore, #tpu.memory_space<semaphore_mem>>) src(%dma_wait3A_16 : memref<64xi32, #tpu.memory_space<hbm>>) dst(%arg8 : memref<64xi32, #tpu.memory_space<vmem>>)
      tpu.yield
    }) : () -> ()
    %dma_start3A = arith.constant 0 : i32
    %dma_start3A_3 = arith.constant 0 : i32
    %dma_start3A_4 = tpu.memref_slice %arg2[%dma_start3A, %dma_start3A_3] : memref<6144x1024xf32, #tpu.memory_space<hbm>> -> memref<6144x1024xf32, #tpu.memory_space<hbm>>
    tpu.enqueue_indirect_dma source(%dma_start3A_4 : memref<6144x1024xf32, #tpu.memory_space<hbm>>) target(%arg9 : memref<64x1024xf32, #tpu.memory_space<vmem>>) offsets(%arg7 : memref<64xi32, #tpu.memory_space<vmem>>) semaphore(%arg10 : memref<!tpu.dma_semaphore, #tpu.memory_space<semaphore_mem>>)
    %dma_wait3A = arith.constant 0 : i32
    %dma_wait3A_5 = arith.constant 0 : i32
    %dma_wait3A_6 = tpu.memref_slice %arg2[%dma_wait3A, %dma_wait3A_5] : memref<6144x1024xf32, #tpu.memory_space<hbm>> -> memref<6144x1024xf32, #tpu.memory_space<hbm>>
    tpu.wait_indirect_dma semaphore(%arg10 : memref<!tpu.dma_semaphore, #tpu.memory_space<semaphore_mem>>) src(%dma_wait3A_6 : memref<6144x1024xf32, #tpu.memory_space<hbm>>) dst(%arg9 : memref<64x1024xf32, #tpu.memory_space<vmem>>)
    "tpu.region"() ({
      %run_scoped3A = tpu.sem_alloc : memref<!tpu.dma_semaphore, #tpu.memory_space<semaphore_mem>>
      %dma_start3A_13 = arith.constant 0 : i32
      %dma_start3A_14 = tpu.memref_slice %arg5[%mul3A_2, %dma_start3A_13] : memref<2048x1024xf32, #tpu.memory_space<hbm>> -> memref<64x1024xf32, #tpu.memory_space<hbm>>
      %dma_start3A_15 = arith.constant 0 : i32
      %dma_start3A_16 = tpu.memref_slice %arg5[%mul3A_2, %dma_start3A_15] : memref<2048x1024xf32, #tpu.memory_space<hbm>> -> memref<64x1024xf32, #tpu.memory_space<hbm>>
      tpu.enqueue_dma source(%arg9 : memref<64x1024xf32, #tpu.memory_space<vmem>>) target(%dma_start3A_16 : memref<64x1024xf32, #tpu.memory_space<hbm>>) target_semaphore(%run_scoped3A : memref<!tpu.dma_semaphore, #tpu.memory_space<semaphore_mem>>)
      %dma_wait3A_17 = arith.constant 0 : i32
      %dma_wait3A_18 = tpu.memref_slice %arg5[%mul3A_2, %dma_wait3A_17] : memref<2048x1024xf32, #tpu.memory_space<hbm>> -> memref<64x1024xf32, #tpu.memory_space<hbm>>
      %dma_wait3A_19 = arith.constant 0 : i32
      %dma_wait3A_20 = tpu.memref_slice %arg5[%mul3A_2, %dma_wait3A_19] : memref<2048x1024xf32, #tpu.memory_space<hbm>> -> memref<64x1024xf32, #tpu.memory_space<hbm>>
      tpu.wait_dma2 semaphore(%run_scoped3A : memref<!tpu.dma_semaphore, #tpu.memory_space<semaphore_mem>>) src(%arg9 : memref<64x1024xf32, #tpu.memory_space<vmem>>) dst(%dma_wait3A_20 : memref<64x1024xf32, #tpu.memory_space<hbm>>)
      tpu.yield
    }) : () -> ()
    %dma_start3A_7 = arith.constant 0 : i32
    %dma_start3A_8 = arith.constant 0 : i32
    %dma_start3A_9 = tpu.memref_slice %arg2[%dma_start3A_7, %dma_start3A_8] : memref<6144x1024xf32, #tpu.memory_space<hbm>> -> memref<6144x1024xf32, #tpu.memory_space<hbm>>
    tpu.enqueue_indirect_dma source(%dma_start3A_9 : memref<6144x1024xf32, #tpu.memory_space<hbm>>) target(%arg9 : memref<64x1024xf32, #tpu.memory_space<vmem>>) offsets(%arg8 : memref<64xi32, #tpu.memory_space<vmem>>) semaphore(%arg10 : memref<!tpu.dma_semaphore, #tpu.memory_space<semaphore_mem>>)
    %dma_wait3A_10 = arith.constant 0 : i32
    %dma_wait3A_11 = arith.constant 0 : i32
    %dma_wait3A_12 = tpu.memref_slice %arg2[%dma_wait3A_10, %dma_wait3A_11] : memref<6144x1024xf32, #tpu.memory_space<hbm>> -> memref<6144x1024xf32, #tpu.memory_space<hbm>>
    tpu.wait_indirect_dma semaphore(%arg10 : memref<!tpu.dma_semaphore, #tpu.memory_space<semaphore_mem>>) src(%dma_wait3A_12 : memref<6144x1024xf32, #tpu.memory_space<hbm>>) dst(%arg9 : memref<64x1024xf32, #tpu.memory_space<vmem>>)
    "tpu.region"() ({
      %run_scoped3A = tpu.sem_alloc : memref<!tpu.dma_semaphore, #tpu.memory_space<semaphore_mem>>
      %dma_start3A_13 = arith.constant 0 : i32
      %dma_start3A_14 = tpu.memref_slice %arg6[%mul3A_2, %dma_start3A_13] : memref<2048x1024xf32, #tpu.memory_space<hbm>> -> memref<64x1024xf32, #tpu.memory_space<hbm>>
      %dma_start3A_15 = arith.constant 0 : i32
      %dma_start3A_16 = tpu.memref_slice %arg6[%mul3A_2, %dma_start3A_15] : memref<2048x1024xf32, #tpu.memory_space<hbm>> -> memref<64x1024xf32, #tpu.memory_space<hbm>>
      tpu.enqueue_dma source(%arg9 : memref<64x1024xf32, #tpu.memory_space<vmem>>) target(%dma_start3A_16 : memref<64x1024xf32, #tpu.memory_space<hbm>>) target_semaphore(%run_scoped3A : memref<!tpu.dma_semaphore, #tpu.memory_space<semaphore_mem>>)
      %dma_wait3A_17 = arith.constant 0 : i32
      %dma_wait3A_18 = tpu.memref_slice %arg6[%mul3A_2, %dma_wait3A_17] : memref<2048x1024xf32, #tpu.memory_space<hbm>> -> memref<64x1024xf32, #tpu.memory_space<hbm>>
      %dma_wait3A_19 = arith.constant 0 : i32
      %dma_wait3A_20 = tpu.memref_slice %arg6[%mul3A_2, %dma_wait3A_19] : memref<2048x1024xf32, #tpu.memory_space<hbm>> -> memref<64x1024xf32, #tpu.memory_space<hbm>>
      tpu.wait_dma2 semaphore(%run_scoped3A : memref<!tpu.dma_semaphore, #tpu.memory_space<semaphore_mem>>) src(%arg9 : memref<64x1024xf32, #tpu.memory_space<vmem>>) dst(%dma_wait3A_20 : memref<64x1024xf32, #tpu.memory_space<hbm>>)
      tpu.yield
    }) : () -> ()
    return
  }
}

#map = affine_map<(d0, d1) -> (0, 0)>
#map1 = affine_map<(d0, d1) -> (0)>
module attributes {stable_mosaic.version = 14 : i64} {
  func.func @disp(%arg0: i32, %arg1: i32, %arg2: memref<2048x1024xf32, #tpu.memory_space<hbm>>, %arg3: memref<2048xi32, #tpu.memory_space<hbm>>, %arg4: memref<2048xi32, #tpu.memory_space<hbm>>, %arg5: memref<2048x128xf32, #tpu.memory_space<hbm>>, %arg6: memref<2048x128xf32, #tpu.memory_space<hbm>>, %arg7: memref<6144x1024xf32, #tpu.memory_space<hbm>>, %arg8: memref<6144x128xf32, #tpu.memory_space<hbm>>, %arg9: memref<64xi32, #tpu.memory_space<vmem>>, %arg10: memref<64xi32, #tpu.memory_space<vmem>>, %arg11: memref<64x1024xf32, #tpu.memory_space<vmem>>, %arg12: memref<64x128xf32, #tpu.memory_space<vmem>>, %arg13: memref<64x128xf32, #tpu.memory_space<vmem>>, %arg14: memref<!tpu.dma_semaphore, #tpu.memory_space<semaphore_mem>>) attributes {dimension_semantics = [#tpu.dimension_semantics<core_parallel>, #tpu.dimension_semantics<subcore_parallel>], iteration_bounds = array<i64: 2, 16>, scalar_prefetch = 0 : i64, scratch_operands = 6 : i64, tpu.core_type = #tpu.core_type<sc_vector_subcore>, window_params = [{transform_indices = #map}, {transform_indices = #map1}, {transform_indices = #map1}, {transform_indices = #map}, {transform_indices = #map}, {transform_indices = #map}, {transform_indices = #map}]} {
    %mul3A = arith.constant 2 : i32
    %mul3A_0 = arith.muli %arg1, %mul3A : i32
    %add3A = arith.addi %mul3A_0, %arg0 : i32
    %mul3A_1 = arith.constant 64 : i32
    %mul3A_2 = arith.muli %add3A, %mul3A_1 : i32
    "tpu.region"() ({
      %run_scoped3A = tpu.sem_alloc : memref<!tpu.dma_semaphore, #tpu.memory_space<semaphore_mem>>
      %dma_start3A_25 = tpu.memref_slice %arg3[%mul3A_2] : memref<2048xi32, #tpu.memory_space<hbm>> -> memref<64xi32, #tpu.memory_space<hbm>>
      %dma_start3A_26 = tpu.memref_slice %arg3[%mul3A_2] : memref<2048xi32, #tpu.memory_space<hbm>> -> memref<64xi32, #tpu.memory_space<hbm>>
      tpu.enqueue_dma source(%dma_start3A_26 : memref<64xi32, #tpu.memory_space<hbm>>) target(%arg9 : memref<64xi32, #tpu.memory_space<vmem>>) target_semaphore(%run_scoped3A : memref<!tpu.dma_semaphore, #tpu.memory_space<semaphore_mem>>)
      %dma_wait3A_27 = tpu.memref_slice %arg3[%mul3A_2] : memref<2048xi32, #tpu.memory_space<hbm>> -> memref<64xi32, #tpu.memory_space<hbm>>
      %dma_wait3A_28 = tpu.memref_slice %arg3[%mul3A_2] : memref<2048xi32, #tpu.memory_space<hbm>> -> memref<64xi32, #tpu.memory_space<hbm>>
      tpu.wait_dma2 semaphore(%run_scoped3A : memref<!tpu.dma_semaphore, #tpu.memory_space<semaphore_mem>>) src(%dma_wait3A_28 : memref<64xi32, #tpu.memory_space<hbm>>) dst(%arg9 : memref<64xi32, #tpu.memory_space<vmem>>)
      tpu.yield
    }) : () -> ()
    "tpu.region"() ({
      %run_scoped3A = tpu.sem_alloc : memref<!tpu.dma_semaphore, #tpu.memory_space<semaphore_mem>>
      %dma_start3A_25 = tpu.memref_slice %arg4[%mul3A_2] : memref<2048xi32, #tpu.memory_space<hbm>> -> memref<64xi32, #tpu.memory_space<hbm>>
      %dma_start3A_26 = tpu.memref_slice %arg4[%mul3A_2] : memref<2048xi32, #tpu.memory_space<hbm>> -> memref<64xi32, #tpu.memory_space<hbm>>
      tpu.enqueue_dma source(%dma_start3A_26 : memref<64xi32, #tpu.memory_space<hbm>>) target(%arg10 : memref<64xi32, #tpu.memory_space<vmem>>) target_semaphore(%run_scoped3A : memref<!tpu.dma_semaphore, #tpu.memory_space<semaphore_mem>>)
      %dma_wait3A_27 = tpu.memref_slice %arg4[%mul3A_2] : memref<2048xi32, #tpu.memory_space<hbm>> -> memref<64xi32, #tpu.memory_space<hbm>>
      %dma_wait3A_28 = tpu.memref_slice %arg4[%mul3A_2] : memref<2048xi32, #tpu.memory_space<hbm>> -> memref<64xi32, #tpu.memory_space<hbm>>
      tpu.wait_dma2 semaphore(%run_scoped3A : memref<!tpu.dma_semaphore, #tpu.memory_space<semaphore_mem>>) src(%dma_wait3A_28 : memref<64xi32, #tpu.memory_space<hbm>>) dst(%arg10 : memref<64xi32, #tpu.memory_space<vmem>>)
      tpu.yield
    }) : () -> ()
    "tpu.region"() ({
      %run_scoped3A = tpu.sem_alloc : memref<!tpu.dma_semaphore, #tpu.memory_space<semaphore_mem>>
      %dma_start3A_25 = arith.constant 0 : i32
      %dma_start3A_26 = tpu.memref_slice %arg5[%mul3A_2, %dma_start3A_25] : memref<2048x128xf32, #tpu.memory_space<hbm>> -> memref<64x128xf32, #tpu.memory_space<hbm>>
      %dma_start3A_27 = arith.constant 0 : i32
      %dma_start3A_28 = tpu.memref_slice %arg5[%mul3A_2, %dma_start3A_27] : memref<2048x128xf32, #tpu.memory_space<hbm>> -> memref<64x128xf32, #tpu.memory_space<hbm>>
      tpu.enqueue_dma source(%dma_start3A_28 : memref<64x128xf32, #tpu.memory_space<hbm>>) target(%arg12 : memref<64x128xf32, #tpu.memory_space<vmem>>) target_semaphore(%run_scoped3A : memref<!tpu.dma_semaphore, #tpu.memory_space<semaphore_mem>>)
      %dma_wait3A_29 = arith.constant 0 : i32
      %dma_wait3A_30 = tpu.memref_slice %arg5[%mul3A_2, %dma_wait3A_29] : memref<2048x128xf32, #tpu.memory_space<hbm>> -> memref<64x128xf32, #tpu.memory_space<hbm>>
      %dma_wait3A_31 = arith.constant 0 : i32
      %dma_wait3A_32 = tpu.memref_slice %arg5[%mul3A_2, %dma_wait3A_31] : memref<2048x128xf32, #tpu.memory_space<hbm>> -> memref<64x128xf32, #tpu.memory_space<hbm>>
      tpu.wait_dma2 semaphore(%run_scoped3A : memref<!tpu.dma_semaphore, #tpu.memory_space<semaphore_mem>>) src(%dma_wait3A_32 : memref<64x128xf32, #tpu.memory_space<hbm>>) dst(%arg12 : memref<64x128xf32, #tpu.memory_space<vmem>>)
      tpu.yield
    }) : () -> ()
    "tpu.region"() ({
      %run_scoped3A = tpu.sem_alloc : memref<!tpu.dma_semaphore, #tpu.memory_space<semaphore_mem>>
      %dma_start3A_25 = arith.constant 0 : i32
      %dma_start3A_26 = tpu.memref_slice %arg6[%mul3A_2, %dma_start3A_25] : memref<2048x128xf32, #tpu.memory_space<hbm>> -> memref<64x128xf32, #tpu.memory_space<hbm>>
      %dma_start3A_27 = arith.constant 0 : i32
      %dma_start3A_28 = tpu.memref_slice %arg6[%mul3A_2, %dma_start3A_27] : memref<2048x128xf32, #tpu.memory_space<hbm>> -> memref<64x128xf32, #tpu.memory_space<hbm>>
      tpu.enqueue_dma source(%dma_start3A_28 : memref<64x128xf32, #tpu.memory_space<hbm>>) target(%arg13 : memref<64x128xf32, #tpu.memory_space<vmem>>) target_semaphore(%run_scoped3A : memref<!tpu.dma_semaphore, #tpu.memory_space<semaphore_mem>>)
      %dma_wait3A_29 = arith.constant 0 : i32
      %dma_wait3A_30 = tpu.memref_slice %arg6[%mul3A_2, %dma_wait3A_29] : memref<2048x128xf32, #tpu.memory_space<hbm>> -> memref<64x128xf32, #tpu.memory_space<hbm>>
      %dma_wait3A_31 = arith.constant 0 : i32
      %dma_wait3A_32 = tpu.memref_slice %arg6[%mul3A_2, %dma_wait3A_31] : memref<2048x128xf32, #tpu.memory_space<hbm>> -> memref<64x128xf32, #tpu.memory_space<hbm>>
      tpu.wait_dma2 semaphore(%run_scoped3A : memref<!tpu.dma_semaphore, #tpu.memory_space<semaphore_mem>>) src(%dma_wait3A_32 : memref<64x128xf32, #tpu.memory_space<hbm>>) dst(%arg13 : memref<64x128xf32, #tpu.memory_space<vmem>>)
      tpu.yield
    }) : () -> ()
    "tpu.region"() ({
      %run_scoped3A = tpu.sem_alloc : memref<!tpu.dma_semaphore, #tpu.memory_space<semaphore_mem>>
      %dma_start3A_25 = arith.constant 0 : i32
      %dma_start3A_26 = tpu.memref_slice %arg2[%mul3A_2, %dma_start3A_25] : memref<2048x1024xf32, #tpu.memory_space<hbm>> -> memref<64x1024xf32, #tpu.memory_space<hbm>>
      %dma_start3A_27 = arith.constant 0 : i32
      %dma_start3A_28 = tpu.memref_slice %arg2[%mul3A_2, %dma_start3A_27] : memref<2048x1024xf32, #tpu.memory_space<hbm>> -> memref<64x1024xf32, #tpu.memory_space<hbm>>
      tpu.enqueue_dma source(%dma_start3A_28 : memref<64x1024xf32, #tpu.memory_space<hbm>>) target(%arg11 : memref<64x1024xf32, #tpu.memory_space<vmem>>) target_semaphore(%run_scoped3A : memref<!tpu.dma_semaphore, #tpu.memory_space<semaphore_mem>>)
      %dma_wait3A_29 = arith.constant 0 : i32
      %dma_wait3A_30 = tpu.memref_slice %arg2[%mul3A_2, %dma_wait3A_29] : memref<2048x1024xf32, #tpu.memory_space<hbm>> -> memref<64x1024xf32, #tpu.memory_space<hbm>>
      %dma_wait3A_31 = arith.constant 0 : i32
      %dma_wait3A_32 = tpu.memref_slice %arg2[%mul3A_2, %dma_wait3A_31] : memref<2048x1024xf32, #tpu.memory_space<hbm>> -> memref<64x1024xf32, #tpu.memory_space<hbm>>
      tpu.wait_dma2 semaphore(%run_scoped3A : memref<!tpu.dma_semaphore, #tpu.memory_space<semaphore_mem>>) src(%dma_wait3A_32 : memref<64x1024xf32, #tpu.memory_space<hbm>>) dst(%arg11 : memref<64x1024xf32, #tpu.memory_space<vmem>>)
      tpu.yield
    }) : () -> ()
    %dma_start3A = arith.constant 0 : i32
    %dma_start3A_3 = arith.constant 0 : i32
    %dma_start3A_4 = tpu.memref_slice %arg7[%dma_start3A, %dma_start3A_3] : memref<6144x1024xf32, #tpu.memory_space<hbm>> -> memref<6144x1024xf32, #tpu.memory_space<hbm>>
    tpu.enqueue_indirect_dma source(%arg11 : memref<64x1024xf32, #tpu.memory_space<vmem>>) target(%dma_start3A_4 : memref<6144x1024xf32, #tpu.memory_space<hbm>>) offsets(%arg9 : memref<64xi32, #tpu.memory_space<vmem>>) semaphore(%arg14 : memref<!tpu.dma_semaphore, #tpu.memory_space<semaphore_mem>>)
    %dma_wait3A = arith.constant 0 : i32
    %dma_wait3A_5 = arith.constant 0 : i32
    %dma_wait3A_6 = tpu.memref_slice %arg7[%dma_wait3A, %dma_wait3A_5] : memref<6144x1024xf32, #tpu.memory_space<hbm>> -> memref<6144x1024xf32, #tpu.memory_space<hbm>>
    tpu.wait_indirect_dma semaphore(%arg14 : memref<!tpu.dma_semaphore, #tpu.memory_space<semaphore_mem>>) src(%arg11 : memref<64x1024xf32, #tpu.memory_space<vmem>>) dst(%dma_wait3A_6 : memref<6144x1024xf32, #tpu.memory_space<hbm>>)
    %dma_start3A_7 = arith.constant 0 : i32
    %dma_start3A_8 = arith.constant 0 : i32
    %dma_start3A_9 = tpu.memref_slice %arg7[%dma_start3A_7, %dma_start3A_8] : memref<6144x1024xf32, #tpu.memory_space<hbm>> -> memref<6144x1024xf32, #tpu.memory_space<hbm>>
    tpu.enqueue_indirect_dma source(%arg11 : memref<64x1024xf32, #tpu.memory_space<vmem>>) target(%dma_start3A_9 : memref<6144x1024xf32, #tpu.memory_space<hbm>>) offsets(%arg10 : memref<64xi32, #tpu.memory_space<vmem>>) semaphore(%arg14 : memref<!tpu.dma_semaphore, #tpu.memory_space<semaphore_mem>>)
    %dma_wait3A_10 = arith.constant 0 : i32
    %dma_wait3A_11 = arith.constant 0 : i32
    %dma_wait3A_12 = tpu.memref_slice %arg7[%dma_wait3A_10, %dma_wait3A_11] : memref<6144x1024xf32, #tpu.memory_space<hbm>> -> memref<6144x1024xf32, #tpu.memory_space<hbm>>
    tpu.wait_indirect_dma semaphore(%arg14 : memref<!tpu.dma_semaphore, #tpu.memory_space<semaphore_mem>>) src(%arg11 : memref<64x1024xf32, #tpu.memory_space<vmem>>) dst(%dma_wait3A_12 : memref<6144x1024xf32, #tpu.memory_space<hbm>>)
    %dma_start3A_13 = arith.constant 0 : i32
    %dma_start3A_14 = arith.constant 0 : i32
    %dma_start3A_15 = tpu.memref_slice %arg8[%dma_start3A_13, %dma_start3A_14] : memref<6144x128xf32, #tpu.memory_space<hbm>> -> memref<6144x128xf32, #tpu.memory_space<hbm>>
    tpu.enqueue_indirect_dma source(%arg12 : memref<64x128xf32, #tpu.memory_space<vmem>>) target(%dma_start3A_15 : memref<6144x128xf32, #tpu.memory_space<hbm>>) offsets(%arg9 : memref<64xi32, #tpu.memory_space<vmem>>) semaphore(%arg14 : memref<!tpu.dma_semaphore, #tpu.memory_space<semaphore_mem>>)
    %dma_wait3A_16 = arith.constant 0 : i32
    %dma_wait3A_17 = arith.constant 0 : i32
    %dma_wait3A_18 = tpu.memref_slice %arg8[%dma_wait3A_16, %dma_wait3A_17] : memref<6144x128xf32, #tpu.memory_space<hbm>> -> memref<6144x128xf32, #tpu.memory_space<hbm>>
    tpu.wait_indirect_dma semaphore(%arg14 : memref<!tpu.dma_semaphore, #tpu.memory_space<semaphore_mem>>) src(%arg12 : memref<64x128xf32, #tpu.memory_space<vmem>>) dst(%dma_wait3A_18 : memref<6144x128xf32, #tpu.memory_space<hbm>>)
    %dma_start3A_19 = arith.constant 0 : i32
    %dma_start3A_20 = arith.constant 0 : i32
    %dma_start3A_21 = tpu.memref_slice %arg8[%dma_start3A_19, %dma_start3A_20] : memref<6144x128xf32, #tpu.memory_space<hbm>> -> memref<6144x128xf32, #tpu.memory_space<hbm>>
    tpu.enqueue_indirect_dma source(%arg13 : memref<64x128xf32, #tpu.memory_space<vmem>>) target(%dma_start3A_21 : memref<6144x128xf32, #tpu.memory_space<hbm>>) offsets(%arg10 : memref<64xi32, #tpu.memory_space<vmem>>) semaphore(%arg14 : memref<!tpu.dma_semaphore, #tpu.memory_space<semaphore_mem>>)
    %dma_wait3A_22 = arith.constant 0 : i32
    %dma_wait3A_23 = arith.constant 0 : i32
    %dma_wait3A_24 = tpu.memref_slice %arg8[%dma_wait3A_22, %dma_wait3A_23] : memref<6144x128xf32, #tpu.memory_space<hbm>> -> memref<6144x128xf32, #tpu.memory_space<hbm>>
    tpu.wait_indirect_dma semaphore(%arg14 : memref<!tpu.dma_semaphore, #tpu.memory_space<semaphore_mem>>) src(%arg13 : memref<64x128xf32, #tpu.memory_space<vmem>>) dst(%dma_wait3A_24 : memref<6144x128xf32, #tpu.memory_space<hbm>>)
    return
  }
}

#map = affine_map<(d0, d1) -> (0, 0)>
#map1 = affine_map<(d0, d1) -> (0)>
module attributes {stable_mosaic.version = 14 : i64} {
  func.func @comb(%arg0: i32, %arg1: i32, %arg2: memref<6144x1024xf32, #tpu.memory_space<hbm>>, %arg3: memref<2048xi32, #tpu.memory_space<hbm>>, %arg4: memref<2048xi32, #tpu.memory_space<hbm>>, %arg5: memref<2048x1024xf32, #tpu.memory_space<hbm>>, %arg6: memref<2048x1024xf32, #tpu.memory_space<hbm>>, %arg7: memref<64xi32, #tpu.memory_space<vmem>>, %arg8: memref<64xi32, #tpu.memory_space<vmem>>, %arg9: memref<64x1024xf32, #tpu.memory_space<vmem>>, %arg10: memref<!tpu.dma_semaphore, #tpu.memory_space<semaphore_mem>>) attributes {dimension_semantics = [#tpu.dimension_semantics<core_parallel>, #tpu.dimension_semantics<subcore_parallel>], iteration_bounds = array<i64: 2, 16>, scalar_prefetch = 0 : i64, scratch_operands = 4 : i64, tpu.core_type = #tpu.core_type<sc_vector_subcore>, window_params = [{transform_indices = #map}, {transform_indices = #map1}, {transform_indices = #map1}, {transform_indices = #map}, {transform_indices = #map}]} {
    %mul3A = arith.constant 2 : i32
    %mul3A_0 = arith.muli %arg1, %mul3A : i32
    %add3A = arith.addi %mul3A_0, %arg0 : i32
    %mul3A_1 = arith.constant 64 : i32
    %mul3A_2 = arith.muli %add3A, %mul3A_1 : i32
    "tpu.region"() ({
      %run_scoped3A = tpu.sem_alloc : memref<!tpu.dma_semaphore, #tpu.memory_space<semaphore_mem>>
      %dma_start3A_13 = tpu.memref_slice %arg3[%mul3A_2] : memref<2048xi32, #tpu.memory_space<hbm>> -> memref<64xi32, #tpu.memory_space<hbm>>
      %dma_start3A_14 = tpu.memref_slice %arg3[%mul3A_2] : memref<2048xi32, #tpu.memory_space<hbm>> -> memref<64xi32, #tpu.memory_space<hbm>>
      tpu.enqueue_dma source(%dma_start3A_14 : memref<64xi32, #tpu.memory_space<hbm>>) target(%arg7 : memref<64xi32, #tpu.memory_space<vmem>>) target_semaphore(%run_scoped3A : memref<!tpu.dma_semaphore, #tpu.memory_space<semaphore_mem>>)
      %dma_wait3A_15 = tpu.memref_slice %arg3[%mul3A_2] : memref<2048xi32, #tpu.memory_space<hbm>> -> memref<64xi32, #tpu.memory_space<hbm>>
      %dma_wait3A_16 = tpu.memref_slice %arg3[%mul3A_2] : memref<2048xi32, #tpu.memory_space<hbm>> -> memref<64xi32, #tpu.memory_space<hbm>>
      tpu.wait_dma2 semaphore(%run_scoped3A : memref<!tpu.dma_semaphore, #tpu.memory_space<semaphore_mem>>) src(%dma_wait3A_16 : memref<64xi32, #tpu.memory_space<hbm>>) dst(%arg7 : memref<64xi32, #tpu.memory_space<vmem>>)
      tpu.yield
    }) : () -> ()
    "tpu.region"() ({
      %run_scoped3A = tpu.sem_alloc : memref<!tpu.dma_semaphore, #tpu.memory_space<semaphore_mem>>
      %dma_start3A_13 = tpu.memref_slice %arg4[%mul3A_2] : memref<2048xi32, #tpu.memory_space<hbm>> -> memref<64xi32, #tpu.memory_space<hbm>>
      %dma_start3A_14 = tpu.memref_slice %arg4[%mul3A_2] : memref<2048xi32, #tpu.memory_space<hbm>> -> memref<64xi32, #tpu.memory_space<hbm>>
      tpu.enqueue_dma source(%dma_start3A_14 : memref<64xi32, #tpu.memory_space<hbm>>) target(%arg8 : memref<64xi32, #tpu.memory_space<vmem>>) target_semaphore(%run_scoped3A : memref<!tpu.dma_semaphore, #tpu.memory_space<semaphore_mem>>)
      %dma_wait3A_15 = tpu.memref_slice %arg4[%mul3A_2] : memref<2048xi32, #tpu.memory_space<hbm>> -> memref<64xi32, #tpu.memory_space<hbm>>
      %dma_wait3A_16 = tpu.memref_slice %arg4[%mul3A_2] : memref<2048xi32, #tpu.memory_space<hbm>> -> memref<64xi32, #tpu.memory_space<hbm>>
      tpu.wait_dma2 semaphore(%run_scoped3A : memref<!tpu.dma_semaphore, #tpu.memory_space<semaphore_mem>>) src(%dma_wait3A_16 : memref<64xi32, #tpu.memory_space<hbm>>) dst(%arg8 : memref<64xi32, #tpu.memory_space<vmem>>)
      tpu.yield
    }) : () -> ()
    %dma_start3A = arith.constant 0 : i32
    %dma_start3A_3 = arith.constant 0 : i32
    %dma_start3A_4 = tpu.memref_slice %arg2[%dma_start3A, %dma_start3A_3] : memref<6144x1024xf32, #tpu.memory_space<hbm>> -> memref<6144x1024xf32, #tpu.memory_space<hbm>>
    tpu.enqueue_indirect_dma source(%dma_start3A_4 : memref<6144x1024xf32, #tpu.memory_space<hbm>>) target(%arg9 : memref<64x1024xf32, #tpu.memory_space<vmem>>) offsets(%arg7 : memref<64xi32, #tpu.memory_space<vmem>>) semaphore(%arg10 : memref<!tpu.dma_semaphore, #tpu.memory_space<semaphore_mem>>)
    %dma_wait3A = arith.constant 0 : i32
    %dma_wait3A_5 = arith.constant 0 : i32
    %dma_wait3A_6 = tpu.memref_slice %arg2[%dma_wait3A, %dma_wait3A_5] : memref<6144x1024xf32, #tpu.memory_space<hbm>> -> memref<6144x1024xf32, #tpu.memory_space<hbm>>
    tpu.wait_indirect_dma semaphore(%arg10 : memref<!tpu.dma_semaphore, #tpu.memory_space<semaphore_mem>>) src(%dma_wait3A_6 : memref<6144x1024xf32, #tpu.memory_space<hbm>>) dst(%arg9 : memref<64x1024xf32, #tpu.memory_space<vmem>>)
    "tpu.region"() ({
      %run_scoped3A = tpu.sem_alloc : memref<!tpu.dma_semaphore, #tpu.memory_space<semaphore_mem>>
      %dma_start3A_13 = arith.constant 0 : i32
      %dma_start3A_14 = tpu.memref_slice %arg5[%mul3A_2, %dma_start3A_13] : memref<2048x1024xf32, #tpu.memory_space<hbm>> -> memref<64x1024xf32, #tpu.memory_space<hbm>>
      %dma_start3A_15 = arith.constant 0 : i32
      %dma_start3A_16 = tpu.memref_slice %arg5[%mul3A_2, %dma_start3A_15] : memref<2048x1024xf32, #tpu.memory_space<hbm>> -> memref<64x1024xf32, #tpu.memory_space<hbm>>
      tpu.enqueue_dma source(%arg9 : memref<64x1024xf32, #tpu.memory_space<vmem>>) target(%dma_start3A_16 : memref<64x1024xf32, #tpu.memory_space<hbm>>) target_semaphore(%run_scoped3A : memref<!tpu.dma_semaphore, #tpu.memory_space<semaphore_mem>>)
      %dma_wait3A_17 = arith.constant 0 : i32
      %dma_wait3A_18 = tpu.memref_slice %arg5[%mul3A_2, %dma_wait3A_17] : memref<2048x1024xf32, #tpu.memory_space<hbm>> -> memref<64x1024xf32, #tpu.memory_space<hbm>>
      %dma_wait3A_19 = arith.constant 0 : i32
      %dma_wait3A_20 = tpu.memref_slice %arg5[%mul3A_2, %dma_wait3A_19] : memref<2048x1024xf32, #tpu.memory_space<hbm>> -> memref<64x1024xf32, #tpu.memory_space<hbm>>
      tpu.wait_dma2 semaphore(%run_scoped3A : memref<!tpu.dma_semaphore, #tpu.memory_space<semaphore_mem>>) src(%arg9 : memref<64x1024xf32, #tpu.memory_space<vmem>>) dst(%dma_wait3A_20 : memref<64x1024xf32, #tpu.memory_space<hbm>>)
      tpu.yield
    }) : () -> ()
    %dma_start3A_7 = arith.constant 0 : i32
    %dma_start3A_8 = arith.constant 0 : i32
    %dma_start3A_9 = tpu.memref_slice %arg2[%dma_start3A_7, %dma_start3A_8] : memref<6144x1024xf32, #tpu.memory_space<hbm>> -> memref<6144x1024xf32, #tpu.memory_space<hbm>>
    tpu.enqueue_indirect_dma source(%dma_start3A_9 : memref<6144x1024xf32, #tpu.memory_space<hbm>>) target(%arg9 : memref<64x1024xf32, #tpu.memory_space<vmem>>) offsets(%arg8 : memref<64xi32, #tpu.memory_space<vmem>>) semaphore(%arg10 : memref<!tpu.dma_semaphore, #tpu.memory_space<semaphore_mem>>)
    %dma_wait3A_10 = arith.constant 0 : i32
    %dma_wait3A_11 = arith.constant 0 : i32
    %dma_wait3A_12 = tpu.memref_slice %arg2[%dma_wait3A_10, %dma_wait3A_11] : memref<6144x1024xf32, #tpu.memory_space<hbm>> -> memref<6144x1024xf32, #tpu.memory_space<hbm>>
    tpu.wait_indirect_dma semaphore(%arg10 : memref<!tpu.dma_semaphore, #tpu.memory_space<semaphore_mem>>) src(%dma_wait3A_12 : memref<6144x1024xf32, #tpu.memory_space<hbm>>) dst(%arg9 : memref<64x1024xf32, #tpu.memory_space<vmem>>)
    "tpu.region"() ({
      %run_scoped3A = tpu.sem_alloc : memref<!tpu.dma_semaphore, #tpu.memory_space<semaphore_mem>>
      %dma_start3A_13 = arith.constant 0 : i32
      %dma_start3A_14 = tpu.memref_slice %arg6[%mul3A_2, %dma_start3A_13] : memref<2048x1024xf32, #tpu.memory_space<hbm>> -> memref<64x1024xf32, #tpu.memory_space<hbm>>
      %dma_start3A_15 = arith.constant 0 : i32
      %dma_start3A_16 = tpu.memref_slice %arg6[%mul3A_2, %dma_start3A_15] : memref<2048x1024xf32, #tpu.memory_space<hbm>> -> memref<64x1024xf32, #tpu.memory_space<hbm>>
      tpu.enqueue_dma source(%arg9 : memref<64x1024xf32, #tpu.memory_space<vmem>>) target(%dma_start3A_16 : memref<64x1024xf32, #tpu.memory_space<hbm>>) target_semaphore(%run_scoped3A : memref<!tpu.dma_semaphore, #tpu.memory_space<semaphore_mem>>)
      %dma_wait3A_17 = arith.constant 0 : i32
      %dma_wait3A_18 = tpu.memref_slice %arg6[%mul3A_2, %dma_wait3A_17] : memref<2048x1024xf32, #tpu.memory_space<hbm>> -> memref<64x1024xf32, #tpu.memory_space<hbm>>
      %dma_wait3A_19 = arith.constant 0 : i32
      %dma_wait3A_20 = tpu.memref_slice %arg6[%mul3A_2, %dma_wait3A_19] : memref<2048x1024xf32, #tpu.memory_space<hbm>> -> memref<64x1024xf32, #tpu.memory_space<hbm>>
      tpu.wait_dma2 semaphore(%run_scoped3A : memref<!tpu.dma_semaphore, #tpu.memory_space<semaphore_mem>>) src(%arg9 : memref<64x1024xf32, #tpu.memory_space<vmem>>) dst(%dma_wait3A_20 : memref<64x1024xf32, #tpu.memory_space<hbm>>)
      tpu.yield
    }) : () -> ()
    return
  }
}

#map = affine_map<(d0, d1) -> (0, 0)>
#map1 = affine_map<(d0, d1) -> (0)>
module attributes {stable_mosaic.version = 14 : i64} {
  func.func @disp(%arg0: i32, %arg1: i32, %arg2: memref<2048x1024xf32, #tpu.memory_space<hbm>>, %arg3: memref<2048xi32, #tpu.memory_space<hbm>>, %arg4: memref<2048xi32, #tpu.memory_space<hbm>>, %arg5: memref<2048x128xf32, #tpu.memory_space<hbm>>, %arg6: memref<2048x128xf32, #tpu.memory_space<hbm>>, %arg7: memref<6144x1024xf32, #tpu.memory_space<hbm>>, %arg8: memref<6144x128xf32, #tpu.memory_space<hbm>>, %arg9: memref<64xi32, #tpu.memory_space<vmem>>, %arg10: memref<64xi32, #tpu.memory_space<vmem>>, %arg11: memref<64x1024xf32, #tpu.memory_space<vmem>>, %arg12: memref<64x128xf32, #tpu.memory_space<vmem>>, %arg13: memref<64x128xf32, #tpu.memory_space<vmem>>, %arg14: memref<!tpu.dma_semaphore, #tpu.memory_space<semaphore_mem>>) attributes {dimension_semantics = [#tpu.dimension_semantics<core_parallel>, #tpu.dimension_semantics<subcore_parallel>], iteration_bounds = array<i64: 2, 16>, scalar_prefetch = 0 : i64, scratch_operands = 6 : i64, tpu.core_type = #tpu.core_type<sc_vector_subcore>, window_params = [{transform_indices = #map}, {transform_indices = #map1}, {transform_indices = #map1}, {transform_indices = #map}, {transform_indices = #map}, {transform_indices = #map}, {transform_indices = #map}]} {
    %mul3A = arith.constant 2 : i32
    %mul3A_0 = arith.muli %arg1, %mul3A : i32
    %add3A = arith.addi %mul3A_0, %arg0 : i32
    %mul3A_1 = arith.constant 64 : i32
    %mul3A_2 = arith.muli %add3A, %mul3A_1 : i32
    "tpu.region"() ({
      %run_scoped3A = tpu.sem_alloc : memref<!tpu.dma_semaphore, #tpu.memory_space<semaphore_mem>>
      %dma_start3A_25 = tpu.memref_slice %arg3[%mul3A_2] : memref<2048xi32, #tpu.memory_space<hbm>> -> memref<64xi32, #tpu.memory_space<hbm>>
      %dma_start3A_26 = tpu.memref_slice %arg3[%mul3A_2] : memref<2048xi32, #tpu.memory_space<hbm>> -> memref<64xi32, #tpu.memory_space<hbm>>
      tpu.enqueue_dma source(%dma_start3A_26 : memref<64xi32, #tpu.memory_space<hbm>>) target(%arg9 : memref<64xi32, #tpu.memory_space<vmem>>) target_semaphore(%run_scoped3A : memref<!tpu.dma_semaphore, #tpu.memory_space<semaphore_mem>>)
      %dma_wait3A_27 = tpu.memref_slice %arg3[%mul3A_2] : memref<2048xi32, #tpu.memory_space<hbm>> -> memref<64xi32, #tpu.memory_space<hbm>>
      %dma_wait3A_28 = tpu.memref_slice %arg3[%mul3A_2] : memref<2048xi32, #tpu.memory_space<hbm>> -> memref<64xi32, #tpu.memory_space<hbm>>
      tpu.wait_dma2 semaphore(%run_scoped3A : memref<!tpu.dma_semaphore, #tpu.memory_space<semaphore_mem>>) src(%dma_wait3A_28 : memref<64xi32, #tpu.memory_space<hbm>>) dst(%arg9 : memref<64xi32, #tpu.memory_space<vmem>>)
      tpu.yield
    }) : () -> ()
    "tpu.region"() ({
      %run_scoped3A = tpu.sem_alloc : memref<!tpu.dma_semaphore, #tpu.memory_space<semaphore_mem>>
      %dma_start3A_25 = tpu.memref_slice %arg4[%mul3A_2] : memref<2048xi32, #tpu.memory_space<hbm>> -> memref<64xi32, #tpu.memory_space<hbm>>
      %dma_start3A_26 = tpu.memref_slice %arg4[%mul3A_2] : memref<2048xi32, #tpu.memory_space<hbm>> -> memref<64xi32, #tpu.memory_space<hbm>>
      tpu.enqueue_dma source(%dma_start3A_26 : memref<64xi32, #tpu.memory_space<hbm>>) target(%arg10 : memref<64xi32, #tpu.memory_space<vmem>>) target_semaphore(%run_scoped3A : memref<!tpu.dma_semaphore, #tpu.memory_space<semaphore_mem>>)
      %dma_wait3A_27 = tpu.memref_slice %arg4[%mul3A_2] : memref<2048xi32, #tpu.memory_space<hbm>> -> memref<64xi32, #tpu.memory_space<hbm>>
      %dma_wait3A_28 = tpu.memref_slice %arg4[%mul3A_2] : memref<2048xi32, #tpu.memory_space<hbm>> -> memref<64xi32, #tpu.memory_space<hbm>>
      tpu.wait_dma2 semaphore(%run_scoped3A : memref<!tpu.dma_semaphore, #tpu.memory_space<semaphore_mem>>) src(%dma_wait3A_28 : memref<64xi32, #tpu.memory_space<hbm>>) dst(%arg10 : memref<64xi32, #tpu.memory_space<vmem>>)
      tpu.yield
    }) : () -> ()
    "tpu.region"() ({
      %run_scoped3A = tpu.sem_alloc : memref<!tpu.dma_semaphore, #tpu.memory_space<semaphore_mem>>
      %dma_start3A_25 = arith.constant 0 : i32
      %dma_start3A_26 = tpu.memref_slice %arg5[%mul3A_2, %dma_start3A_25] : memref<2048x128xf32, #tpu.memory_space<hbm>> -> memref<64x128xf32, #tpu.memory_space<hbm>>
      %dma_start3A_27 = arith.constant 0 : i32
      %dma_start3A_28 = tpu.memref_slice %arg5[%mul3A_2, %dma_start3A_27] : memref<2048x128xf32, #tpu.memory_space<hbm>> -> memref<64x128xf32, #tpu.memory_space<hbm>>
      tpu.enqueue_dma source(%dma_start3A_28 : memref<64x128xf32, #tpu.memory_space<hbm>>) target(%arg12 : memref<64x128xf32, #tpu.memory_space<vmem>>) target_semaphore(%run_scoped3A : memref<!tpu.dma_semaphore, #tpu.memory_space<semaphore_mem>>)
      %dma_wait3A_29 = arith.constant 0 : i32
      %dma_wait3A_30 = tpu.memref_slice %arg5[%mul3A_2, %dma_wait3A_29] : memref<2048x128xf32, #tpu.memory_space<hbm>> -> memref<64x128xf32, #tpu.memory_space<hbm>>
      %dma_wait3A_31 = arith.constant 0 : i32
      %dma_wait3A_32 = tpu.memref_slice %arg5[%mul3A_2, %dma_wait3A_31] : memref<2048x128xf32, #tpu.memory_space<hbm>> -> memref<64x128xf32, #tpu.memory_space<hbm>>
      tpu.wait_dma2 semaphore(%run_scoped3A : memref<!tpu.dma_semaphore, #tpu.memory_space<semaphore_mem>>) src(%dma_wait3A_32 : memref<64x128xf32, #tpu.memory_space<hbm>>) dst(%arg12 : memref<64x128xf32, #tpu.memory_space<vmem>>)
      tpu.yield
    }) : () -> ()
    "tpu.region"() ({
      %run_scoped3A = tpu.sem_alloc : memref<!tpu.dma_semaphore, #tpu.memory_space<semaphore_mem>>
      %dma_start3A_25 = arith.constant 0 : i32
      %dma_start3A_26 = tpu.memref_slice %arg6[%mul3A_2, %dma_start3A_25] : memref<2048x128xf32, #tpu.memory_space<hbm>> -> memref<64x128xf32, #tpu.memory_space<hbm>>
      %dma_start3A_27 = arith.constant 0 : i32
      %dma_start3A_28 = tpu.memref_slice %arg6[%mul3A_2, %dma_start3A_27] : memref<2048x128xf32, #tpu.memory_space<hbm>> -> memref<64x128xf32, #tpu.memory_space<hbm>>
      tpu.enqueue_dma source(%dma_start3A_28 : memref<64x128xf32, #tpu.memory_space<hbm>>) target(%arg13 : memref<64x128xf32, #tpu.memory_space<vmem>>) target_semaphore(%run_scoped3A : memref<!tpu.dma_semaphore, #tpu.memory_space<semaphore_mem>>)
      %dma_wait3A_29 = arith.constant 0 : i32
      %dma_wait3A_30 = tpu.memref_slice %arg6[%mul3A_2, %dma_wait3A_29] : memref<2048x128xf32, #tpu.memory_space<hbm>> -> memref<64x128xf32, #tpu.memory_space<hbm>>
      %dma_wait3A_31 = arith.constant 0 : i32
      %dma_wait3A_32 = tpu.memref_slice %arg6[%mul3A_2, %dma_wait3A_31] : memref<2048x128xf32, #tpu.memory_space<hbm>> -> memref<64x128xf32, #tpu.memory_space<hbm>>
      tpu.wait_dma2 semaphore(%run_scoped3A : memref<!tpu.dma_semaphore, #tpu.memory_space<semaphore_mem>>) src(%dma_wait3A_32 : memref<64x128xf32, #tpu.memory_space<hbm>>) dst(%arg13 : memref<64x128xf32, #tpu.memory_space<vmem>>)
      tpu.yield
    }) : () -> ()
    "tpu.region"() ({
      %run_scoped3A = tpu.sem_alloc : memref<!tpu.dma_semaphore, #tpu.memory_space<semaphore_mem>>
      %dma_start3A_25 = arith.constant 0 : i32
      %dma_start3A_26 = tpu.memref_slice %arg2[%mul3A_2, %dma_start3A_25] : memref<2048x1024xf32, #tpu.memory_space<hbm>> -> memref<64x1024xf32, #tpu.memory_space<hbm>>
      %dma_start3A_27 = arith.constant 0 : i32
      %dma_start3A_28 = tpu.memref_slice %arg2[%mul3A_2, %dma_start3A_27] : memref<2048x1024xf32, #tpu.memory_space<hbm>> -> memref<64x1024xf32, #tpu.memory_space<hbm>>
      tpu.enqueue_dma source(%dma_start3A_28 : memref<64x1024xf32, #tpu.memory_space<hbm>>) target(%arg11 : memref<64x1024xf32, #tpu.memory_space<vmem>>) target_semaphore(%run_scoped3A : memref<!tpu.dma_semaphore, #tpu.memory_space<semaphore_mem>>)
      %dma_wait3A_29 = arith.constant 0 : i32
      %dma_wait3A_30 = tpu.memref_slice %arg2[%mul3A_2, %dma_wait3A_29] : memref<2048x1024xf32, #tpu.memory_space<hbm>> -> memref<64x1024xf32, #tpu.memory_space<hbm>>
      %dma_wait3A_31 = arith.constant 0 : i32
      %dma_wait3A_32 = tpu.memref_slice %arg2[%mul3A_2, %dma_wait3A_31] : memref<2048x1024xf32, #tpu.memory_space<hbm>> -> memref<64x1024xf32, #tpu.memory_space<hbm>>
      tpu.wait_dma2 semaphore(%run_scoped3A : memref<!tpu.dma_semaphore, #tpu.memory_space<semaphore_mem>>) src(%dma_wait3A_32 : memref<64x1024xf32, #tpu.memory_space<hbm>>) dst(%arg11 : memref<64x1024xf32, #tpu.memory_space<vmem>>)
      tpu.yield
    }) : () -> ()
    %dma_start3A = arith.constant 0 : i32
    %dma_start3A_3 = arith.constant 0 : i32
    %dma_start3A_4 = tpu.memref_slice %arg7[%dma_start3A, %dma_start3A_3] : memref<6144x1024xf32, #tpu.memory_space<hbm>> -> memref<6144x1024xf32, #tpu.memory_space<hbm>>
    tpu.enqueue_indirect_dma source(%arg11 : memref<64x1024xf32, #tpu.memory_space<vmem>>) target(%dma_start3A_4 : memref<6144x1024xf32, #tpu.memory_space<hbm>>) offsets(%arg9 : memref<64xi32, #tpu.memory_space<vmem>>) semaphore(%arg14 : memref<!tpu.dma_semaphore, #tpu.memory_space<semaphore_mem>>)
    %dma_wait3A = arith.constant 0 : i32
    %dma_wait3A_5 = arith.constant 0 : i32
    %dma_wait3A_6 = tpu.memref_slice %arg7[%dma_wait3A, %dma_wait3A_5] : memref<6144x1024xf32, #tpu.memory_space<hbm>> -> memref<6144x1024xf32, #tpu.memory_space<hbm>>
    tpu.wait_indirect_dma semaphore(%arg14 : memref<!tpu.dma_semaphore, #tpu.memory_space<semaphore_mem>>) src(%arg11 : memref<64x1024xf32, #tpu.memory_space<vmem>>) dst(%dma_wait3A_6 : memref<6144x1024xf32, #tpu.memory_space<hbm>>)
    %dma_start3A_7 = arith.constant 0 : i32
    %dma_start3A_8 = arith.constant 0 : i32
    %dma_start3A_9 = tpu.memref_slice %arg7[%dma_start3A_7, %dma_start3A_8] : memref<6144x1024xf32, #tpu.memory_space<hbm>> -> memref<6144x1024xf32, #tpu.memory_space<hbm>>
    tpu.enqueue_indirect_dma source(%arg11 : memref<64x1024xf32, #tpu.memory_space<vmem>>) target(%dma_start3A_9 : memref<6144x1024xf32, #tpu.memory_space<hbm>>) offsets(%arg10 : memref<64xi32, #tpu.memory_space<vmem>>) semaphore(%arg14 : memref<!tpu.dma_semaphore, #tpu.memory_space<semaphore_mem>>)
    %dma_wait3A_10 = arith.constant 0 : i32
    %dma_wait3A_11 = arith.constant 0 : i32
    %dma_wait3A_12 = tpu.memref_slice %arg7[%dma_wait3A_10, %dma_wait3A_11] : memref<6144x1024xf32, #tpu.memory_space<hbm>> -> memref<6144x1024xf32, #tpu.memory_space<hbm>>
    tpu.wait_indirect_dma semaphore(%arg14 : memref<!tpu.dma_semaphore, #tpu.memory_space<semaphore_mem>>) src(%arg11 : memref<64x1024xf32, #tpu.memory_space<vmem>>) dst(%dma_wait3A_12 : memref<6144x1024xf32, #tpu.memory_space<hbm>>)
    %dma_start3A_13 = arith.constant 0 : i32
    %dma_start3A_14 = arith.constant 0 : i32
    %dma_start3A_15 = tpu.memref_slice %arg8[%dma_start3A_13, %dma_start3A_14] : memref<6144x128xf32, #tpu.memory_space<hbm>> -> memref<6144x128xf32, #tpu.memory_space<hbm>>
    tpu.enqueue_indirect_dma source(%arg12 : memref<64x128xf32, #tpu.memory_space<vmem>>) target(%dma_start3A_15 : memref<6144x128xf32, #tpu.memory_space<hbm>>) offsets(%arg9 : memref<64xi32, #tpu.memory_space<vmem>>) semaphore(%arg14 : memref<!tpu.dma_semaphore, #tpu.memory_space<semaphore_mem>>)
    %dma_wait3A_16 = arith.constant 0 : i32
    %dma_wait3A_17 = arith.constant 0 : i32
    %dma_wait3A_18 = tpu.memref_slice %arg8[%dma_wait3A_16, %dma_wait3A_17] : memref<6144x128xf32, #tpu.memory_space<hbm>> -> memref<6144x128xf32, #tpu.memory_space<hbm>>
    tpu.wait_indirect_dma semaphore(%arg14 : memref<!tpu.dma_semaphore, #tpu.memory_space<semaphore_mem>>) src(%arg12 : memref<64x128xf32, #tpu.memory_space<vmem>>) dst(%dma_wait3A_18 : memref<6144x128xf32, #tpu.memory_space<hbm>>)
    %dma_start3A_19 = arith.constant 0 : i32
    %dma_start3A_20 = arith.constant 0 : i32
    %dma_start3A_21 = tpu.memref_slice %arg8[%dma_start3A_19, %dma_start3A_20] : memref<6144x128xf32, #tpu.memory_space<hbm>> -> memref<6144x128xf32, #tpu.memory_space<hbm>>
    tpu.enqueue_indirect_dma source(%arg13 : memref<64x128xf32, #tpu.memory_space<vmem>>) target(%dma_start3A_21 : memref<6144x128xf32, #tpu.memory_space<hbm>>) offsets(%arg10 : memref<64xi32, #tpu.memory_space<vmem>>) semaphore(%arg14 : memref<!tpu.dma_semaphore, #tpu.memory_space<semaphore_mem>>)
    %dma_wait3A_22 = arith.constant 0 : i32
    %dma_wait3A_23 = arith.constant 0 : i32
    %dma_wait3A_24 = tpu.memref_slice %arg8[%dma_wait3A_22, %dma_wait3A_23] : memref<6144x128xf32, #tpu.memory_space<hbm>> -> memref<6144x128xf32, #tpu.memory_space<hbm>>
    tpu.wait_indirect_dma semaphore(%arg14 : memref<!tpu.dma_semaphore, #tpu.memory_space<semaphore_mem>>) src(%arg13 : memref<64x128xf32, #tpu.memory_space<vmem>>) dst(%dma_wait3A_24 : memref<6144x128xf32, #tpu.memory_space<hbm>>)
    return
  }
}

module attributes {stable_mosaic.version = 14 : i64} {
  func.func @_qkv_body(%arg0: i32, %arg1: memref<256x1024xf32, #tpu.memory_space<vmem>>, %arg2: memref<1x1024xf32, #tpu.memory_space<vmem>>, %arg3: memref<1024x1024xbf16, #tpu.memory_space<vmem>>, %arg4: memref<1024x512xbf16, #tpu.memory_space<vmem>>, %arg5: memref<1024x512xbf16, #tpu.memory_space<vmem>>, %arg6: memref<256x64xf32, #tpu.memory_space<vmem>>, %arg7: memref<256x64xf32, #tpu.memory_space<vmem>>, %arg8: memref<256x1024xbf16, #tpu.memory_space<vmem>>, %arg9: memref<256x512xbf16, #tpu.memory_space<vmem>>, %arg10: memref<256x512xbf16, #tpu.memory_space<vmem>>) attributes {dimension_semantics = [#tpu.dimension_semantics<arbitrary>], iteration_bounds = array<i64: 8>, scalar_prefetch = 0 : i64, scratch_operands = 0 : i64, tpu.core_type = #tpu.core_type<tc>, window_params = [{transform_indices = @transform_0, window_bounds = array<i64: 256, 1024>}, {pipeline_mode = #tpu.pipeline_mode<synchronous>, transform_indices = @transform_1, window_bounds = array<i64: 1, 1024>}, {pipeline_mode = #tpu.pipeline_mode<synchronous>, transform_indices = @transform_2, window_bounds = array<i64: 1024, 1024>}, {pipeline_mode = #tpu.pipeline_mode<synchronous>, transform_indices = @transform_3, window_bounds = array<i64: 1024, 512>}, {pipeline_mode = #tpu.pipeline_mode<synchronous>, transform_indices = @transform_4, window_bounds = array<i64: 1024, 512>}, {transform_indices = @transform_5, window_bounds = array<i64: 256, 64>}, {transform_indices = @transform_6, window_bounds = array<i64: 256, 64>}, {transform_indices = @transform_7, window_bounds = array<i64: 256, 1024>}, {transform_indices = @transform_8, window_bounds = array<i64: 256, 512>}, {transform_indices = @transform_9, window_bounds = array<i64: 256, 512>}]} {
    %get3A = arith.constant 0 : index
    %get3A_0 = arith.constant 0 : index
    %get3A_1 = vector.load %arg1[%get3A, %get3A_0] : memref<256x1024xf32, #tpu.memory_space<vmem>>, vector<256x1024xf32>
    %get3A_2 = arith.constant 0 : index
    %get3A_3 = arith.constant 0 : index
    %get3A_4 = vector.load %arg2[%get3A_2, %get3A_3] : memref<1x1024xf32, #tpu.memory_space<vmem>>, vector<1x1024xf32>
    %mul3A = arith.mulf %get3A_1, %get3A_1 : vector<256x1024xf32>
    %reduce_sum3A = arith.constant dense<0.000000e+00> : vector<256xf32>
    %reduce_sum3A_5 = vector.multi_reduction <add>, %mul3A, %reduce_sum3A [1] : vector<256x1024xf32> to vector<256xf32>
    %broadcast_in_dim3A = vector.shape_cast %reduce_sum3A_5 : vector<256xf32> to vector<256x1xf32>
    %div3A = arith.constant 1.024000e+03 : f32
    %div3A_6 = vector.broadcast %div3A : f32 to vector<256x1xf32>
    %div3A_7 = arith.divf %broadcast_in_dim3A, %div3A_6 : vector<256x1xf32>
    %add3A = arith.constant 9.99999997E-7 : f32
    %add3A_8 = vector.broadcast %add3A : f32 to vector<256x1xf32>
    %add3A_9 = arith.addf %div3A_7, %add3A_8 : vector<256x1xf32>
    %rsqrt3A = math.rsqrt %add3A_9 : vector<256x1xf32>
    %mul3A_10 = vector.broadcast %rsqrt3A : vector<256x1xf32> to vector<256x1024xf32>
    %mul3A_11 = arith.mulf %get3A_1, %mul3A_10 : vector<256x1024xf32>
    %mul3A_12 = vector.broadcast %get3A_4 : vector<1x1024xf32> to vector<256x1024xf32>
    %mul3A_13 = arith.mulf %mul3A_11, %mul3A_12 : vector<256x1024xf32>
    %convert_element_type3A = arith.truncf %mul3A_13 : vector<256x1024xf32> to vector<256x1024xbf16>
    %get3A_14 = arith.constant 0 : index
    %get3A_15 = arith.constant 0 : index
    %get3A_16 = vector.load %arg6[%get3A_14, %get3A_15] : memref<256x64xf32, #tpu.memory_space<vmem>>, vector<256x64xf32>
    %get3A_17 = arith.constant 0 : index
    %get3A_18 = arith.constant 0 : index
    %get3A_19 = vector.load %arg7[%get3A_17, %get3A_18] : memref<256x64xf32, #tpu.memory_space<vmem>>, vector<256x64xf32>
    %get3A_20 = arith.constant 0 : index
    %get3A_21 = arith.constant 0 : index
    %get3A_22 = vector.load %arg3[%get3A_20, %get3A_21] : memref<1024x1024xbf16, #tpu.memory_space<vmem>>, vector<1024x1024xbf16>
    %dot_general3A = arith.constant dense<0.000000e+00> : vector<256x1024xf32>
    %dot_general3A_23 = tpu.matmul %convert_element_type3A, %get3A_22, %dot_general3A {dimension_numbers = #tpu.dot_dimension_numbers<[1], [0], [0], [1], [0, 0, 1, 1], [], []>, transpose_lhs_hint = false} : vector<256x1024xbf16>, vector<1024x1024xbf16>, vector<256x1024xf32> -> vector<256x1024xf32>
    %get3A_24 = arith.constant 0 : index
    %get3A_25 = arith.constant 0 : index
    %get3A_26 = vector.load %arg4[%get3A_24, %get3A_25] : memref<1024x512xbf16, #tpu.memory_space<vmem>>, vector<1024x512xbf16>
    %dot_general3A_27 = arith.constant dense<0.000000e+00> : vector<256x512xf32>
    %dot_general3A_28 = tpu.matmul %convert_element_type3A, %get3A_26, %dot_general3A_27 {dimension_numbers = #tpu.dot_dimension_numbers<[1], [0], [0], [1], [0, 0, 1, 1], [], []>, transpose_lhs_hint = false} : vector<256x1024xbf16>, vector<1024x512xbf16>, vector<256x512xf32> -> vector<256x512xf32>
    %get3A_29 = arith.constant 0 : index
    %get3A_30 = arith.constant 0 : index
    %get3A_31 = vector.load %arg5[%get3A_29, %get3A_30] : memref<1024x512xbf16, #tpu.memory_space<vmem>>, vector<1024x512xbf16>
    %dot_general3A_32 = arith.constant dense<0.000000e+00> : vector<256x512xf32>
    %dot_general3A_33 = tpu.matmul %convert_element_type3A, %get3A_31, %dot_general3A_32 {dimension_numbers = #tpu.dot_dimension_numbers<[1], [0], [0], [1], [0, 0, 1, 1], [], []>, transpose_lhs_hint = false} : vector<256x1024xbf16>, vector<1024x512xbf16>, vector<256x512xf32> -> vector<256x512xf32>
    %mul3A_34 = arith.constant 1.250000e-01 : f32
    %mul3A_35 = vector.broadcast %mul3A_34 : f32 to vector<256x1024xf32>
    %mul3A_36 = arith.mulf %dot_general3A_23, %mul3A_35 : vector<256x1024xf32>
    %concatenate3A = tpu.concatenate %get3A_16, %get3A_16, %get3A_16, %get3A_16, %get3A_16, %get3A_16, %get3A_16, %get3A_16, %get3A_16, %get3A_16, %get3A_16, %get3A_16, %get3A_16, %get3A_16, %get3A_16, %get3A_16 in 1 : vector<256x64xf32>, vector<256x64xf32>, vector<256x64xf32>, vector<256x64xf32>, vector<256x64xf32>, vector<256x64xf32>, vector<256x64xf32>, vector<256x64xf32>, vector<256x64xf32>, vector<256x64xf32>, vector<256x64xf32>, vector<256x64xf32>, vector<256x64xf32>, vector<256x64xf32>, vector<256x64xf32>, vector<256x64xf32> -> vector<256x1024xf32>
    %concatenate3A_37 = tpu.concatenate %get3A_19, %get3A_19, %get3A_19, %get3A_19, %get3A_19, %get3A_19, %get3A_19, %get3A_19, %get3A_19, %get3A_19, %get3A_19, %get3A_19, %get3A_19, %get3A_19, %get3A_19, %get3A_19 in 1 : vector<256x64xf32>, vector<256x64xf32>, vector<256x64xf32>, vector<256x64xf32>, vector<256x64xf32>, vector<256x64xf32>, vector<256x64xf32>, vector<256x64xf32>, vector<256x64xf32>, vector<256x64xf32>, vector<256x64xf32>, vector<256x64xf32>, vector<256x64xf32>, vector<256x64xf32>, vector<256x64xf32>, vector<256x64xf32> -> vector<256x1024xf32>
    %iota3A = tpu.iota {dimensions = array<i32: 1>} : vector<256x1024xi32>
    %jit3A = arith.constant 64 : i32
    %eq3A = arith.constant 0 : i32
    %eq3A_38 = arith.cmpi eq, %jit3A, %eq3A : i32
    %jit3A_39 = arith.constant 1 : i32
    %select_n3A = arith.select %eq3A_38, %jit3A_39, %jit3A : i32
    %rem3A = vector.broadcast %select_n3A : i32 to vector<256x1024xi32>
    %rem3A_40 = arith.remsi %iota3A, %rem3A : vector<256x1024xi32>
    %ne3A = arith.constant 0 : i32
    %ne3A_41 = vector.broadcast %ne3A : i32 to vector<256x1024xi32>
    %ne3A_42 = arith.cmpi ne, %rem3A_40, %ne3A_41 : vector<256x1024xi32>
    %lt3A = arith.constant 0 : i32
    %lt3A_43 = vector.broadcast %lt3A : i32 to vector<256x1024xi32>
    %lt3A_44 = arith.cmpi slt, %rem3A_40, %lt3A_43 : vector<256x1024xi32>
    %lt3A_45 = arith.constant 0 : i32
    %lt3A_46 = arith.cmpi slt, %select_n3A, %lt3A_45 : i32
    %ne3A_47 = vector.broadcast %lt3A_46 : i1 to vector<256x1024xi1>
    %ne3A_48 = vector.broadcast %ne3A_47 : vector<256x1024xi1> to vector<256x1024xi1>
    %ne3A_49 = arith.xori %lt3A_44, %ne3A_48 : vector<256x1024xi1>
    %and3A = arith.andi %ne3A_49, %ne3A_42 : vector<256x1024xi1>
    %add3A_50 = vector.broadcast %select_n3A : i32 to vector<256x1024xi32>
    %add3A_51 = arith.addi %rem3A_40, %add3A_50 : vector<256x1024xi32>
    %select_n3A_52 = arith.select %and3A, %add3A_51, %rem3A_40 : vector<256x1024xi1>, vector<256x1024xi32>
    %lt3A_53 = arith.constant 32 : i32
    %lt3A_54 = vector.broadcast %lt3A_53 : i32 to vector<256x1024xi32>
    %lt3A_55 = arith.cmpi slt, %select_n3A_52, %lt3A_54 : vector<256x1024xi32>
    %roll3A = arith.constant 992 : i32
    %roll3A_56 = tpu.dynamic_rotate %mul3A_36 by %roll3A dim 1 : vector<256x1024xf32>, i32 -> vector<256x1024xf32>
    %roll3A_57 = arith.constant 32 : i32
    %roll3A_58 = tpu.dynamic_rotate %mul3A_36 by %roll3A_57 dim 1 : vector<256x1024xf32>, i32 -> vector<256x1024xf32>
    %neg3A = arith.constant 0.000000e+00 : f32
    %neg3A_59 = vector.broadcast %neg3A : f32 to vector<256x1024xf32>
    %neg3A_60 = arith.subf %neg3A_59, %roll3A_56 : vector<256x1024xf32>
    %select_n3A_61 = arith.select %lt3A_55, %neg3A_60, %roll3A_58 : vector<256x1024xi1>, vector<256x1024xf32>
    %mul3A_62 = arith.mulf %mul3A_36, %concatenate3A : vector<256x1024xf32>
    %mul3A_63 = arith.mulf %select_n3A_61, %concatenate3A_37 : vector<256x1024xf32>
    %add3A_64 = arith.addf %mul3A_62, %mul3A_63 : vector<256x1024xf32>
    %convert_element_type3A_65 = arith.truncf %add3A_64 : vector<256x1024xf32> to vector<256x1024xbf16>
    %swap3A = arith.constant 0 : index
    %swap3A_66 = arith.constant 0 : index
    %swap3A_67 = vector.load %arg8[%swap3A, %swap3A_66] : memref<256x1024xbf16, #tpu.memory_space<vmem>>, vector<256x1024xbf16>
    tpu.vector_store %arg8[%swap3A, %swap3A_66], %convert_element_type3A_65 {strides = array<i32>} : memref<256x1024xbf16, #tpu.memory_space<vmem>>, vector<256x1024xbf16>,
    %concatenate3A_68 = tpu.concatenate %get3A_16, %get3A_16, %get3A_16, %get3A_16, %get3A_16, %get3A_16, %get3A_16, %get3A_16 in 1 : vector<256x64xf32>, vector<256x64xf32>, vector<256x64xf32>, vector<256x64xf32>, vector<256x64xf32>, vector<256x64xf32>, vector<256x64xf32>, vector<256x64xf32> -> vector<256x512xf32>
    %concatenate3A_69 = tpu.concatenate %get3A_19, %get3A_19, %get3A_19, %get3A_19, %get3A_19, %get3A_19, %get3A_19, %get3A_19 in 1 : vector<256x64xf32>, vector<256x64xf32>, vector<256x64xf32>, vector<256x64xf32>, vector<256x64xf32>, vector<256x64xf32>, vector<256x64xf32>, vector<256x64xf32> -> vector<256x512xf32>
    %iota3A_70 = tpu.iota {dimensions = array<i32: 1>} : vector<256x512xi32>
    %jit3A_71 = arith.constant 64 : i32
    %eq3A_72 = arith.constant 0 : i32
    %eq3A_73 = arith.cmpi eq, %jit3A_71, %eq3A_72 : i32
    %jit3A_74 = arith.constant 1 : i32
    %select_n3A_75 = arith.select %eq3A_73, %jit3A_74, %jit3A_71 : i32
    %rem3A_76 = vector.broadcast %select_n3A_75 : i32 to vector<256x512xi32>
    %rem3A_77 = arith.remsi %iota3A_70, %rem3A_76 : vector<256x512xi32>
    %ne3A_78 = arith.constant 0 : i32
    %ne3A_79 = vector.broadcast %ne3A_78 : i32 to vector<256x512xi32>
    %ne3A_80 = arith.cmpi ne, %rem3A_77, %ne3A_79 : vector<256x512xi32>
    %lt3A_81 = arith.constant 0 : i32
    %lt3A_82 = vector.broadcast %lt3A_81 : i32 to vector<256x512xi32>
    %lt3A_83 = arith.cmpi slt, %rem3A_77, %lt3A_82 : vector<256x512xi32>
    %lt3A_84 = arith.constant 0 : i32
    %lt3A_85 = arith.cmpi slt, %select_n3A_75, %lt3A_84 : i32
    %ne3A_86 = vector.broadcast %lt3A_85 : i1 to vector<256x512xi1>
    %ne3A_87 = vector.broadcast %ne3A_86 : vector<256x512xi1> to vector<256x512xi1>
    %ne3A_88 = arith.xori %lt3A_83, %ne3A_87 : vector<256x512xi1>
    %and3A_89 = arith.andi %ne3A_88, %ne3A_80 : vector<256x512xi1>
    %add3A_90 = vector.broadcast %select_n3A_75 : i32 to vector<256x512xi32>
    %add3A_91 = arith.addi %rem3A_77, %add3A_90 : vector<256x512xi32>
    %select_n3A_92 = arith.select %and3A_89, %add3A_91, %rem3A_77 : vector<256x512xi1>, vector<256x512xi32>
    %lt3A_93 = arith.constant 32 : i32
    %lt3A_94 = vector.broadcast %lt3A_93 : i32 to vector<256x512xi32>
    %lt3A_95 = arith.cmpi slt, %select_n3A_92, %lt3A_94 : vector<256x512xi32>
    %roll3A_96 = arith.constant 480 : i32
    %roll3A_97 = tpu.dynamic_rotate %dot_general3A_28 by %roll3A_96 dim 1 : vector<256x512xf32>, i32 -> vector<256x512xf32>
    %roll3A_98 = arith.constant 32 : i32
    %roll3A_99 = tpu.dynamic_rotate %dot_general3A_28 by %roll3A_98 dim 1 : vector<256x512xf32>, i32 -> vector<256x512xf32>
    %neg3A_100 = arith.constant 0.000000e+00 : f32
    %neg3A_101 = vector.broadcast %neg3A_100 : f32 to vector<256x512xf32>
    %neg3A_102 = arith.subf %neg3A_101, %roll3A_97 : vector<256x512xf32>
    %select_n3A_103 = arith.select %lt3A_95, %neg3A_102, %roll3A_99 : vector<256x512xi1>, vector<256x512xf32>
    %mul3A_104 = arith.mulf %dot_general3A_28, %concatenate3A_68 : vector<256x512xf32>
    %mul3A_105 = arith.mulf %select_n3A_103, %concatenate3A_69 : vector<256x512xf32>
    %add3A_106 = arith.addf %mul3A_104, %mul3A_105 : vector<256x512xf32>
    %convert_element_type3A_107 = arith.truncf %add3A_106 : vector<256x512xf32> to vector<256x512xbf16>
    %swap3A_108 = arith.constant 0 : index
    %swap3A_109 = arith.constant 0 : index
    %swap3A_110 = vector.load %arg9[%swap3A_108, %swap3A_109] : memref<256x512xbf16, #tpu.memory_space<vmem>>, vector<256x512xbf16>
    tpu.vector_store %arg9[%swap3A_108, %swap3A_109], %convert_element_type3A_107 {strides = array<i32>} : memref<256x512xbf16, #tpu.memory_space<vmem>>, vector<256x512xbf16>,
    %convert_element_type3A_111 = arith.truncf %dot_general3A_33 : vector<256x512xf32> to vector<256x512xbf16>
    %swap3A_112 = arith.constant 0 : index
    %swap3A_113 = arith.constant 0 : index
    %swap3A_114 = vector.load %arg10[%swap3A_112, %swap3A_113] : memref<256x512xbf16, #tpu.memory_space<vmem>>, vector<256x512xbf16>
    tpu.vector_store %arg10[%swap3A_112, %swap3A_113], %convert_element_type3A_111 {strides = array<i32>} : memref<256x512xbf16, #tpu.memory_space<vmem>>, vector<256x512xbf16>,
    return
  }
  func.func @transform_0(%arg0: i32) -> (i32, i32) {
    %c0_i32 = arith.constant 0 : i32
    %c0_i32_0 = arith.constant 0 : i32
    return %arg0, %c0_i32 : i32, i32
  }
  func.func @transform_1(%arg0: i32) -> (i32, i32) {
    %c0_i32 = arith.constant 0 : i32
    %c0_i32_0 = arith.constant 0 : i32
    %c0_i32_1 = arith.constant 0 : i32
    return %c0_i32, %c0_i32_0 : i32, i32
  }
  func.func @transform_2(%arg0: i32) -> (i32, i32) {
    %c0_i32 = arith.constant 0 : i32
    %c0_i32_0 = arith.constant 0 : i32
    %c0_i32_1 = arith.constant 0 : i32
    return %c0_i32, %c0_i32_0 : i32, i32
  }
  func.func @transform_3(%arg0: i32) -> (i32, i32) {
    %c0_i32 = arith.constant 0 : i32
    %c0_i32_0 = arith.constant 0 : i32
    %c0_i32_1 = arith.constant 0 : i32
    return %c0_i32, %c0_i32_0 : i32, i32
  }
  func.func @transform_4(%arg0: i32) -> (i32, i32) {
    %c0_i32 = arith.constant 0 : i32
    %c0_i32_0 = arith.constant 0 : i32
    %c0_i32_1 = arith.constant 0 : i32
    return %c0_i32, %c0_i32_0 : i32, i32
  }
  func.func @transform_5(%arg0: i32) -> (i32, i32) {
    %c0_i32 = arith.constant 0 : i32
    %c0_i32_0 = arith.constant 0 : i32
    return %arg0, %c0_i32 : i32, i32
  }
  func.func @transform_6(%arg0: i32) -> (i32, i32) {
    %c0_i32 = arith.constant 0 : i32
    %c0_i32_0 = arith.constant 0 : i32
    return %arg0, %c0_i32 : i32, i32
  }
  func.func @transform_7(%arg0: i32) -> (i32, i32) {
    %c0_i32 = arith.constant 0 : i32
    %c0_i32_0 = arith.constant 0 : i32
    return %arg0, %c0_i32 : i32, i32
  }
  func.func @transform_8(%arg0: i32) -> (i32, i32) {
    %c0_i32 = arith.constant 0 : i32
    %c0_i32_0 = arith.constant 0 : i32
    return %arg0, %c0_i32 : i32, i32
  }
  func.func @transform_9(%arg0: i32) -> (i32, i32) {
    %c0_i32 = arith.constant 0 : i32
    %c0_i32_0 = arith.constant 0 : i32
    return %arg0, %c0_i32 : i32, i32
  }
}

module attributes {stable_mosaic.version = 14 : i64} {
  func.func @_post_body(%arg0: i32, %arg1: memref<256x1024xbf16, #tpu.memory_space<vmem>>, %arg2: memref<2048x512xbf16, #tpu.memory_space<vmem>>, %arg3: memref<2048x512xbf16, #tpu.memory_space<vmem>>, %arg4: memref<1024x1024xbf16, #tpu.memory_space<vmem>>, %arg5: memref<256x1024xf32, #tpu.memory_space<vmem>>, %arg6: memref<1x1024xf32, #tpu.memory_space<vmem>>, %arg7: memref<1024x8xf32, #tpu.memory_space<vmem>>, %arg8: memref<256x1024xf32, #tpu.memory_space<vmem>>, %arg9: memref<256x1024xf32, #tpu.memory_space<vmem>>, %arg10: memref<256x8xf32, #tpu.memory_space<vmem>>, %arg11: memref<256x8xf32, #tpu.memory_space<vmem>>, %arg12: memref<1x8xf32, #tpu.memory_space<vmem>>, %arg13: memref<1x8xf32, #tpu.memory_space<vmem>>) attributes {dimension_semantics = [#tpu.dimension_semantics<arbitrary>], iteration_bounds = array<i64: 8>, scalar_prefetch = 0 : i64, scratch_operands = 1 : i64, tpu.core_type = #tpu.core_type<tc>, window_params = [{transform_indices = @transform_0, window_bounds = array<i64: 256, 1024>}, {pipeline_mode = #tpu.pipeline_mode<synchronous>, transform_indices = @transform_1, window_bounds = array<i64: 2048, 512>}, {pipeline_mode = #tpu.pipeline_mode<synchronous>, transform_indices = @transform_2, window_bounds = array<i64: 2048, 512>}, {pipeline_mode = #tpu.pipeline_mode<synchronous>, transform_indices = @transform_3, window_bounds = array<i64: 1024, 1024>}, {transform_indices = @transform_4, window_bounds = array<i64: 256, 1024>}, {pipeline_mode = #tpu.pipeline_mode<synchronous>, transform_indices = @transform_5, window_bounds = array<i64: 1, 1024>}, {pipeline_mode = #tpu.pipeline_mode<synchronous>, transform_indices = @transform_6, window_bounds = array<i64: 1024, 8>}, {transform_indices = @transform_7, window_bounds = array<i64: 256, 1024>}, {transform_indices = @transform_8, window_bounds = array<i64: 256, 1024>}, {transform_indices = @transform_9, window_bounds = array<i64: 256, 8>}, {transform_indices = @transform_10, window_bounds = array<i64: 256, 8>}, {pipeline_mode = #tpu.pipeline_mode<synchronous>, transform_indices = @transform_11, window_bounds = array<i64: 1, 8>}]} {
    %get3A = arith.constant 0 : index
    %get3A_0 = arith.constant 0 : index
    %get3A_1 = vector.load %arg1[%get3A, %get3A_0] : memref<256x1024xbf16, #tpu.memory_space<vmem>>, vector<256x1024xbf16>
    %get3A_2 = arith.constant 0 : index
    %get3A_3 = arith.constant 0 : index
    %get3A_4 = vector.load %arg2[%get3A_2, %get3A_3] : memref<2048x512xbf16, #tpu.memory_space<vmem>>, vector<2048x512xbf16>
    %get3A_5 = arith.constant 0 : index
    %get3A_6 = arith.constant 0 : index
    %get3A_7 = vector.load %arg3[%get3A_5, %get3A_6] : memref<2048x512xbf16, #tpu.memory_space<vmem>>, vector<2048x512xbf16>
    %mul3A = arith.constant 256 : i32
    %mul3A_8 = arith.muli %arg0, %mul3A : i32
    %iota3A = tpu.iota {dimensions = array<i32: 0>} : vector<256x2048xi32>
    %add3A = vector.broadcast %mul3A_8 : i32 to vector<256x2048xi32>
    %add3A_9 = arith.addi %add3A, %iota3A : vector<256x2048xi32>
    %iota3A_10 = tpu.iota {dimensions = array<i32: 1>} : vector<256x2048xi32>
    %le3A = arith.cmpi sle, %iota3A_10, %add3A_9 : vector<256x2048xi32>
    %slice3A = vector.extract_strided_slice %get3A_1 {offsets = [0, 0], sizes = [256, 64], strides = [1, 1]} : vector<256x1024xbf16> to vector<256x64xbf16>
    %slice3A_11 = vector.extract_strided_slice %get3A_4 {offsets = [0, 0], sizes = [2048, 64], strides = [1, 1]} : vector<2048x512xbf16> to vector<2048x64xbf16>
    %slice3A_12 = vector.extract_strided_slice %get3A_7 {offsets = [0, 0], sizes = [2048, 64], strides = [1, 1]} : vector<2048x512xbf16> to vector<2048x64xbf16>
    %dot_general3A = arith.constant dense<0.000000e+00> : vector<256x2048xf32>
    %dot_general3A_13 = tpu.matmul %slice3A, %slice3A_11, %dot_general3A {dimension_numbers = #tpu.dot_dimension_numbers<[1], [1], [0], [0], [0, 0, 1, 0], [], []>, transpose_lhs_hint = false} : vector<256x64xbf16>, vector<2048x64xbf16>, vector<256x2048xf32> -> vector<256x2048xf32>
    %jit3A = arith.constant -1.000000e+09 : f32
    %broadcast_in_dim3A = vector.broadcast %jit3A : f32 to vector<256x2048xf32>
    %select_n3A = arith.select %le3A, %dot_general3A_13, %broadcast_in_dim3A : vector<256x2048xi1>, vector<256x2048xf32>
    %exp3A = math.exp %select_n3A : vector<256x2048xf32>
    %convert_element_type3A = arith.truncf %exp3A : vector<256x2048xf32> to vector<256x2048xbf16>
    %dot_general3A_14 = arith.constant dense<0.000000e+00> : vector<256x64xf32>
    %dot_general3A_15 = tpu.matmul %convert_element_type3A, %slice3A_12, %dot_general3A_14 {dimension_numbers = #tpu.dot_dimension_numbers<[1], [0], [0], [1], [0, 0, 1, 1], [], []>, transpose_lhs_hint = false} : vector<256x2048xbf16>, vector<2048x64xbf16>, vector<256x64xf32> -> vector<256x64xf32>
    %reduce_sum3A = arith.constant dense<0.000000e+00> : vector<256xf32>
    %reduce_sum3A_16 = vector.multi_reduction <add>, %exp3A, %reduce_sum3A [1] : vector<256x2048xf32> to vector<256xf32>
    %broadcast_in_dim3A_17 = vector.shape_cast %reduce_sum3A_16 : vector<256xf32> to vector<256x1xf32>
    %div3A = vector.broadcast %broadcast_in_dim3A_17 : vector<256x1xf32> to vector<256x64xf32>
    %div3A_18 = arith.divf %dot_general3A_15, %div3A : vector<256x64xf32>
    %convert_element_type3A_19 = arith.truncf %div3A_18 : vector<256x64xf32> to vector<256x64xbf16>
    %slice3A_20 = vector.extract_strided_slice %get3A_1 {offsets = [0, 64], sizes = [256, 64], strides = [1, 1]} : vector<256x1024xbf16> to vector<256x64xbf16>
    %slice3A_21 = vector.extract_strided_slice %get3A_4 {offsets = [0, 0], sizes = [2048, 64], strides = [1, 1]} : vector<2048x512xbf16> to vector<2048x64xbf16>
    %slice3A_22 = vector.extract_strided_slice %get3A_7 {offsets = [0, 0], sizes = [2048, 64], strides = [1, 1]} : vector<2048x512xbf16> to vector<2048x64xbf16>
    %dot_general3A_23 = arith.constant dense<0.000000e+00> : vector<256x2048xf32>
    %dot_general3A_24 = tpu.matmul %slice3A_20, %slice3A_21, %dot_general3A_23 {dimension_numbers = #tpu.dot_dimension_numbers<[1], [1], [0], [0], [0, 0, 1, 0], [], []>, transpose_lhs_hint = false} : vector<256x64xbf16>, vector<2048x64xbf16>, vector<256x2048xf32> -> vector<256x2048xf32>
    %jit3A_25 = arith.constant -1.000000e+09 : f32
    %broadcast_in_dim3A_26 = vector.broadcast %jit3A_25 : f32 to vector<256x2048xf32>
    %select_n3A_27 = arith.select %le3A, %dot_general3A_24, %broadcast_in_dim3A_26 : vector<256x2048xi1>, vector<256x2048xf32>
    %exp3A_28 = math.exp %select_n3A_27 : vector<256x2048xf32>
    %convert_element_type3A_29 = arith.truncf %exp3A_28 : vector<256x2048xf32> to vector<256x2048xbf16>
    %dot_general3A_30 = arith.constant dense<0.000000e+00> : vector<256x64xf32>
    %dot_general3A_31 = tpu.matmul %convert_element_type3A_29, %slice3A_22, %dot_general3A_30 {dimension_numbers = #tpu.dot_dimension_numbers<[1], [0], [0], [1], [0, 0, 1, 1], [], []>, transpose_lhs_hint = false} : vector<256x2048xbf16>, vector<2048x64xbf16>, vector<256x64xf32> -> vector<256x64xf32>
    %reduce_sum3A_32 = arith.constant dense<0.000000e+00> : vector<256xf32>
    %reduce_sum3A_33 = vector.multi_reduction <add>, %exp3A_28, %reduce_sum3A_32 [1] : vector<256x2048xf32> to vector<256xf32>
    %broadcast_in_dim3A_34 = vector.shape_cast %reduce_sum3A_33 : vector<256xf32> to vector<256x1xf32>
    %div3A_35 = vector.broadcast %broadcast_in_dim3A_34 : vector<256x1xf32> to vector<256x64xf32>
    %div3A_36 = arith.divf %dot_general3A_31, %div3A_35 : vector<256x64xf32>
    %convert_element_type3A_37 = arith.truncf %div3A_36 : vector<256x64xf32> to vector<256x64xbf16>
    %slice3A_38 = vector.extract_strided_slice %get3A_1 {offsets = [0, 128], sizes = [256, 64], strides = [1, 1]} : vector<256x1024xbf16> to vector<256x64xbf16>
    %slice3A_39 = vector.extract_strided_slice %get3A_4 {offsets = [0, 64], sizes = [2048, 64], strides = [1, 1]} : vector<2048x512xbf16> to vector<2048x64xbf16>
    %slice3A_40 = vector.extract_strided_slice %get3A_7 {offsets = [0, 64], sizes = [2048, 64], strides = [1, 1]} : vector<2048x512xbf16> to vector<2048x64xbf16>
    %dot_general3A_41 = arith.constant dense<0.000000e+00> : vector<256x2048xf32>
    %dot_general3A_42 = tpu.matmul %slice3A_38, %slice3A_39, %dot_general3A_41 {dimension_numbers = #tpu.dot_dimension_numbers<[1], [1], [0], [0], [0, 0, 1, 0], [], []>, transpose_lhs_hint = false} : vector<256x64xbf16>, vector<2048x64xbf16>, vector<256x2048xf32> -> vector<256x2048xf32>
    %jit3A_43 = arith.constant -1.000000e+09 : f32
    %broadcast_in_dim3A_44 = vector.broadcast %jit3A_43 : f32 to vector<256x2048xf32>
    %select_n3A_45 = arith.select %le3A, %dot_general3A_42, %broadcast_in_dim3A_44 : vector<256x2048xi1>, vector<256x2048xf32>
    %exp3A_46 = math.exp %select_n3A_45 : vector<256x2048xf32>
    %convert_element_type3A_47 = arith.truncf %exp3A_46 : vector<256x2048xf32> to vector<256x2048xbf16>
    %dot_general3A_48 = arith.constant dense<0.000000e+00> : vector<256x64xf32>
    %dot_general3A_49 = tpu.matmul %convert_element_type3A_47, %slice3A_40, %dot_general3A_48 {dimension_numbers = #tpu.dot_dimension_numbers<[1], [0], [0], [1], [0, 0, 1, 1], [], []>, transpose_lhs_hint = false} : vector<256x2048xbf16>, vector<2048x64xbf16>, vector<256x64xf32> -> vector<256x64xf32>
    %reduce_sum3A_50 = arith.constant dense<0.000000e+00> : vector<256xf32>
    %reduce_sum3A_51 = vector.multi_reduction <add>, %exp3A_46, %reduce_sum3A_50 [1] : vector<256x2048xf32> to vector<256xf32>
    %broadcast_in_dim3A_52 = vector.shape_cast %reduce_sum3A_51 : vector<256xf32> to vector<256x1xf32>
    %div3A_53 = vector.broadcast %broadcast_in_dim3A_52 : vector<256x1xf32> to vector<256x64xf32>
    %div3A_54 = arith.divf %dot_general3A_49, %div3A_53 : vector<256x64xf32>
    %convert_element_type3A_55 = arith.truncf %div3A_54 : vector<256x64xf32> to vector<256x64xbf16>
    %slice3A_56 = vector.extract_strided_slice %get3A_1 {offsets = [0, 192], sizes = [256, 64], strides = [1, 1]} : vector<256x1024xbf16> to vector<256x64xbf16>
    %slice3A_57 = vector.extract_strided_slice %get3A_4 {offsets = [0, 64], sizes = [2048, 64], strides = [1, 1]} : vector<2048x512xbf16> to vector<2048x64xbf16>
    %slice3A_58 = vector.extract_strided_slice %get3A_7 {offsets = [0, 64], sizes = [2048, 64], strides = [1, 1]} : vector<2048x512xbf16> to vector<2048x64xbf16>
    %dot_general3A_59 = arith.constant dense<0.000000e+00> : vector<256x2048xf32>
    %dot_general3A_60 = tpu.matmul %slice3A_56, %slice3A_57, %dot_general3A_59 {dimension_numbers = #tpu.dot_dimension_numbers<[1], [1], [0], [0], [0, 0, 1, 0], [], []>, transpose_lhs_hint = false} : vector<256x64xbf16>, vector<2048x64xbf16>, vector<256x2048xf32> -> vector<256x2048xf32>
    %jit3A_61 = arith.constant -1.000000e+09 : f32
    %broadcast_in_dim3A_62 = vector.broadcast %jit3A_61 : f32 to vector<256x2048xf32>
    %select_n3A_63 = arith.select %le3A, %dot_general3A_60, %broadcast_in_dim3A_62 : vector<256x2048xi1>, vector<256x2048xf32>
    %exp3A_64 = math.exp %select_n3A_63 : vector<256x2048xf32>
    %convert_element_type3A_65 = arith.truncf %exp3A_64 : vector<256x2048xf32> to vector<256x2048xbf16>
    %dot_general3A_66 = arith.constant dense<0.000000e+00> : vector<256x64xf32>
    %dot_general3A_67 = tpu.matmul %convert_element_type3A_65, %slice3A_58, %dot_general3A_66 {dimension_numbers = #tpu.dot_dimension_numbers<[1], [0], [0], [1], [0, 0, 1, 1], [], []>, transpose_lhs_hint = false} : vector<256x2048xbf16>, vector<2048x64xbf16>, vector<256x64xf32> -> vector<256x64xf32>
    %reduce_sum3A_68 = arith.constant dense<0.000000e+00> : vector<256xf32>
    %reduce_sum3A_69 = vector.multi_reduction <add>, %exp3A_64, %reduce_sum3A_68 [1] : vector<256x2048xf32> to vector<256xf32>
    %broadcast_in_dim3A_70 = vector.shape_cast %reduce_sum3A_69 : vector<256xf32> to vector<256x1xf32>
    %div3A_71 = vector.broadcast %broadcast_in_dim3A_70 : vector<256x1xf32> to vector<256x64xf32>
    %div3A_72 = arith.divf %dot_general3A_67, %div3A_71 : vector<256x64xf32>
    %convert_element_type3A_73 = arith.truncf %div3A_72 : vector<256x64xf32> to vector<256x64xbf16>
    %slice3A_74 = vector.extract_strided_slice %get3A_1 {offsets = [0, 256], sizes = [256, 64], strides = [1, 1]} : vector<256x1024xbf16> to vector<256x64xbf16>
    %slice3A_75 = vector.extract_strided_slice %get3A_4 {offsets = [0, 128], sizes = [2048, 64], strides = [1, 1]} : vector<2048x512xbf16> to vector<2048x64xbf16>
    %slice3A_76 = vector.extract_strided_slice %get3A_7 {offsets = [0, 128], sizes = [2048, 64], strides = [1, 1]} : vector<2048x512xbf16> to vector<2048x64xbf16>
    %dot_general3A_77 = arith.constant dense<0.000000e+00> : vector<256x2048xf32>
    %dot_general3A_78 = tpu.matmul %slice3A_74, %slice3A_75, %dot_general3A_77 {dimension_numbers = #tpu.dot_dimension_numbers<[1], [1], [0], [0], [0, 0, 1, 0], [], []>, transpose_lhs_hint = false} : vector<256x64xbf16>, vector<2048x64xbf16>, vector<256x2048xf32> -> vector<256x2048xf32>
    %jit3A_79 = arith.constant -1.000000e+09 : f32
    %broadcast_in_dim3A_80 = vector.broadcast %jit3A_79 : f32 to vector<256x2048xf32>
    %select_n3A_81 = arith.select %le3A, %dot_general3A_78, %broadcast_in_dim3A_80 : vector<256x2048xi1>, vector<256x2048xf32>
    %exp3A_82 = math.exp %select_n3A_81 : vector<256x2048xf32>
    %convert_element_type3A_83 = arith.truncf %exp3A_82 : vector<256x2048xf32> to vector<256x2048xbf16>
    %dot_general3A_84 = arith.constant dense<0.000000e+00> : vector<256x64xf32>
    %dot_general3A_85 = tpu.matmul %convert_element_type3A_83, %slice3A_76, %dot_general3A_84 {dimension_numbers = #tpu.dot_dimension_numbers<[1], [0], [0], [1], [0, 0, 1, 1], [], []>, transpose_lhs_hint = false} : vector<256x2048xbf16>, vector<2048x64xbf16>, vector<256x64xf32> -> vector<256x64xf32>
    %reduce_sum3A_86 = arith.constant dense<0.000000e+00> : vector<256xf32>
    %reduce_sum3A_87 = vector.multi_reduction <add>, %exp3A_82, %reduce_sum3A_86 [1] : vector<256x2048xf32> to vector<256xf32>
    %broadcast_in_dim3A_88 = vector.shape_cast %reduce_sum3A_87 : vector<256xf32> to vector<256x1xf32>
    %div3A_89 = vector.broadcast %broadcast_in_dim3A_88 : vector<256x1xf32> to vector<256x64xf32>
    %div3A_90 = arith.divf %dot_general3A_85, %div3A_89 : vector<256x64xf32>
    %convert_element_type3A_91 = arith.truncf %div3A_90 : vector<256x64xf32> to vector<256x64xbf16>
    %slice3A_92 = vector.extract_strided_slice %get3A_1 {offsets = [0, 320], sizes = [256, 64], strides = [1, 1]} : vector<256x1024xbf16> to vector<256x64xbf16>
    %slice3A_93 = vector.extract_strided_slice %get3A_4 {offsets = [0, 128], sizes = [2048, 64], strides = [1, 1]} : vector<2048x512xbf16> to vector<2048x64xbf16>
    %slice3A_94 = vector.extract_strided_slice %get3A_7 {offsets = [0, 128], sizes = [2048, 64], strides = [1, 1]} : vector<2048x512xbf16> to vector<2048x64xbf16>
    %dot_general3A_95 = arith.constant dense<0.000000e+00> : vector<256x2048xf32>
    %dot_general3A_96 = tpu.matmul %slice3A_92, %slice3A_93, %dot_general3A_95 {dimension_numbers = #tpu.dot_dimension_numbers<[1], [1], [0], [0], [0, 0, 1, 0], [], []>, transpose_lhs_hint = false} : vector<256x64xbf16>, vector<2048x64xbf16>, vector<256x2048xf32> -> vector<256x2048xf32>
    %jit3A_97 = arith.constant -1.000000e+09 : f32
    %broadcast_in_dim3A_98 = vector.broadcast %jit3A_97 : f32 to vector<256x2048xf32>
    %select_n3A_99 = arith.select %le3A, %dot_general3A_96, %broadcast_in_dim3A_98 : vector<256x2048xi1>, vector<256x2048xf32>
    %exp3A_100 = math.exp %select_n3A_99 : vector<256x2048xf32>
    %convert_element_type3A_101 = arith.truncf %exp3A_100 : vector<256x2048xf32> to vector<256x2048xbf16>
    %dot_general3A_102 = arith.constant dense<0.000000e+00> : vector<256x64xf32>
    %dot_general3A_103 = tpu.matmul %convert_element_type3A_101, %slice3A_94, %dot_general3A_102 {dimension_numbers = #tpu.dot_dimension_numbers<[1], [0], [0], [1], [0, 0, 1, 1], [], []>, transpose_lhs_hint = false} : vector<256x2048xbf16>, vector<2048x64xbf16>, vector<256x64xf32> -> vector<256x64xf32>
    %reduce_sum3A_104 = arith.constant dense<0.000000e+00> : vector<256xf32>
    %reduce_sum3A_105 = vector.multi_reduction <add>, %exp3A_100, %reduce_sum3A_104 [1] : vector<256x2048xf32> to vector<256xf32>
    %broadcast_in_dim3A_106 = vector.shape_cast %reduce_sum3A_105 : vector<256xf32> to vector<256x1xf32>
    %div3A_107 = vector.broadcast %broadcast_in_dim3A_106 : vector<256x1xf32> to vector<256x64xf32>
    %div3A_108 = arith.divf %dot_general3A_103, %div3A_107 : vector<256x64xf32>
    %convert_element_type3A_109 = arith.truncf %div3A_108 : vector<256x64xf32> to vector<256x64xbf16>
    %slice3A_110 = vector.extract_strided_slice %get3A_1 {offsets = [0, 384], sizes = [256, 64], strides = [1, 1]} : vector<256x1024xbf16> to vector<256x64xbf16>
    %slice3A_111 = vector.extract_strided_slice %get3A_4 {offsets = [0, 192], sizes = [2048, 64], strides = [1, 1]} : vector<2048x512xbf16> to vector<2048x64xbf16>
    %slice3A_112 = vector.extract_strided_slice %get3A_7 {offsets = [0, 192], sizes = [2048, 64], strides = [1, 1]} : vector<2048x512xbf16> to vector<2048x64xbf16>
    %dot_general3A_113 = arith.constant dense<0.000000e+00> : vector<256x2048xf32>
    %dot_general3A_114 = tpu.matmul %slice3A_110, %slice3A_111, %dot_general3A_113 {dimension_numbers = #tpu.dot_dimension_numbers<[1], [1], [0], [0], [0, 0, 1, 0], [], []>, transpose_lhs_hint = false} : vector<256x64xbf16>, vector<2048x64xbf16>, vector<256x2048xf32> -> vector<256x2048xf32>
    %jit3A_115 = arith.constant -1.000000e+09 : f32
    %broadcast_in_dim3A_116 = vector.broadcast %jit3A_115 : f32 to vector<256x2048xf32>
    %select_n3A_117 = arith.select %le3A, %dot_general3A_114, %broadcast_in_dim3A_116 : vector<256x2048xi1>, vector<256x2048xf32>
    %exp3A_118 = math.exp %select_n3A_117 : vector<256x2048xf32>
    %convert_element_type3A_119 = arith.truncf %exp3A_118 : vector<256x2048xf32> to vector<256x2048xbf16>
    %dot_general3A_120 = arith.constant dense<0.000000e+00> : vector<256x64xf32>
    %dot_general3A_121 = tpu.matmul %convert_element_type3A_119, %slice3A_112, %dot_general3A_120 {dimension_numbers = #tpu.dot_dimension_numbers<[1], [0], [0], [1], [0, 0, 1, 1], [], []>, transpose_lhs_hint = false} : vector<256x2048xbf16>, vector<2048x64xbf16>, vector<256x64xf32> -> vector<256x64xf32>
    %reduce_sum3A_122 = arith.constant dense<0.000000e+00> : vector<256xf32>
    %reduce_sum3A_123 = vector.multi_reduction <add>, %exp3A_118, %reduce_sum3A_122 [1] : vector<256x2048xf32> to vector<256xf32>
    %broadcast_in_dim3A_124 = vector.shape_cast %reduce_sum3A_123 : vector<256xf32> to vector<256x1xf32>
    %div3A_125 = vector.broadcast %broadcast_in_dim3A_124 : vector<256x1xf32> to vector<256x64xf32>
    %div3A_126 = arith.divf %dot_general3A_121, %div3A_125 : vector<256x64xf32>
    %convert_element_type3A_127 = arith.truncf %div3A_126 : vector<256x64xf32> to vector<256x64xbf16>
    %slice3A_128 = vector.extract_strided_slice %get3A_1 {offsets = [0, 448], sizes = [256, 64], strides = [1, 1]} : vector<256x1024xbf16> to vector<256x64xbf16>
    %slice3A_129 = vector.extract_strided_slice %get3A_4 {offsets = [0, 192], sizes = [2048, 64], strides = [1, 1]} : vector<2048x512xbf16> to vector<2048x64xbf16>
    %slice3A_130 = vector.extract_strided_slice %get3A_7 {offsets = [0, 192], sizes = [2048, 64], strides = [1, 1]} : vector<2048x512xbf16> to vector<2048x64xbf16>
    %dot_general3A_131 = arith.constant dense<0.000000e+00> : vector<256x2048xf32>
    %dot_general3A_132 = tpu.matmul %slice3A_128, %slice3A_129, %dot_general3A_131 {dimension_numbers = #tpu.dot_dimension_numbers<[1], [1], [0], [0], [0, 0, 1, 0], [], []>, transpose_lhs_hint = false} : vector<256x64xbf16>, vector<2048x64xbf16>, vector<256x2048xf32> -> vector<256x2048xf32>
    %jit3A_133 = arith.constant -1.000000e+09 : f32
    %broadcast_in_dim3A_134 = vector.broadcast %jit3A_133 : f32 to vector<256x2048xf32>
    %select_n3A_135 = arith.select %le3A, %dot_general3A_132, %broadcast_in_dim3A_134 : vector<256x2048xi1>, vector<256x2048xf32>
    %exp3A_136 = math.exp %select_n3A_135 : vector<256x2048xf32>
    %convert_element_type3A_137 = arith.truncf %exp3A_136 : vector<256x2048xf32> to vector<256x2048xbf16>
    %dot_general3A_138 = arith.constant dense<0.000000e+00> : vector<256x64xf32>
    %dot_general3A_139 = tpu.matmul %convert_element_type3A_137, %slice3A_130, %dot_general3A_138 {dimension_numbers = #tpu.dot_dimension_numbers<[1], [0], [0], [1], [0, 0, 1, 1], [], []>, transpose_lhs_hint = false} : vector<256x2048xbf16>, vector<2048x64xbf16>, vector<256x64xf32> -> vector<256x64xf32>
    %reduce_sum3A_140 = arith.constant dense<0.000000e+00> : vector<256xf32>
    %reduce_sum3A_141 = vector.multi_reduction <add>, %exp3A_136, %reduce_sum3A_140 [1] : vector<256x2048xf32> to vector<256xf32>
    %broadcast_in_dim3A_142 = vector.shape_cast %reduce_sum3A_141 : vector<256xf32> to vector<256x1xf32>
    %div3A_143 = vector.broadcast %broadcast_in_dim3A_142 : vector<256x1xf32> to vector<256x64xf32>
    %div3A_144 = arith.divf %dot_general3A_139, %div3A_143 : vector<256x64xf32>
    %convert_element_type3A_145 = arith.truncf %div3A_144 : vector<256x64xf32> to vector<256x64xbf16>
    %slice3A_146 = vector.extract_strided_slice %get3A_1 {offsets = [0, 512], sizes = [256, 64], strides = [1, 1]} : vector<256x1024xbf16> to vector<256x64xbf16>
    %slice3A_147 = vector.extract_strided_slice %get3A_4 {offsets = [0, 256], sizes = [2048, 64], strides = [1, 1]} : vector<2048x512xbf16> to vector<2048x64xbf16>
    %slice3A_148 = vector.extract_strided_slice %get3A_7 {offsets = [0, 256], sizes = [2048, 64], strides = [1, 1]} : vector<2048x512xbf16> to vector<2048x64xbf16>
    %dot_general3A_149 = arith.constant dense<0.000000e+00> : vector<256x2048xf32>
    %dot_general3A_150 = tpu.matmul %slice3A_146, %slice3A_147, %dot_general3A_149 {dimension_numbers = #tpu.dot_dimension_numbers<[1], [1], [0], [0], [0, 0, 1, 0], [], []>, transpose_lhs_hint = false} : vector<256x64xbf16>, vector<2048x64xbf16>, vector<256x2048xf32> -> vector<256x2048xf32>
    %jit3A_151 = arith.constant -1.000000e+09 : f32
    %broadcast_in_dim3A_152 = vector.broadcast %jit3A_151 : f32 to vector<256x2048xf32>
    %select_n3A_153 = arith.select %le3A, %dot_general3A_150, %broadcast_in_dim3A_152 : vector<256x2048xi1>, vector<256x2048xf32>
    %exp3A_154 = math.exp %select_n3A_153 : vector<256x2048xf32>
    %convert_element_type3A_155 = arith.truncf %exp3A_154 : vector<256x2048xf32> to vector<256x2048xbf16>
    %dot_general3A_156 = arith.constant dense<0.000000e+00> : vector<256x64xf32>
    %dot_general3A_157 = tpu.matmul %convert_element_type3A_155, %slice3A_148, %dot_general3A_156 {dimension_numbers = #tpu.dot_dimension_numbers<[1], [0], [0], [1], [0, 0, 1, 1], [], []>, transpose_lhs_hint = false} : vector<256x2048xbf16>, vector<2048x64xbf16>, vector<256x64xf32> -> vector<256x64xf32>
    %reduce_sum3A_158 = arith.constant dense<0.000000e+00> : vector<256xf32>
    %reduce_sum3A_159 = vector.multi_reduction <add>, %exp3A_154, %reduce_sum3A_158 [1] : vector<256x2048xf32> to vector<256xf32>
    %broadcast_in_dim3A_160 = vector.shape_cast %reduce_sum3A_159 : vector<256xf32> to vector<256x1xf32>
    %div3A_161 = vector.broadcast %broadcast_in_dim3A_160 : vector<256x1xf32> to vector<256x64xf32>
    %div3A_162 = arith.divf %dot_general3A_157, %div3A_161 : vector<256x64xf32>
    %convert_element_type3A_163 = arith.truncf %div3A_162 : vector<256x64xf32> to vector<256x64xbf16>
    %slice3A_164 = vector.extract_strided_slice %get3A_1 {offsets = [0, 576], sizes = [256, 64], strides = [1, 1]} : vector<256x1024xbf16> to vector<256x64xbf16>
    %slice3A_165 = vector.extract_strided_slice %get3A_4 {offsets = [0, 256], sizes = [2048, 64], strides = [1, 1]} : vector<2048x512xbf16> to vector<2048x64xbf16>
    %slice3A_166 = vector.extract_strided_slice %get3A_7 {offsets = [0, 256], sizes = [2048, 64], strides = [1, 1]} : vector<2048x512xbf16> to vector<2048x64xbf16>
    %dot_general3A_167 = arith.constant dense<0.000000e+00> : vector<256x2048xf32>
    %dot_general3A_168 = tpu.matmul %slice3A_164, %slice3A_165, %dot_general3A_167 {dimension_numbers = #tpu.dot_dimension_numbers<[1], [1], [0], [0], [0, 0, 1, 0], [], []>, transpose_lhs_hint = false} : vector<256x64xbf16>, vector<2048x64xbf16>, vector<256x2048xf32> -> vector<256x2048xf32>
    %jit3A_169 = arith.constant -1.000000e+09 : f32
    %broadcast_in_dim3A_170 = vector.broadcast %jit3A_169 : f32 to vector<256x2048xf32>
    %select_n3A_171 = arith.select %le3A, %dot_general3A_168, %broadcast_in_dim3A_170 : vector<256x2048xi1>, vector<256x2048xf32>
    %exp3A_172 = math.exp %select_n3A_171 : vector<256x2048xf32>
    %convert_element_type3A_173 = arith.truncf %exp3A_172 : vector<256x2048xf32> to vector<256x2048xbf16>
    %dot_general3A_174 = arith.constant dense<0.000000e+00> : vector<256x64xf32>
    %dot_general3A_175 = tpu.matmul %convert_element_type3A_173, %slice3A_166, %dot_general3A_174 {dimension_numbers = #tpu.dot_dimension_numbers<[1], [0], [0], [1], [0, 0, 1, 1], [], []>, transpose_lhs_hint = false} : vector<256x2048xbf16>, vector<2048x64xbf16>, vector<256x64xf32> -> vector<256x64xf32>
    %reduce_sum3A_176 = arith.constant dense<0.000000e+00> : vector<256xf32>
    %reduce_sum3A_177 = vector.multi_reduction <add>, %exp3A_172, %reduce_sum3A_176 [1] : vector<256x2048xf32> to vector<256xf32>
    %broadcast_in_dim3A_178 = vector.shape_cast %reduce_sum3A_177 : vector<256xf32> to vector<256x1xf32>
    %div3A_179 = vector.broadcast %broadcast_in_dim3A_178 : vector<256x1xf32> to vector<256x64xf32>
    %div3A_180 = arith.divf %dot_general3A_175, %div3A_179 : vector<256x64xf32>
    %convert_element_type3A_181 = arith.truncf %div3A_180 : vector<256x64xf32> to vector<256x64xbf16>
    %slice3A_182 = vector.extract_strided_slice %get3A_1 {offsets = [0, 640], sizes = [256, 64], strides = [1, 1]} : vector<256x1024xbf16> to vector<256x64xbf16>
    %slice3A_183 = vector.extract_strided_slice %get3A_4 {offsets = [0, 320], sizes = [2048, 64], strides = [1, 1]} : vector<2048x512xbf16> to vector<2048x64xbf16>
    %slice3A_184 = vector.extract_strided_slice %get3A_7 {offsets = [0, 320], sizes = [2048, 64], strides = [1, 1]} : vector<2048x512xbf16> to vector<2048x64xbf16>
    %dot_general3A_185 = arith.constant dense<0.000000e+00> : vector<256x2048xf32>
    %dot_general3A_186 = tpu.matmul %slice3A_182, %slice3A_183, %dot_general3A_185 {dimension_numbers = #tpu.dot_dimension_numbers<[1], [1], [0], [0], [0, 0, 1, 0], [], []>, transpose_lhs_hint = false} : vector<256x64xbf16>, vector<2048x64xbf16>, vector<256x2048xf32> -> vector<256x2048xf32>
    %jit3A_187 = arith.constant -1.000000e+09 : f32
    %broadcast_in_dim3A_188 = vector.broadcast %jit3A_187 : f32 to vector<256x2048xf32>
    %select_n3A_189 = arith.select %le3A, %dot_general3A_186, %broadcast_in_dim3A_188 : vector<256x2048xi1>, vector<256x2048xf32>
    %exp3A_190 = math.exp %select_n3A_189 : vector<256x2048xf32>
    %convert_element_type3A_191 = arith.truncf %exp3A_190 : vector<256x2048xf32> to vector<256x2048xbf16>
    %dot_general3A_192 = arith.constant dense<0.000000e+00> : vector<256x64xf32>
    %dot_general3A_193 = tpu.matmul %convert_element_type3A_191, %slice3A_184, %dot_general3A_192 {dimension_numbers = #tpu.dot_dimension_numbers<[1], [0], [0], [1], [0, 0, 1, 1], [], []>, transpose_lhs_hint = false} : vector<256x2048xbf16>, vector<2048x64xbf16>, vector<256x64xf32> -> vector<256x64xf32>
    %reduce_sum3A_194 = arith.constant dense<0.000000e+00> : vector<256xf32>
    %reduce_sum3A_195 = vector.multi_reduction <add>, %exp3A_190, %reduce_sum3A_194 [1] : vector<256x2048xf32> to vector<256xf32>
    %broadcast_in_dim3A_196 = vector.shape_cast %reduce_sum3A_195 : vector<256xf32> to vector<256x1xf32>
    %div3A_197 = vector.broadcast %broadcast_in_dim3A_196 : vector<256x1xf32> to vector<256x64xf32>
    %div3A_198 = arith.divf %dot_general3A_193, %div3A_197 : vector<256x64xf32>
    %convert_element_type3A_199 = arith.truncf %div3A_198 : vector<256x64xf32> to vector<256x64xbf16>
    %slice3A_200 = vector.extract_strided_slice %get3A_1 {offsets = [0, 704], sizes = [256, 64], strides = [1, 1]} : vector<256x1024xbf16> to vector<256x64xbf16>
    %slice3A_201 = vector.extract_strided_slice %get3A_4 {offsets = [0, 320], sizes = [2048, 64], strides = [1, 1]} : vector<2048x512xbf16> to vector<2048x64xbf16>
    %slice3A_202 = vector.extract_strided_slice %get3A_7 {offsets = [0, 320], sizes = [2048, 64], strides = [1, 1]} : vector<2048x512xbf16> to vector<2048x64xbf16>
    %dot_general3A_203 = arith.constant dense<0.000000e+00> : vector<256x2048xf32>
    %dot_general3A_204 = tpu.matmul %slice3A_200, %slice3A_201, %dot_general3A_203 {dimension_numbers = #tpu.dot_dimension_numbers<[1], [1], [0], [0], [0, 0, 1, 0], [], []>, transpose_lhs_hint = false} : vector<256x64xbf16>, vector<2048x64xbf16>, vector<256x2048xf32> -> vector<256x2048xf32>
    %jit3A_205 = arith.constant -1.000000e+09 : f32
    %broadcast_in_dim3A_206 = vector.broadcast %jit3A_205 : f32 to vector<256x2048xf32>
    %select_n3A_207 = arith.select %le3A, %dot_general3A_204, %broadcast_in_dim3A_206 : vector<256x2048xi1>, vector<256x2048xf32>
    %exp3A_208 = math.exp %select_n3A_207 : vector<256x2048xf32>
    %convert_element_type3A_209 = arith.truncf %exp3A_208 : vector<256x2048xf32> to vector<256x2048xbf16>
    %dot_general3A_210 = arith.constant dense<0.000000e+00> : vector<256x64xf32>
    %dot_general3A_211 = tpu.matmul %convert_element_type3A_209, %slice3A_202, %dot_general3A_210 {dimension_numbers = #tpu.dot_dimension_numbers<[1], [0], [0], [1], [0, 0, 1, 1], [], []>, transpose_lhs_hint = false} : vector<256x2048xbf16>, vector<2048x64xbf16>, vector<256x64xf32> -> vector<256x64xf32>
    %reduce_sum3A_212 = arith.constant dense<0.000000e+00> : vector<256xf32>
    %reduce_sum3A_213 = vector.multi_reduction <add>, %exp3A_208, %reduce_sum3A_212 [1] : vector<256x2048xf32> to vector<256xf32>
    %broadcast_in_dim3A_214 = vector.shape_cast %reduce_sum3A_213 : vector<256xf32> to vector<256x1xf32>
    %div3A_215 = vector.broadcast %broadcast_in_dim3A_214 : vector<256x1xf32> to vector<256x64xf32>
    %div3A_216 = arith.divf %dot_general3A_211, %div3A_215 : vector<256x64xf32>
    %convert_element_type3A_217 = arith.truncf %div3A_216 : vector<256x64xf32> to vector<256x64xbf16>
    %slice3A_218 = vector.extract_strided_slice %get3A_1 {offsets = [0, 768], sizes = [256, 64], strides = [1, 1]} : vector<256x1024xbf16> to vector<256x64xbf16>
    %slice3A_219 = vector.extract_strided_slice %get3A_4 {offsets = [0, 384], sizes = [2048, 64], strides = [1, 1]} : vector<2048x512xbf16> to vector<2048x64xbf16>
    %slice3A_220 = vector.extract_strided_slice %get3A_7 {offsets = [0, 384], sizes = [2048, 64], strides = [1, 1]} : vector<2048x512xbf16> to vector<2048x64xbf16>
    %dot_general3A_221 = arith.constant dense<0.000000e+00> : vector<256x2048xf32>
    %dot_general3A_222 = tpu.matmul %slice3A_218, %slice3A_219, %dot_general3A_221 {dimension_numbers = #tpu.dot_dimension_numbers<[1], [1], [0], [0], [0, 0, 1, 0], [], []>, transpose_lhs_hint = false} : vector<256x64xbf16>, vector<2048x64xbf16>, vector<256x2048xf32> -> vector<256x2048xf32>
    %jit3A_223 = arith.constant -1.000000e+09 : f32
    %broadcast_in_dim3A_224 = vector.broadcast %jit3A_223 : f32 to vector<256x2048xf32>
    %select_n3A_225 = arith.select %le3A, %dot_general3A_222, %broadcast_in_dim3A_224 : vector<256x2048xi1>, vector<256x2048xf32>
    %exp3A_226 = math.exp %select_n3A_225 : vector<256x2048xf32>
    %convert_element_type3A_227 = arith.truncf %exp3A_226 : vector<256x2048xf32> to vector<256x2048xbf16>
    %dot_general3A_228 = arith.constant dense<0.000000e+00> : vector<256x64xf32>
    %dot_general3A_229 = tpu.matmul %convert_element_type3A_227, %slice3A_220, %dot_general3A_228 {dimension_numbers = #tpu.dot_dimension_numbers<[1], [0], [0], [1], [0, 0, 1, 1], [], []>, transpose_lhs_hint = false} : vector<256x2048xbf16>, vector<2048x64xbf16>, vector<256x64xf32> -> vector<256x64xf32>
    %reduce_sum3A_230 = arith.constant dense<0.000000e+00> : vector<256xf32>
    %reduce_sum3A_231 = vector.multi_reduction <add>, %exp3A_226, %reduce_sum3A_230 [1] : vector<256x2048xf32> to vector<256xf32>
    %broadcast_in_dim3A_232 = vector.shape_cast %reduce_sum3A_231 : vector<256xf32> to vector<256x1xf32>
    %div3A_233 = vector.broadcast %broadcast_in_dim3A_232 : vector<256x1xf32> to vector<256x64xf32>
    %div3A_234 = arith.divf %dot_general3A_229, %div3A_233 : vector<256x64xf32>
    %convert_element_type3A_235 = arith.truncf %div3A_234 : vector<256x64xf32> to vector<256x64xbf16>
    %slice3A_236 = vector.extract_strided_slice %get3A_1 {offsets = [0, 832], sizes = [256, 64], strides = [1, 1]} : vector<256x1024xbf16> to vector<256x64xbf16>
    %slice3A_237 = vector.extract_strided_slice %get3A_4 {offsets = [0, 384], sizes = [2048, 64], strides = [1, 1]} : vector<2048x512xbf16> to vector<2048x64xbf16>
    %slice3A_238 = vector.extract_strided_slice %get3A_7 {offsets = [0, 384], sizes = [2048, 64], strides = [1, 1]} : vector<2048x512xbf16> to vector<2048x64xbf16>
    %dot_general3A_239 = arith.constant dense<0.000000e+00> : vector<256x2048xf32>
    %dot_general3A_240 = tpu.matmul %slice3A_236, %slice3A_237, %dot_general3A_239 {dimension_numbers = #tpu.dot_dimension_numbers<[1], [1], [0], [0], [0, 0, 1, 0], [], []>, transpose_lhs_hint = false} : vector<256x64xbf16>, vector<2048x64xbf16>, vector<256x2048xf32> -> vector<256x2048xf32>
    %jit3A_241 = arith.constant -1.000000e+09 : f32
    %broadcast_in_dim3A_242 = vector.broadcast %jit3A_241 : f32 to vector<256x2048xf32>
    %select_n3A_243 = arith.select %le3A, %dot_general3A_240, %broadcast_in_dim3A_242 : vector<256x2048xi1>, vector<256x2048xf32>
    %exp3A_244 = math.exp %select_n3A_243 : vector<256x2048xf32>
    %convert_element_type3A_245 = arith.truncf %exp3A_244 : vector<256x2048xf32> to vector<256x2048xbf16>
    %dot_general3A_246 = arith.constant dense<0.000000e+00> : vector<256x64xf32>
    %dot_general3A_247 = tpu.matmul %convert_element_type3A_245, %slice3A_238, %dot_general3A_246 {dimension_numbers = #tpu.dot_dimension_numbers<[1], [0], [0], [1], [0, 0, 1, 1], [], []>, transpose_lhs_hint = false} : vector<256x2048xbf16>, vector<2048x64xbf16>, vector<256x64xf32> -> vector<256x64xf32>
    %reduce_sum3A_248 = arith.constant dense<0.000000e+00> : vector<256xf32>
    %reduce_sum3A_249 = vector.multi_reduction <add>, %exp3A_244, %reduce_sum3A_248 [1] : vector<256x2048xf32> to vector<256xf32>
    %broadcast_in_dim3A_250 = vector.shape_cast %reduce_sum3A_249 : vector<256xf32> to vector<256x1xf32>
    %div3A_251 = vector.broadcast %broadcast_in_dim3A_250 : vector<256x1xf32> to vector<256x64xf32>
    %div3A_252 = arith.divf %dot_general3A_247, %div3A_251 : vector<256x64xf32>
    %convert_element_type3A_253 = arith.truncf %div3A_252 : vector<256x64xf32> to vector<256x64xbf16>
    %slice3A_254 = vector.extract_strided_slice %get3A_1 {offsets = [0, 896], sizes = [256, 64], strides = [1, 1]} : vector<256x1024xbf16> to vector<256x64xbf16>
    %slice3A_255 = vector.extract_strided_slice %get3A_4 {offsets = [0, 448], sizes = [2048, 64], strides = [1, 1]} : vector<2048x512xbf16> to vector<2048x64xbf16>
    %slice3A_256 = vector.extract_strided_slice %get3A_7 {offsets = [0, 448], sizes = [2048, 64], strides = [1, 1]} : vector<2048x512xbf16> to vector<2048x64xbf16>
    %dot_general3A_257 = arith.constant dense<0.000000e+00> : vector<256x2048xf32>
    %dot_general3A_258 = tpu.matmul %slice3A_254, %slice3A_255, %dot_general3A_257 {dimension_numbers = #tpu.dot_dimension_numbers<[1], [1], [0], [0], [0, 0, 1, 0], [], []>, transpose_lhs_hint = false} : vector<256x64xbf16>, vector<2048x64xbf16>, vector<256x2048xf32> -> vector<256x2048xf32>
    %jit3A_259 = arith.constant -1.000000e+09 : f32
    %broadcast_in_dim3A_260 = vector.broadcast %jit3A_259 : f32 to vector<256x2048xf32>
    %select_n3A_261 = arith.select %le3A, %dot_general3A_258, %broadcast_in_dim3A_260 : vector<256x2048xi1>, vector<256x2048xf32>
    %exp3A_262 = math.exp %select_n3A_261 : vector<256x2048xf32>
    %convert_element_type3A_263 = arith.truncf %exp3A_262 : vector<256x2048xf32> to vector<256x2048xbf16>
    %dot_general3A_264 = arith.constant dense<0.000000e+00> : vector<256x64xf32>
    %dot_general3A_265 = tpu.matmul %convert_element_type3A_263, %slice3A_256, %dot_general3A_264 {dimension_numbers = #tpu.dot_dimension_numbers<[1], [0], [0], [1], [0, 0, 1, 1], [], []>, transpose_lhs_hint = false} : vector<256x2048xbf16>, vector<2048x64xbf16>, vector<256x64xf32> -> vector<256x64xf32>
    %reduce_sum3A_266 = arith.constant dense<0.000000e+00> : vector<256xf32>
    %reduce_sum3A_267 = vector.multi_reduction <add>, %exp3A_262, %reduce_sum3A_266 [1] : vector<256x2048xf32> to vector<256xf32>
    %broadcast_in_dim3A_268 = vector.shape_cast %reduce_sum3A_267 : vector<256xf32> to vector<256x1xf32>
    %div3A_269 = vector.broadcast %broadcast_in_dim3A_268 : vector<256x1xf32> to vector<256x64xf32>
    %div3A_270 = arith.divf %dot_general3A_265, %div3A_269 : vector<256x64xf32>
    %convert_element_type3A_271 = arith.truncf %div3A_270 : vector<256x64xf32> to vector<256x64xbf16>
    %slice3A_272 = vector.extract_strided_slice %get3A_1 {offsets = [0, 960], sizes = [256, 64], strides = [1, 1]} : vector<256x1024xbf16> to vector<256x64xbf16>
    %slice3A_273 = vector.extract_strided_slice %get3A_4 {offsets = [0, 448], sizes = [2048, 64], strides = [1, 1]} : vector<2048x512xbf16> to vector<2048x64xbf16>
    %slice3A_274 = vector.extract_strided_slice %get3A_7 {offsets = [0, 448], sizes = [2048, 64], strides = [1, 1]} : vector<2048x512xbf16> to vector<2048x64xbf16>
    %dot_general3A_275 = arith.constant dense<0.000000e+00> : vector<256x2048xf32>
    %dot_general3A_276 = tpu.matmul %slice3A_272, %slice3A_273, %dot_general3A_275 {dimension_numbers = #tpu.dot_dimension_numbers<[1], [1], [0], [0], [0, 0, 1, 0], [], []>, transpose_lhs_hint = false} : vector<256x64xbf16>, vector<2048x64xbf16>, vector<256x2048xf32> -> vector<256x2048xf32>
    %jit3A_277 = arith.constant -1.000000e+09 : f32
    %broadcast_in_dim3A_278 = vector.broadcast %jit3A_277 : f32 to vector<256x2048xf32>
    %select_n3A_279 = arith.select %le3A, %dot_general3A_276, %broadcast_in_dim3A_278 : vector<256x2048xi1>, vector<256x2048xf32>
    %exp3A_280 = math.exp %select_n3A_279 : vector<256x2048xf32>
    %convert_element_type3A_281 = arith.truncf %exp3A_280 : vector<256x2048xf32> to vector<256x2048xbf16>
    %dot_general3A_282 = arith.constant dense<0.000000e+00> : vector<256x64xf32>
    %dot_general3A_283 = tpu.matmul %convert_element_type3A_281, %slice3A_274, %dot_general3A_282 {dimension_numbers = #tpu.dot_dimension_numbers<[1], [0], [0], [1], [0, 0, 1, 1], [], []>, transpose_lhs_hint = false} : vector<256x2048xbf16>, vector<2048x64xbf16>, vector<256x64xf32> -> vector<256x64xf32>
    %reduce_sum3A_284 = arith.constant dense<0.000000e+00> : vector<256xf32>
    %reduce_sum3A_285 = vector.multi_reduction <add>, %exp3A_280, %reduce_sum3A_284 [1] : vector<256x2048xf32> to vector<256xf32>
    %broadcast_in_dim3A_286 = vector.shape_cast %reduce_sum3A_285 : vector<256xf32> to vector<256x1xf32>
    %div3A_287 = vector.broadcast %broadcast_in_dim3A_286 : vector<256x1xf32> to vector<256x64xf32>
    %div3A_288 = arith.divf %dot_general3A_283, %div3A_287 : vector<256x64xf32>
    %convert_element_type3A_289 = arith.truncf %div3A_288 : vector<256x64xf32> to vector<256x64xbf16>
    %concatenate3A = tpu.concatenate %convert_element_type3A_19, %convert_element_type3A_37, %convert_element_type3A_55, %convert_element_type3A_73, %convert_element_type3A_91, %convert_element_type3A_109, %convert_element_type3A_127, %convert_element_type3A_145, %convert_element_type3A_163, %convert_element_type3A_181, %convert_element_type3A_199, %convert_element_type3A_217, %convert_element_type3A_235, %convert_element_type3A_253, %convert_element_type3A_271, %convert_element_type3A_289 in 1 : vector<256x64xbf16>, vector<256x64xbf16>, vector<256x64xbf16>, vector<256x64xbf16>, vector<256x64xbf16>, vector<256x64xbf16>, vector<256x64xbf16>, vector<256x64xbf16>, vector<256x64xbf16>, vector<256x64xbf16>, vector<256x64xbf16>, vector<256x64xbf16>, vector<256x64xbf16>, vector<256x64xbf16>, vector<256x64xbf16>, vector<256x64xbf16> -> vector<256x1024xbf16>
    %get3A_290 = arith.constant 0 : index
    %get3A_291 = arith.constant 0 : index
    %get3A_292 = vector.load %arg5[%get3A_290, %get3A_291] : memref<256x1024xf32, #tpu.memory_space<vmem>>, vector<256x1024xf32>
    %get3A_293 = arith.constant 0 : index
    %get3A_294 = arith.constant 0 : index
    %get3A_295 = vector.load %arg4[%get3A_293, %get3A_294] : memref<1024x1024xbf16, #tpu.memory_space<vmem>>, vector<1024x1024xbf16>
    %dot_general3A_296 = arith.constant dense<0.000000e+00> : vector<256x1024xf32>
    %dot_general3A_297 = tpu.matmul %concatenate3A, %get3A_295, %dot_general3A_296 {dimension_numbers = #tpu.dot_dimension_numbers<[1], [0], [0], [1], [0, 0, 1, 1], [], []>, transpose_lhs_hint = false} : vector<256x1024xbf16>, vector<1024x1024xbf16>, vector<256x1024xf32> -> vector<256x1024xf32>
    %add3A_298 = arith.addf %get3A_292, %dot_general3A_297 : vector<256x1024xf32>
    %swap3A = arith.constant 0 : index
    %swap3A_299 = arith.constant 0 : index
    %swap3A_300 = vector.load %arg8[%swap3A, %swap3A_299] : memref<256x1024xf32, #tpu.memory_space<vmem>>, vector<256x1024xf32>
    tpu.vector_store %arg8[%swap3A, %swap3A_299], %add3A_298 {strides = array<i32>} : memref<256x1024xf32, #tpu.memory_space<vmem>>, vector<256x1024xf32>,
    %get3A_301 = arith.constant 0 : index
    %get3A_302 = arith.constant 0 : index
    %get3A_303 = vector.load %arg6[%get3A_301, %get3A_302] : memref<1x1024xf32, #tpu.memory_space<vmem>>, vector<1x1024xf32>
    %mul3A_304 = arith.mulf %add3A_298, %add3A_298 : vector<256x1024xf32>
    %reduce_sum3A_305 = arith.constant dense<0.000000e+00> : vector<256xf32>
    %reduce_sum3A_306 = vector.multi_reduction <add>, %mul3A_304, %reduce_sum3A_305 [1] : vector<256x1024xf32> to vector<256xf32>
    %broadcast_in_dim3A_307 = vector.shape_cast %reduce_sum3A_306 : vector<256xf32> to vector<256x1xf32>
    %div3A_308 = arith.constant 1.024000e+03 : f32
    %div3A_309 = vector.broadcast %div3A_308 : f32 to vector<256x1xf32>
    %div3A_310 = arith.divf %broadcast_in_dim3A_307, %div3A_309 : vector<256x1xf32>
    %add3A_311 = arith.constant 9.99999997E-7 : f32
    %add3A_312 = vector.broadcast %add3A_311 : f32 to vector<256x1xf32>
    %add3A_313 = arith.addf %div3A_310, %add3A_312 : vector<256x1xf32>
    %rsqrt3A = math.rsqrt %add3A_313 : vector<256x1xf32>
    %mul3A_314 = vector.broadcast %rsqrt3A : vector<256x1xf32> to vector<256x1024xf32>
    %mul3A_315 = arith.mulf %add3A_298, %mul3A_314 : vector<256x1024xf32>
    %mul3A_316 = vector.broadcast %get3A_303 : vector<1x1024xf32> to vector<256x1024xf32>
    %mul3A_317 = arith.mulf %mul3A_315, %mul3A_316 : vector<256x1024xf32>
    %swap3A_318 = arith.constant 0 : index
    %swap3A_319 = arith.constant 0 : index
    %swap3A_320 = vector.load %arg9[%swap3A_318, %swap3A_319] : memref<256x1024xf32, #tpu.memory_space<vmem>>, vector<256x1024xf32>
    tpu.vector_store %arg9[%swap3A_318, %swap3A_319], %mul3A_317 {strides = array<i32>} : memref<256x1024xf32, #tpu.memory_space<vmem>>, vector<256x1024xf32>,
    %get3A_321 = arith.constant 0 : index
    %get3A_322 = arith.constant 0 : index
    %get3A_323 = vector.load %arg7[%get3A_321, %get3A_322] : memref<1024x8xf32, #tpu.memory_space<vmem>>, vector<1024x8xf32>
    %dot_general3A_324 = arith.constant dense<0.000000e+00> : vector<256x8xf32>
    %dot_general3A_325 = tpu.matmul %mul3A_317, %get3A_323, %dot_general3A_324 {dimension_numbers = #tpu.dot_dimension_numbers<[1], [0], [0], [1], [0, 0, 1, 1], [], []>, transpose_lhs_hint = false} : vector<256x1024xf32>, vector<1024x8xf32>, vector<256x8xf32> -> vector<256x8xf32>
    %reduce_max3A = arith.constant dense<0xFF800000> : vector<256xf32>
    %reduce_max3A_326 = vector.multi_reduction <maximumf>, %dot_general3A_325, %reduce_max3A [1] : vector<256x8xf32> to vector<256xf32>
    %broadcast_in_dim3A_327 = vector.shape_cast %reduce_max3A_326 : vector<256xf32> to vector<256x1xf32>
    %sub3A = vector.broadcast %broadcast_in_dim3A_327 : vector<256x1xf32> to vector<256x8xf32>
    %sub3A_328 = arith.subf %dot_general3A_325, %sub3A : vector<256x8xf32>
    %exp3A_329 = math.exp %sub3A_328 : vector<256x8xf32>
    %reduce_sum3A_330 = arith.constant dense<0.000000e+00> : vector<256xf32>
    %reduce_sum3A_331 = vector.multi_reduction <add>, %exp3A_329, %reduce_sum3A_330 [1] : vector<256x8xf32> to vector<256xf32>
    %broadcast_in_dim3A_332 = vector.shape_cast %reduce_sum3A_331 : vector<256xf32> to vector<256x1xf32>
    %div3A_333 = vector.broadcast %broadcast_in_dim3A_332 : vector<256x1xf32> to vector<256x8xf32>
    %div3A_334 = arith.divf %exp3A_329, %div3A_333 : vector<256x8xf32>
    %iota3A_335 = tpu.iota {dimensions = array<i32: 1>} : vector<256x8xi32>
    %reduce_max3A_336 = arith.constant dense<0xFF800000> : vector<256xf32>
    %reduce_max3A_337 = vector.multi_reduction <maximumf>, %div3A_334, %reduce_max3A_336 [1] : vector<256x8xf32> to vector<256xf32>
    %broadcast_in_dim3A_338 = vector.shape_cast %reduce_max3A_337 : vector<256xf32> to vector<256x1xf32>
    %eq3A = vector.broadcast %broadcast_in_dim3A_338 : vector<256x1xf32> to vector<256x8xf32>
    %eq3A_339 = arith.cmpf oeq, %div3A_334, %eq3A : vector<256x8xf32>
    %jit3A_340 = arith.constant 8 : i32
    %broadcast_in_dim3A_341 = vector.broadcast %jit3A_340 : i32 to vector<256x8xi32>
    %select_n3A_342 = arith.select %eq3A_339, %iota3A_335, %broadcast_in_dim3A_341 : vector<256x8xi1>, vector<256x8xi32>
    %reduce_min3A = arith.constant dense<2147483647> : vector<256xi32>
    %reduce_min3A_343 = vector.multi_reduction <minsi>, %select_n3A_342, %reduce_min3A [1] : vector<256x8xi32> to vector<256xi32>
    %broadcast_in_dim3A_344 = vector.shape_cast %reduce_min3A_343 : vector<256xi32> to vector<256x1xi32>
    %eq3A_345 = vector.broadcast %broadcast_in_dim3A_344 : vector<256x1xi32> to vector<256x8xi32>
    %eq3A_346 = arith.cmpi eq, %iota3A_335, %eq3A_345 : vector<256x8xi32>
    %jit3A_347 = arith.constant -1.000000e+00 : f32
    %broadcast_in_dim3A_348 = vector.broadcast %jit3A_347 : f32 to vector<256x8xf32>
    %select_n3A_349 = arith.select %eq3A_346, %broadcast_in_dim3A_348, %div3A_334 : vector<256x8xi1>, vector<256x8xf32>
    %reduce_max3A_350 = arith.constant dense<0xFF800000> : vector<256xf32>
    %reduce_max3A_351 = vector.multi_reduction <maximumf>, %select_n3A_349, %reduce_max3A_350 [1] : vector<256x8xf32> to vector<256xf32>
    %broadcast_in_dim3A_352 = vector.shape_cast %reduce_max3A_351 : vector<256xf32> to vector<256x1xf32>
    %eq3A_353 = vector.broadcast %broadcast_in_dim3A_352 : vector<256x1xf32> to vector<256x8xf32>
    %eq3A_354 = arith.cmpf oeq, %select_n3A_349, %eq3A_353 : vector<256x8xf32>
    %jit3A_355 = arith.constant 8 : i32
    %broadcast_in_dim3A_356 = vector.broadcast %jit3A_355 : i32 to vector<256x8xi32>
    %select_n3A_357 = arith.select %eq3A_354, %iota3A_335, %broadcast_in_dim3A_356 : vector<256x8xi1>, vector<256x8xi32>
    %reduce_min3A_358 = arith.constant dense<2147483647> : vector<256xi32>
    %reduce_min3A_359 = vector.multi_reduction <minsi>, %select_n3A_357, %reduce_min3A_358 [1] : vector<256x8xi32> to vector<256xi32>
    %broadcast_in_dim3A_360 = vector.shape_cast %reduce_min3A_359 : vector<256xi32> to vector<256x1xi32>
    %eq3A_361 = vector.broadcast %broadcast_in_dim3A_360 : vector<256x1xi32> to vector<256x8xi32>
    %eq3A_362 = arith.cmpi eq, %iota3A_335, %eq3A_361 : vector<256x8xi32>
    %add3A_363 = arith.addf %broadcast_in_dim3A_338, %broadcast_in_dim3A_352 : vector<256x1xf32>
    %jit3A_364 = arith.constant 0.000000e+00 : f32
    %broadcast_in_dim3A_365 = vector.shape_cast %broadcast_in_dim3A_338 : vector<256x1xf32> to vector<256x1xf32>
    %broadcast_in_dim3A_366 = vector.broadcast %broadcast_in_dim3A_365 : vector<256x1xf32> to vector<256x8xf32>
    %broadcast_in_dim3A_367 = vector.broadcast %jit3A_364 : f32 to vector<256x8xf32>
    %select_n3A_368 = arith.select %eq3A_346, %broadcast_in_dim3A_366, %broadcast_in_dim3A_367 : vector<256x8xi1>, vector<256x8xf32>
    %jit3A_369 = arith.constant 0.000000e+00 : f32
    %broadcast_in_dim3A_370 = vector.shape_cast %broadcast_in_dim3A_352 : vector<256x1xf32> to vector<256x1xf32>
    %broadcast_in_dim3A_371 = vector.broadcast %broadcast_in_dim3A_370 : vector<256x1xf32> to vector<256x8xf32>
    %broadcast_in_dim3A_372 = vector.broadcast %jit3A_369 : f32 to vector<256x8xf32>
    %select_n3A_373 = arith.select %eq3A_362, %broadcast_in_dim3A_371, %broadcast_in_dim3A_372 : vector<256x8xi1>, vector<256x8xf32>
    %add3A_374 = arith.addf %select_n3A_368, %select_n3A_373 : vector<256x8xf32>
    %div3A_375 = vector.broadcast %add3A_363 : vector<256x1xf32> to vector<256x8xf32>
    %div3A_376 = arith.divf %add3A_374, %div3A_375 : vector<256x8xf32>
    %swap3A_377 = arith.constant 0 : index
    %swap3A_378 = arith.constant 0 : index
    %swap3A_379 = vector.load %arg10[%swap3A_377, %swap3A_378] : memref<256x8xf32, #tpu.memory_space<vmem>>, vector<256x8xf32>
    tpu.vector_store %arg10[%swap3A_377, %swap3A_378], %div3A_376 {strides = array<i32>} : memref<256x8xf32, #tpu.memory_space<vmem>>, vector<256x8xf32>,
    %eq3A_380 = arith.constant 0 : i32
    %eq3A_381 = arith.cmpi eq, %arg0, %eq3A_380 : i32
    %convert_element_type3A_382 = arith.extui %eq3A_381 : i1 to i32
    %cond3A = arith.constant 0 : i32
    %cond3A_383 = arith.cmpi ne, %convert_element_type3A_382, %cond3A : i32
    scf.if %cond3A_383 {
      %broadcast_in_dim3A_418 = arith.constant 0.000000e+00 : f32
      %broadcast_in_dim3A_419 = vector.broadcast %broadcast_in_dim3A_418 : f32 to vector<1x8xf32>
      %swap3A_420 = arith.constant 0 : index
      %swap3A_421 = arith.constant 0 : index
      %swap3A_422 = vector.load %arg13[%swap3A_420, %swap3A_421] : memref<1x8xf32, #tpu.memory_space<vmem>>, vector<1x8xf32>
      tpu.vector_store %arg13[%swap3A_420, %swap3A_421], %broadcast_in_dim3A_419 {strides = array<i32>} : memref<1x8xf32, #tpu.memory_space<vmem>>, vector<1x8xf32>,
    } else {
    }
    %or3A = arith.ori %eq3A_346, %eq3A_362 : vector<256x8xi1>
    %convert_element_type3A_384 = arith.extui %or3A : vector<256x8xi1> to vector<256x8xi32>
    %convert_element_type3A_385 = arith.sitofp %convert_element_type3A_384 : vector<256x8xi32> to vector<256x8xf32>
    %iota3A_386 = tpu.iota {dimensions = array<i32: 0>} : vector<256x256xi32>
    %iota3A_387 = tpu.iota {dimensions = array<i32: 1>} : vector<256x256xi32>
    %lt3A = arith.cmpi slt, %iota3A_387, %iota3A_386 : vector<256x256xi32>
    %convert_element_type3A_388 = arith.extui %lt3A : vector<256x256xi1> to vector<256x256xi32>
    %convert_element_type3A_389 = arith.sitofp %convert_element_type3A_388 : vector<256x256xi32> to vector<256x256xf32>
    %convert_element_type3A_390 = arith.truncf %convert_element_type3A_389 : vector<256x256xf32> to vector<256x256xbf16>
    %convert_element_type3A_391 = arith.truncf %convert_element_type3A_385 : vector<256x8xf32> to vector<256x8xbf16>
    %dot_general3A_392 = arith.constant dense<0.000000e+00> : vector<256x8xf32>
    %dot_general3A_393 = tpu.matmul %convert_element_type3A_390, %convert_element_type3A_391, %dot_general3A_392 {dimension_numbers = #tpu.dot_dimension_numbers<[1], [0], [0], [1], [0, 0, 1, 1], [], []>, transpose_lhs_hint = false} : vector<256x256xbf16>, vector<256x8xbf16>, vector<256x8xf32> -> vector<256x8xf32>
    %get3A_394 = arith.constant 0 : index
    %get3A_395 = arith.constant 0 : index
    %get3A_396 = vector.load %arg13[%get3A_394, %get3A_395] : memref<1x8xf32, #tpu.memory_space<vmem>>, vector<1x8xf32>
    %add3A_397 = vector.broadcast %get3A_396 : vector<1x8xf32> to vector<256x8xf32>
    %add3A_398 = arith.addf %dot_general3A_393, %add3A_397 : vector<256x8xf32>
    %swap3A_399 = arith.constant 0 : index
    %swap3A_400 = arith.constant 0 : index
    %swap3A_401 = vector.load %arg11[%swap3A_399, %swap3A_400] : memref<256x8xf32, #tpu.memory_space<vmem>>, vector<256x8xf32>
    tpu.vector_store %arg11[%swap3A_399, %swap3A_400], %add3A_398 {strides = array<i32>} : memref<256x8xf32, #tpu.memory_space<vmem>>, vector<256x8xf32>,
    %get3A_402 = arith.constant 0 : index
    %get3A_403 = arith.constant 0 : index
    %get3A_404 = vector.load %arg13[%get3A_402, %get3A_403] : memref<1x8xf32, #tpu.memory_space<vmem>>, vector<1x8xf32>
    %reduce_sum3A_405 = arith.constant dense<0.000000e+00> : vector<8xf32>
    %reduce_sum3A_406 = vector.multi_reduction <add>, %convert_element_type3A_385, %reduce_sum3A_405 [0] : vector<256x8xf32> to vector<8xf32>
    %broadcast_in_dim3A_407 = vector.shape_cast %reduce_sum3A_406 : vector<8xf32> to vector<1x8xf32>
    %add3A_408 = arith.addf %get3A_404, %broadcast_in_dim3A_407 : vector<1x8xf32>
    %swap3A_409 = arith.constant 0 : index
    %swap3A_410 = arith.constant 0 : index
    %swap3A_411 = vector.load %arg13[%swap3A_409, %swap3A_410] : memref<1x8xf32, #tpu.memory_space<vmem>>, vector<1x8xf32>
    tpu.vector_store %arg13[%swap3A_409, %swap3A_410], %add3A_408 {strides = array<i32>} : memref<1x8xf32, #tpu.memory_space<vmem>>, vector<1x8xf32>,
    %get3A_412 = arith.constant 0 : index
    %get3A_413 = arith.constant 0 : index
    %get3A_414 = vector.load %arg13[%get3A_412, %get3A_413] : memref<1x8xf32, #tpu.memory_space<vmem>>, vector<1x8xf32>
    %swap3A_415 = arith.constant 0 : index
    %swap3A_416 = arith.constant 0 : index
    %swap3A_417 = vector.load %arg12[%swap3A_415, %swap3A_416] : memref<1x8xf32, #tpu.memory_space<vmem>>, vector<1x8xf32>
    tpu.vector_store %arg12[%swap3A_415, %swap3A_416], %get3A_414 {strides = array<i32>} : memref<1x8xf32, #tpu.memory_space<vmem>>, vector<1x8xf32>,
    return
  }
  func.func @transform_0(%arg0: i32) -> (i32, i32) {
    %c0_i32 = arith.constant 0 : i32
    %c0_i32_0 = arith.constant 0 : i32
    return %arg0, %c0_i32 : i32, i32
  }
  func.func @transform_1(%arg0: i32) -> (i32, i32) {
    %c0_i32 = arith.constant 0 : i32
    %c0_i32_0 = arith.constant 0 : i32
    %c0_i32_1 = arith.constant 0 : i32
    return %c0_i32, %c0_i32_0 : i32, i32
  }
  func.func @transform_2(%arg0: i32) -> (i32, i32) {
    %c0_i32 = arith.constant 0 : i32
    %c0_i32_0 = arith.constant 0 : i32
    %c0_i32_1 = arith.constant 0 : i32
    return %c0_i32, %c0_i32_0 : i32, i32
  }
  func.func @transform_3(%arg0: i32) -> (i32, i32) {
    %c0_i32 = arith.constant 0 : i32
    %c0_i32_0 = arith.constant 0 : i32
    %c0_i32_1 = arith.constant 0 : i32
    return %c0_i32, %c0_i32_0 : i32, i32
  }
  func.func @transform_4(%arg0: i32) -> (i32, i32) {
    %c0_i32 = arith.constant 0 : i32
    %c0_i32_0 = arith.constant 0 : i32
    return %arg0, %c0_i32 : i32, i32
  }
  func.func @transform_5(%arg0: i32) -> (i32, i32) {
    %c0_i32 = arith.constant 0 : i32
    %c0_i32_0 = arith.constant 0 : i32
    %c0_i32_1 = arith.constant 0 : i32
    return %c0_i32, %c0_i32_0 : i32, i32
  }
  func.func @transform_6(%arg0: i32) -> (i32, i32) {
    %c0_i32 = arith.constant 0 : i32
    %c0_i32_0 = arith.constant 0 : i32
    %c0_i32_1 = arith.constant 0 : i32
    return %c0_i32, %c0_i32_0 : i32, i32
  }
  func.func @transform_7(%arg0: i32) -> (i32, i32) {
    %c0_i32 = arith.constant 0 : i32
    %c0_i32_0 = arith.constant 0 : i32
    return %arg0, %c0_i32 : i32, i32
  }
  func.func @transform_8(%arg0: i32) -> (i32, i32) {
    %c0_i32 = arith.constant 0 : i32
    %c0_i32_0 = arith.constant 0 : i32
    return %arg0, %c0_i32 : i32, i32
  }
  func.func @transform_9(%arg0: i32) -> (i32, i32) {
    %c0_i32 = arith.constant 0 : i32
    %c0_i32_0 = arith.constant 0 : i32
    return %arg0, %c0_i32 : i32, i32
  }
  func.func @transform_10(%arg0: i32) -> (i32, i32) {
    %c0_i32 = arith.constant 0 : i32
    %c0_i32_0 = arith.constant 0 : i32
    return %arg0, %c0_i32 : i32, i32
  }
  func.func @transform_11(%arg0: i32) -> (i32, i32) {
    %c0_i32 = arith.constant 0 : i32
    %c0_i32_0 = arith.constant 0 : i32
    %c0_i32_1 = arith.constant 0 : i32
    return %c0_i32, %c0_i32_0 : i32, i32
  }
}

module attributes {stable_mosaic.version = 14 : i64} {
  func.func @_rpos_body(%arg0: i32, %arg1: memref<256x8xf32, #tpu.memory_space<vmem>>, %arg2: memref<256x8xf32, #tpu.memory_space<vmem>>, %arg3: memref<1x8xf32, #tpu.memory_space<vmem>>, %arg4: memref<256x8xi32, #tpu.memory_space<vmem>>, %arg5: memref<256x8xi32, #tpu.memory_space<vmem>>, %arg6: memref<256x128xf32, #tpu.memory_space<vmem>>, %arg7: memref<256x128xf32, #tpu.memory_space<vmem>>) attributes {dimension_semantics = [#tpu.dimension_semantics<arbitrary>], iteration_bounds = array<i64: 8>, scalar_prefetch = 0 : i64, scratch_operands = 0 : i64, tpu.core_type = #tpu.core_type<tc>, window_params = [{transform_indices = @transform_0, window_bounds = array<i64: 256, 8>}, {transform_indices = @transform_1, window_bounds = array<i64: 256, 8>}, {pipeline_mode = #tpu.pipeline_mode<synchronous>, transform_indices = @transform_2, window_bounds = array<i64: 1, 8>}, {transform_indices = @transform_3, window_bounds = array<i64: 256, 8>}, {transform_indices = @transform_4, window_bounds = array<i64: 256, 8>}, {transform_indices = @transform_5, window_bounds = array<i64: 256, 128>}, {transform_indices = @transform_6, window_bounds = array<i64: 256, 128>}]} {
    %get3A = arith.constant 0 : index
    %get3A_0 = arith.constant 0 : index
    %get3A_1 = vector.load %arg3[%get3A, %get3A_0] : memref<1x8xf32, #tpu.memory_space<vmem>>, vector<1x8xf32>
    %convert_element_type3A = arith.fptosi %get3A_1 : vector<1x8xf32> to vector<1x8xi32>
    %add3A = arith.constant 256 : i32
    %add3A_2 = vector.broadcast %add3A : i32 to vector<1x8xi32>
    %add3A_3 = arith.addi %convert_element_type3A, %add3A_2 : vector<1x8xi32>
    %sub3A = arith.constant 1 : i32
    %sub3A_4 = vector.broadcast %sub3A : i32 to vector<1x8xi32>
    %sub3A_5 = arith.subi %add3A_3, %sub3A_4 : vector<1x8xi32>
    %jit3A = arith.constant 256 : i32
    %div3A = vector.broadcast %jit3A : i32 to vector<1x8xi32>
    %div3A_6 = arith.divsi %sub3A_5, %div3A : vector<1x8xi32>
    %sign3A = arith.constant 0 : i32
    %sign3A_7 = vector.broadcast %sign3A : i32 to vector<1x8xi32>
    %sign3A_8 = arith.cmpi sgt, %sub3A_5, %sign3A_7 : vector<1x8xi32>
    %sign3A_9 = arith.extui %sign3A_8 : vector<1x8xi1> to vector<1x8xi32>
    %sign3A_10 = arith.constant 0 : i32
    %sign3A_11 = vector.broadcast %sign3A_10 : i32 to vector<1x8xi32>
    %sign3A_12 = arith.cmpi slt, %sub3A_5, %sign3A_11 : vector<1x8xi32>
    %sign3A_13 = arith.extui %sign3A_12 : vector<1x8xi1> to vector<1x8xi32>
    %sign3A_14 = arith.subi %sign3A_9, %sign3A_13 : vector<1x8xi32>
    %sign3A_15 = arith.constant 0 : i32
    %sign3A_16 = arith.cmpi sgt, %jit3A, %sign3A_15 : i32
    %sign3A_17 = arith.extui %sign3A_16 : i1 to i32
    %sign3A_18 = arith.constant 0 : i32
    %sign3A_19 = arith.cmpi slt, %jit3A, %sign3A_18 : i32
    %sign3A_20 = arith.extui %sign3A_19 : i1 to i32
    %sign3A_21 = arith.subi %sign3A_17, %sign3A_20 : i32
    %ne3A = vector.broadcast %sign3A_21 : i32 to vector<1x8xi32>
    %ne3A_22 = arith.cmpi ne, %sign3A_14, %ne3A : vector<1x8xi32>
    %rem3A = vector.broadcast %jit3A : i32 to vector<1x8xi32>
    %rem3A_23 = arith.remsi %sub3A_5, %rem3A : vector<1x8xi32>
    %ne3A_24 = arith.constant 0 : i32
    %ne3A_25 = vector.broadcast %ne3A_24 : i32 to vector<1x8xi32>
    %ne3A_26 = arith.cmpi ne, %rem3A_23, %ne3A_25 : vector<1x8xi32>
    %and3A = arith.andi %ne3A_22, %ne3A_26 : vector<1x8xi1>
    %sub3A_27 = arith.constant 1 : i32
    %sub3A_28 = vector.broadcast %sub3A_27 : i32 to vector<1x8xi32>
    %sub3A_29 = arith.subi %div3A_6, %sub3A_28 : vector<1x8xi32>
    %select_n3A = arith.select %and3A, %sub3A_29, %div3A_6 : vector<1x8xi1>, vector<1x8xi32>
    %mul3A = arith.constant 256 : i32
    %mul3A_30 = vector.broadcast %mul3A : i32 to vector<1x8xi32>
    %mul3A_31 = arith.muli %select_n3A, %mul3A_30 : vector<1x8xi32>
    %iota3A = tpu.iota {dimensions = array<i32: 0>} : vector<8x8xi32>
    %iota3A_32 = tpu.iota {dimensions = array<i32: 1>} : vector<8x8xi32>
    %lt3A = arith.cmpi slt, %iota3A, %iota3A_32 : vector<8x8xi32>
    %convert_element_type3A_33 = arith.extui %lt3A : vector<8x8xi1> to vector<8x8xi32>
    %convert_element_type3A_34 = arith.sitofp %convert_element_type3A_33 : vector<8x8xi32> to vector<8x8xf32>
    %convert_element_type3A_35 = arith.sitofp %mul3A_31 : vector<1x8xi32> to vector<1x8xf32>
    %dot_general3A = arith.constant dense<0.000000e+00> : vector<1x8xf32>
    %dot_general3A_36 = tpu.matmul %convert_element_type3A_35, %convert_element_type3A_34, %dot_general3A {dimension_numbers = #tpu.dot_dimension_numbers<[1], [0], [0], [1], [0, 0, 1, 1], [], []>, transpose_lhs_hint = false} : vector<1x8xf32>, vector<8x8xf32>, vector<1x8xf32> -> vector<1x8xf32>
    %get3A_37 = arith.constant 0 : index
    %get3A_38 = arith.constant 0 : index
    %get3A_39 = vector.load %arg1[%get3A_37, %get3A_38] : memref<256x8xf32, #tpu.memory_space<vmem>>, vector<256x8xf32>
    %gt3A = arith.constant 0.000000e+00 : f32
    %gt3A_40 = vector.broadcast %gt3A : f32 to vector<256x8xf32>
    %gt3A_41 = arith.cmpf ogt, %get3A_39, %gt3A_40 : vector<256x8xf32>
    %iota3A_42 = tpu.iota {dimensions = array<i32: 1>} : vector<256x8xi32>
    %jit3A_43 = arith.constant 8 : i32
    %broadcast_in_dim3A = vector.broadcast %jit3A_43 : i32 to vector<256x8xi32>
    %select_n3A_44 = arith.select %gt3A_41, %iota3A_42, %broadcast_in_dim3A : vector<256x8xi1>, vector<256x8xi32>
    %reduce_min3A = arith.constant dense<2147483647> : vector<256xi32>
    %reduce_min3A_45 = vector.multi_reduction <minsi>, %select_n3A_44, %reduce_min3A [1] : vector<256x8xi32> to vector<256xi32>
    %broadcast_in_dim3A_46 = vector.shape_cast %reduce_min3A_45 : vector<256xi32> to vector<256x1xi32>
    %jit3A_47 = arith.constant -1 : i32
    %broadcast_in_dim3A_48 = vector.broadcast %jit3A_47 : i32 to vector<256x8xi32>
    %select_n3A_49 = arith.select %gt3A_41, %iota3A_42, %broadcast_in_dim3A_48 : vector<256x8xi1>, vector<256x8xi32>
    %reduce_max3A = arith.constant dense<-2147483648> : vector<256xi32>
    %reduce_max3A_50 = vector.multi_reduction <maxsi>, %select_n3A_49, %reduce_max3A [1] : vector<256x8xi32> to vector<256xi32>
    %broadcast_in_dim3A_51 = vector.shape_cast %reduce_max3A_50 : vector<256xi32> to vector<256x1xi32>
    %get3A_52 = arith.constant 0 : index
    %get3A_53 = arith.constant 0 : index
    %get3A_54 = vector.load %arg2[%get3A_52, %get3A_53] : memref<256x8xf32, #tpu.memory_space<vmem>>, vector<256x8xf32>
    %add3A_55 = vector.broadcast %dot_general3A_36 : vector<1x8xf32> to vector<256x8xf32>
    %add3A_56 = arith.addf %add3A_55, %get3A_54 : vector<256x8xf32>
    %eq3A = vector.broadcast %broadcast_in_dim3A_46 : vector<256x1xi32> to vector<256x8xi32>
    %eq3A_57 = arith.cmpi eq, %iota3A_42, %eq3A : vector<256x8xi32>
    %jit3A_58 = arith.constant 0.000000e+00 : f32
    %broadcast_in_dim3A_59 = vector.broadcast %jit3A_58 : f32 to vector<256x8xf32>
    %select_n3A_60 = arith.select %eq3A_57, %add3A_56, %broadcast_in_dim3A_59 : vector<256x8xi1>, vector<256x8xf32>
    %reduce_sum3A = arith.constant dense<0.000000e+00> : vector<256xf32>
    %reduce_sum3A_61 = vector.multi_reduction <add>, %select_n3A_60, %reduce_sum3A [1] : vector<256x8xf32> to vector<256xf32>
    %broadcast_in_dim3A_62 = vector.shape_cast %reduce_sum3A_61 : vector<256xf32> to vector<256x1xf32>
    %eq3A_63 = vector.broadcast %broadcast_in_dim3A_51 : vector<256x1xi32> to vector<256x8xi32>
    %eq3A_64 = arith.cmpi eq, %iota3A_42, %eq3A_63 : vector<256x8xi32>
    %jit3A_65 = arith.constant 0.000000e+00 : f32
    %broadcast_in_dim3A_66 = vector.broadcast %jit3A_65 : f32 to vector<256x8xf32>
    %select_n3A_67 = arith.select %eq3A_64, %add3A_56, %broadcast_in_dim3A_66 : vector<256x8xi1>, vector<256x8xf32>
    %reduce_sum3A_68 = arith.constant dense<0.000000e+00> : vector<256xf32>
    %reduce_sum3A_69 = vector.multi_reduction <add>, %select_n3A_67, %reduce_sum3A_68 [1] : vector<256x8xf32> to vector<256xf32>
    %broadcast_in_dim3A_70 = vector.shape_cast %reduce_sum3A_69 : vector<256xf32> to vector<256x1xf32>
    %eq3A_71 = vector.broadcast %broadcast_in_dim3A_46 : vector<256x1xi32> to vector<256x8xi32>
    %eq3A_72 = arith.cmpi eq, %iota3A_42, %eq3A_71 : vector<256x8xi32>
    %jit3A_73 = arith.constant 0.000000e+00 : f32
    %broadcast_in_dim3A_74 = vector.broadcast %jit3A_73 : f32 to vector<256x8xf32>
    %select_n3A_75 = arith.select %eq3A_72, %get3A_39, %broadcast_in_dim3A_74 : vector<256x8xi1>, vector<256x8xf32>
    %reduce_sum3A_76 = arith.constant dense<0.000000e+00> : vector<256xf32>
    %reduce_sum3A_77 = vector.multi_reduction <add>, %select_n3A_75, %reduce_sum3A_76 [1] : vector<256x8xf32> to vector<256xf32>
    %broadcast_in_dim3A_78 = vector.shape_cast %reduce_sum3A_77 : vector<256xf32> to vector<256x1xf32>
    %eq3A_79 = vector.broadcast %broadcast_in_dim3A_51 : vector<256x1xi32> to vector<256x8xi32>
    %eq3A_80 = arith.cmpi eq, %iota3A_42, %eq3A_79 : vector<256x8xi32>
    %jit3A_81 = arith.constant 0.000000e+00 : f32
    %broadcast_in_dim3A_82 = vector.broadcast %jit3A_81 : f32 to vector<256x8xf32>
    %select_n3A_83 = arith.select %eq3A_80, %get3A_39, %broadcast_in_dim3A_82 : vector<256x8xi1>, vector<256x8xf32>
    %reduce_sum3A_84 = arith.constant dense<0.000000e+00> : vector<256xf32>
    %reduce_sum3A_85 = vector.multi_reduction <add>, %select_n3A_83, %reduce_sum3A_84 [1] : vector<256x8xf32> to vector<256xf32>
    %broadcast_in_dim3A_86 = vector.shape_cast %reduce_sum3A_85 : vector<256xf32> to vector<256x1xf32>
    %convert_element_type3A_87 = arith.fptosi %broadcast_in_dim3A_62 : vector<256x1xf32> to vector<256x1xi32>
    %broadcast_in_dim3A_88 = vector.shape_cast %convert_element_type3A_87 : vector<256x1xi32> to vector<256x1xi32>
    %broadcast_in_dim3A_89 = vector.broadcast %broadcast_in_dim3A_88 : vector<256x1xi32> to vector<256x8xi32>
    %swap3A = arith.constant 0 : index
    %swap3A_90 = arith.constant 0 : index
    %swap3A_91 = vector.load %arg4[%swap3A, %swap3A_90] : memref<256x8xi32, #tpu.memory_space<vmem>>, vector<256x8xi32>
    tpu.vector_store %arg4[%swap3A, %swap3A_90], %broadcast_in_dim3A_89 {strides = array<i32>} : memref<256x8xi32, #tpu.memory_space<vmem>>, vector<256x8xi32>,
    %convert_element_type3A_92 = arith.fptosi %broadcast_in_dim3A_70 : vector<256x1xf32> to vector<256x1xi32>
    %broadcast_in_dim3A_93 = vector.shape_cast %convert_element_type3A_92 : vector<256x1xi32> to vector<256x1xi32>
    %broadcast_in_dim3A_94 = vector.broadcast %broadcast_in_dim3A_93 : vector<256x1xi32> to vector<256x8xi32>
    %swap3A_95 = arith.constant 0 : index
    %swap3A_96 = arith.constant 0 : index
    %swap3A_97 = vector.load %arg5[%swap3A_95, %swap3A_96] : memref<256x8xi32, #tpu.memory_space<vmem>>, vector<256x8xi32>
    tpu.vector_store %arg5[%swap3A_95, %swap3A_96], %broadcast_in_dim3A_94 {strides = array<i32>} : memref<256x8xi32, #tpu.memory_space<vmem>>, vector<256x8xi32>,
    %broadcast_in_dim3A_98 = vector.shape_cast %broadcast_in_dim3A_78 : vector<256x1xf32> to vector<256x1xf32>
    %broadcast_in_dim3A_99 = vector.broadcast %broadcast_in_dim3A_98 : vector<256x1xf32> to vector<256x128xf32>
    %swap3A_100 = arith.constant 0 : index
    %swap3A_101 = arith.constant 0 : index
    %swap3A_102 = vector.load %arg6[%swap3A_100, %swap3A_101] : memref<256x128xf32, #tpu.memory_space<vmem>>, vector<256x128xf32>
    tpu.vector_store %arg6[%swap3A_100, %swap3A_101], %broadcast_in_dim3A_99 {strides = array<i32>} : memref<256x128xf32, #tpu.memory_space<vmem>>, vector<256x128xf32>,
    %broadcast_in_dim3A_103 = vector.shape_cast %broadcast_in_dim3A_86 : vector<256x1xf32> to vector<256x1xf32>
    %broadcast_in_dim3A_104 = vector.broadcast %broadcast_in_dim3A_103 : vector<256x1xf32> to vector<256x128xf32>
    %swap3A_105 = arith.constant 0 : index
    %swap3A_106 = arith.constant 0 : index
    %swap3A_107 = vector.load %arg7[%swap3A_105, %swap3A_106] : memref<256x128xf32, #tpu.memory_space<vmem>>, vector<256x128xf32>
    tpu.vector_store %arg7[%swap3A_105, %swap3A_106], %broadcast_in_dim3A_104 {strides = array<i32>} : memref<256x128xf32, #tpu.memory_space<vmem>>, vector<256x128xf32>,
    return
  }
  func.func @transform_0(%arg0: i32) -> (i32, i32) {
    %c0_i32 = arith.constant 0 : i32
    %c0_i32_0 = arith.constant 0 : i32
    return %arg0, %c0_i32 : i32, i32
  }
  func.func @transform_1(%arg0: i32) -> (i32, i32) {
    %c0_i32 = arith.constant 0 : i32
    %c0_i32_0 = arith.constant 0 : i32
    return %arg0, %c0_i32 : i32, i32
  }
  func.func @transform_2(%arg0: i32) -> (i32, i32) {
    %c0_i32 = arith.constant 0 : i32
    %c0_i32_0 = arith.constant 0 : i32
    %c0_i32_1 = arith.constant 0 : i32
    return %c0_i32, %c0_i32_0 : i32, i32
  }
  func.func @transform_3(%arg0: i32) -> (i32, i32) {
    %c0_i32 = arith.constant 0 : i32
    %c0_i32_0 = arith.constant 0 : i32
    return %arg0, %c0_i32 : i32, i32
  }
  func.func @transform_4(%arg0: i32) -> (i32, i32) {
    %c0_i32 = arith.constant 0 : i32
    %c0_i32_0 = arith.constant 0 : i32
    return %arg0, %c0_i32 : i32, i32
  }
  func.func @transform_5(%arg0: i32) -> (i32, i32) {
    %c0_i32 = arith.constant 0 : i32
    %c0_i32_0 = arith.constant 0 : i32
    return %arg0, %c0_i32 : i32, i32
  }
  func.func @transform_6(%arg0: i32) -> (i32, i32) {
    %c0_i32 = arith.constant 0 : i32
    %c0_i32_0 = arith.constant 0 : i32
    return %arg0, %c0_i32 : i32, i32
  }
}

module attributes {stable_mosaic.version = 14 : i64} {
  func.func @_gffn_body(%arg0: i32, %arg1: memref<24xi32, #tpu.memory_space<smem>>, %arg2: memref<1xi32, #tpu.memory_space<smem>>, %arg3: memref<256x1024xf32, #tpu.memory_space<vmem>>, %arg4: memref<1x1024x1024xbf16, #tpu.memory_space<vmem>>, %arg5: memref<1x1024x1024xbf16, #tpu.memory_space<vmem>>, %arg6: memref<1x1024x1024xbf16, #tpu.memory_space<vmem>>, %arg7: memref<256x128xf32, #tpu.memory_space<vmem>>, %arg8: memref<256x1024xf32, #tpu.memory_space<vmem>>) attributes {dimension_semantics = [#tpu.dimension_semantics<arbitrary>], iteration_bounds = array<i64: 24>, scalar_prefetch = 2 : i64, scratch_operands = 0 : i64, tpu.core_type = #tpu.core_type<tc>, window_params = [{transform_indices = @transform_0, window_bounds = array<i64: 256, 1024>}, {transform_indices = @transform_1, window_bounds = array<i64: 1, 1024, 1024>}, {transform_indices = @transform_2, window_bounds = array<i64: 1, 1024, 1024>}, {transform_indices = @transform_3, window_bounds = array<i64: 1, 1024, 1024>}, {transform_indices = @transform_4, window_bounds = array<i64: 256, 128>}, {transform_indices = @transform_5, window_bounds = array<i64: 256, 1024>}]} {
    %get3A = arith.constant 0 : index
    %get3A_0 = memref.load %arg2[%get3A] : memref<1xi32, #tpu.memory_space<smem>>
    %lt3A = arith.cmpi slt, %arg0, %get3A_0 : i32
    %convert_element_type3A = arith.extui %lt3A : i1 to i32
    %cond3A = arith.constant 0 : i32
    %cond3A_1 = arith.cmpi ne, %convert_element_type3A, %cond3A : i32
    scf.if %cond3A_1 {
      %get3A_2 = arith.constant 0 : index
      %get3A_3 = arith.constant 0 : index
      %get3A_4 = vector.load %arg3[%get3A_2, %get3A_3] : memref<256x1024xf32, #tpu.memory_space<vmem>>, vector<256x1024xf32>
      %convert_element_type3A_5 = arith.truncf %get3A_4 : vector<256x1024xf32> to vector<256x1024xbf16>
      %get3A_6 = arith.constant 0 : index
      %get3A_7 = arith.constant 0 : index
      %get3A_8 = arith.constant 0 : index
      %get3A_9 = vector.load %arg4[%get3A_6, %get3A_7, %get3A_8] : memref<1x1024x1024xbf16, #tpu.memory_space<vmem>>, vector<1x1024x1024xbf16>
      %get3A_10 = vector.shape_cast %get3A_9 : vector<1x1024x1024xbf16> to vector<1024x1024xbf16>
      %dot_general3A = arith.constant dense<0.000000e+00> : vector<256x1024xf32>
      %dot_general3A_11 = tpu.matmul %convert_element_type3A_5, %get3A_10, %dot_general3A {dimension_numbers = #tpu.dot_dimension_numbers<[1], [0], [0], [1], [0, 0, 1, 1], [], []>, transpose_lhs_hint = false} : vector<256x1024xbf16>, vector<1024x1024xbf16>, vector<256x1024xf32> -> vector<256x1024xf32>
      %get3A_12 = arith.constant 0 : index
      %get3A_13 = arith.constant 0 : index
      %get3A_14 = arith.constant 0 : index
      %get3A_15 = vector.load %arg5[%get3A_12, %get3A_13, %get3A_14] : memref<1x1024x1024xbf16, #tpu.memory_space<vmem>>, vector<1x1024x1024xbf16>
      %get3A_16 = vector.shape_cast %get3A_15 : vector<1x1024x1024xbf16> to vector<1024x1024xbf16>
      %dot_general3A_17 = arith.constant dense<0.000000e+00> : vector<256x1024xf32>
      %dot_general3A_18 = tpu.matmul %convert_element_type3A_5, %get3A_16, %dot_general3A_17 {dimension_numbers = #tpu.dot_dimension_numbers<[1], [0], [0], [1], [0, 0, 1, 1], [], []>, transpose_lhs_hint = false} : vector<256x1024xbf16>, vector<1024x1024xbf16>, vector<256x1024xf32> -> vector<256x1024xf32>
      %logistic3A = arith.negf %dot_general3A_11 : vector<256x1024xf32>
      %logistic3A_19 = math.exp %logistic3A : vector<256x1024xf32>
      %logistic3A_20 = arith.constant 1.000000e+00 : f32
      %logistic3A_21 = vector.broadcast %logistic3A_20 : f32 to vector<256x1024xf32>
      %logistic3A_22 = arith.addf %logistic3A_21, %logistic3A_19 : vector<256x1024xf32>
      %logistic3A_23 = arith.divf %logistic3A_21, %logistic3A_22 : vector<256x1024xf32>
      %mul3A = arith.mulf %dot_general3A_11, %logistic3A_23 : vector<256x1024xf32>
      %mul3A_24 = arith.mulf %mul3A, %dot_general3A_18 : vector<256x1024xf32>
      %convert_element_type3A_25 = arith.truncf %mul3A_24 : vector<256x1024xf32> to vector<256x1024xbf16>
      %get3A_26 = arith.constant 0 : index
      %get3A_27 = arith.constant 0 : index
      %get3A_28 = arith.constant 0 : index
      %get3A_29 = vector.load %arg6[%get3A_26, %get3A_27, %get3A_28] : memref<1x1024x1024xbf16, #tpu.memory_space<vmem>>, vector<1x1024x1024xbf16>
      %get3A_30 = vector.shape_cast %get3A_29 : vector<1x1024x1024xbf16> to vector<1024x1024xbf16>
      %dot_general3A_31 = arith.constant dense<0.000000e+00> : vector<256x1024xf32>
      %dot_general3A_32 = tpu.matmul %convert_element_type3A_25, %get3A_30, %dot_general3A_31 {dimension_numbers = #tpu.dot_dimension_numbers<[1], [0], [0], [1], [0, 0, 1, 1], [], []>, transpose_lhs_hint = false} : vector<256x1024xbf16>, vector<1024x1024xbf16>, vector<256x1024xf32> -> vector<256x1024xf32>
      %get3A_33 = arith.constant 0 : index
      %get3A_34 = arith.constant 0 : index
      %get3A_35 = vector.load %arg7[%get3A_33, %get3A_34] : memref<256x128xf32, #tpu.memory_space<vmem>>, vector<256x1xf32>
      %mul3A_36 = vector.broadcast %get3A_35 : vector<256x1xf32> to vector<256x1024xf32>
      %mul3A_37 = arith.mulf %dot_general3A_32, %mul3A_36 : vector<256x1024xf32>
      %swap3A = arith.constant 0 : index
      %swap3A_38 = arith.constant 0 : index
      %swap3A_39 = vector.load %arg8[%swap3A, %swap3A_38] : memref<256x1024xf32, #tpu.memory_space<vmem>>, vector<256x1024xf32>
      tpu.vector_store %arg8[%swap3A, %swap3A_38], %mul3A_37 {strides = array<i32>} : memref<256x1024xf32, #tpu.memory_space<vmem>>, vector<256x1024xf32>,
    } else {
    }
    return
  }
  func.func @transform_0(%arg0: i32, %arg1: memref<24xi32, #tpu.memory_space<smem>>, %arg2: memref<1xi32, #tpu.memory_space<smem>>) -> (i32, i32) {
    %c0_i32 = arith.constant 0 : i32
    %c0_i32_0 = arith.constant 0 : i32
    return %arg0, %c0_i32 : i32, i32
  }
  func.func @transform_1(%arg0: i32, %arg1: memref<24xi32, #tpu.memory_space<smem>>, %arg2: memref<1xi32, #tpu.memory_space<smem>>) -> (i32, i32, i32) {
    %get3A = arith.index_cast %arg0 : i32 to index
    %get3A_0 = memref.load %arg1[%get3A] : memref<24xi32, #tpu.memory_space<smem>>
    %c0_i32 = arith.constant 0 : i32
    %c0_i32_1 = arith.constant 0 : i32
    %c0_i32_2 = arith.constant 0 : i32
    return %get3A_0, %c0_i32, %c0_i32_1 : i32, i32, i32
  }
  func.func @transform_2(%arg0: i32, %arg1: memref<24xi32, #tpu.memory_space<smem>>, %arg2: memref<1xi32, #tpu.memory_space<smem>>) -> (i32, i32, i32) {
    %get3A = arith.index_cast %arg0 : i32 to index
    %get3A_0 = memref.load %arg1[%get3A] : memref<24xi32, #tpu.memory_space<smem>>
    %c0_i32 = arith.constant 0 : i32
    %c0_i32_1 = arith.constant 0 : i32
    %c0_i32_2 = arith.constant 0 : i32
    return %get3A_0, %c0_i32, %c0_i32_1 : i32, i32, i32
  }
  func.func @transform_3(%arg0: i32, %arg1: memref<24xi32, #tpu.memory_space<smem>>, %arg2: memref<1xi32, #tpu.memory_space<smem>>) -> (i32, i32, i32) {
    %get3A = arith.index_cast %arg0 : i32 to index
    %get3A_0 = memref.load %arg1[%get3A] : memref<24xi32, #tpu.memory_space<smem>>
    %c0_i32 = arith.constant 0 : i32
    %c0_i32_1 = arith.constant 0 : i32
    %c0_i32_2 = arith.constant 0 : i32
    return %get3A_0, %c0_i32, %c0_i32_1 : i32, i32, i32
  }
  func.func @transform_4(%arg0: i32, %arg1: memref<24xi32, #tpu.memory_space<smem>>, %arg2: memref<1xi32, #tpu.memory_space<smem>>) -> (i32, i32) {
    %c0_i32 = arith.constant 0 : i32
    %c0_i32_0 = arith.constant 0 : i32
    return %arg0, %c0_i32 : i32, i32
  }
  func.func @transform_5(%arg0: i32, %arg1: memref<24xi32, #tpu.memory_space<smem>>, %arg2: memref<1xi32, #tpu.memory_space<smem>>) -> (i32, i32) {
    %c0_i32 = arith.constant 0 : i32
    %c0_i32_0 = arith.constant 0 : i32
    return %arg0, %c0_i32 : i32, i32
  }
}

module attributes {stable_mosaic.version = 14 : i64} {
  func.func @_qkvr_body(%arg0: i32, %arg1: memref<256x1024xf32, #tpu.memory_space<vmem>>, %arg2: memref<256x1024xf32, #tpu.memory_space<vmem>>, %arg3: memref<256x1024xf32, #tpu.memory_space<vmem>>, %arg4: memref<1x1024xf32, #tpu.memory_space<vmem>>, %arg5: memref<1024x1024xbf16, #tpu.memory_space<vmem>>, %arg6: memref<1024x512xbf16, #tpu.memory_space<vmem>>, %arg7: memref<1024x512xbf16, #tpu.memory_space<vmem>>, %arg8: memref<256x64xf32, #tpu.memory_space<vmem>>, %arg9: memref<256x64xf32, #tpu.memory_space<vmem>>, %arg10: memref<256x1024xbf16, #tpu.memory_space<vmem>>, %arg11: memref<256x512xbf16, #tpu.memory_space<vmem>>, %arg12: memref<256x512xbf16, #tpu.memory_space<vmem>>, %arg13: memref<256x1024xf32, #tpu.memory_space<vmem>>) attributes {dimension_semantics = [#tpu.dimension_semantics<arbitrary>], iteration_bounds = array<i64: 8>, scalar_prefetch = 0 : i64, scratch_operands = 0 : i64, tpu.core_type = #tpu.core_type<tc>, window_params = [{transform_indices = @transform_0, window_bounds = array<i64: 256, 1024>}, {transform_indices = @transform_1, window_bounds = array<i64: 256, 1024>}, {transform_indices = @transform_2, window_bounds = array<i64: 256, 1024>}, {pipeline_mode = #tpu.pipeline_mode<synchronous>, transform_indices = @transform_3, window_bounds = array<i64: 1, 1024>}, {pipeline_mode = #tpu.pipeline_mode<synchronous>, transform_indices = @transform_4, window_bounds = array<i64: 1024, 1024>}, {pipeline_mode = #tpu.pipeline_mode<synchronous>, transform_indices = @transform_5, window_bounds = array<i64: 1024, 512>}, {pipeline_mode = #tpu.pipeline_mode<synchronous>, transform_indices = @transform_6, window_bounds = array<i64: 1024, 512>}, {transform_indices = @transform_7, window_bounds = array<i64: 256, 64>}, {transform_indices = @transform_8, window_bounds = array<i64: 256, 64>}, {transform_indices = @transform_9, window_bounds = array<i64: 256, 1024>}, {transform_indices = @transform_10, window_bounds = array<i64: 256, 512>}, {transform_indices = @transform_11, window_bounds = array<i64: 256, 512>}, {transform_indices = @transform_12, window_bounds = array<i64: 256, 1024>}]} {
    %get3A = arith.constant 0 : index
    %get3A_0 = arith.constant 0 : index
    %get3A_1 = vector.load %arg1[%get3A, %get3A_0] : memref<256x1024xf32, #tpu.memory_space<vmem>>, vector<256x1024xf32>
    %get3A_2 = arith.constant 0 : index
    %get3A_3 = arith.constant 0 : index
    %get3A_4 = vector.load %arg2[%get3A_2, %get3A_3] : memref<256x1024xf32, #tpu.memory_space<vmem>>, vector<256x1024xf32>
    %add3A = arith.addf %get3A_1, %get3A_4 : vector<256x1024xf32>
    %get3A_5 = arith.constant 0 : index
    %get3A_6 = arith.constant 0 : index
    %get3A_7 = vector.load %arg3[%get3A_5, %get3A_6] : memref<256x1024xf32, #tpu.memory_space<vmem>>, vector<256x1024xf32>
    %add3A_8 = arith.addf %add3A, %get3A_7 : vector<256x1024xf32>
    %swap3A = arith.constant 0 : index
    %swap3A_9 = arith.constant 0 : index
    %swap3A_10 = vector.load %arg13[%swap3A, %swap3A_9] : memref<256x1024xf32, #tpu.memory_space<vmem>>, vector<256x1024xf32>
    tpu.vector_store %arg13[%swap3A, %swap3A_9], %add3A_8 {strides = array<i32>} : memref<256x1024xf32, #tpu.memory_space<vmem>>, vector<256x1024xf32>,
    %get3A_11 = arith.constant 0 : index
    %get3A_12 = arith.constant 0 : index
    %get3A_13 = vector.load %arg4[%get3A_11, %get3A_12] : memref<1x1024xf32, #tpu.memory_space<vmem>>, vector<1x1024xf32>
    %mul3A = arith.mulf %add3A_8, %add3A_8 : vector<256x1024xf32>
    %reduce_sum3A = arith.constant dense<0.000000e+00> : vector<256xf32>
    %reduce_sum3A_14 = vector.multi_reduction <add>, %mul3A, %reduce_sum3A [1] : vector<256x1024xf32> to vector<256xf32>
    %broadcast_in_dim3A = vector.shape_cast %reduce_sum3A_14 : vector<256xf32> to vector<256x1xf32>
    %div3A = arith.constant 1.024000e+03 : f32
    %div3A_15 = vector.broadcast %div3A : f32 to vector<256x1xf32>
    %div3A_16 = arith.divf %broadcast_in_dim3A, %div3A_15 : vector<256x1xf32>
    %add3A_17 = arith.constant 9.99999997E-7 : f32
    %add3A_18 = vector.broadcast %add3A_17 : f32 to vector<256x1xf32>
    %add3A_19 = arith.addf %div3A_16, %add3A_18 : vector<256x1xf32>
    %rsqrt3A = math.rsqrt %add3A_19 : vector<256x1xf32>
    %mul3A_20 = vector.broadcast %rsqrt3A : vector<256x1xf32> to vector<256x1024xf32>
    %mul3A_21 = arith.mulf %add3A_8, %mul3A_20 : vector<256x1024xf32>
    %mul3A_22 = vector.broadcast %get3A_13 : vector<1x1024xf32> to vector<256x1024xf32>
    %mul3A_23 = arith.mulf %mul3A_21, %mul3A_22 : vector<256x1024xf32>
    %convert_element_type3A = arith.truncf %mul3A_23 : vector<256x1024xf32> to vector<256x1024xbf16>
    %get3A_24 = arith.constant 0 : index
    %get3A_25 = arith.constant 0 : index
    %get3A_26 = vector.load %arg8[%get3A_24, %get3A_25] : memref<256x64xf32, #tpu.memory_space<vmem>>, vector<256x64xf32>
    %get3A_27 = arith.constant 0 : index
    %get3A_28 = arith.constant 0 : index
    %get3A_29 = vector.load %arg9[%get3A_27, %get3A_28] : memref<256x64xf32, #tpu.memory_space<vmem>>, vector<256x64xf32>
    %get3A_30 = arith.constant 0 : index
    %get3A_31 = arith.constant 0 : index
    %get3A_32 = vector.load %arg5[%get3A_30, %get3A_31] : memref<1024x1024xbf16, #tpu.memory_space<vmem>>, vector<1024x1024xbf16>
    %dot_general3A = arith.constant dense<0.000000e+00> : vector<256x1024xf32>
    %dot_general3A_33 = tpu.matmul %convert_element_type3A, %get3A_32, %dot_general3A {dimension_numbers = #tpu.dot_dimension_numbers<[1], [0], [0], [1], [0, 0, 1, 1], [], []>, transpose_lhs_hint = false} : vector<256x1024xbf16>, vector<1024x1024xbf16>, vector<256x1024xf32> -> vector<256x1024xf32>
    %get3A_34 = arith.constant 0 : index
    %get3A_35 = arith.constant 0 : index
    %get3A_36 = vector.load %arg6[%get3A_34, %get3A_35] : memref<1024x512xbf16, #tpu.memory_space<vmem>>, vector<1024x512xbf16>
    %dot_general3A_37 = arith.constant dense<0.000000e+00> : vector<256x512xf32>
    %dot_general3A_38 = tpu.matmul %convert_element_type3A, %get3A_36, %dot_general3A_37 {dimension_numbers = #tpu.dot_dimension_numbers<[1], [0], [0], [1], [0, 0, 1, 1], [], []>, transpose_lhs_hint = false} : vector<256x1024xbf16>, vector<1024x512xbf16>, vector<256x512xf32> -> vector<256x512xf32>
    %get3A_39 = arith.constant 0 : index
    %get3A_40 = arith.constant 0 : index
    %get3A_41 = vector.load %arg7[%get3A_39, %get3A_40] : memref<1024x512xbf16, #tpu.memory_space<vmem>>, vector<1024x512xbf16>
    %dot_general3A_42 = arith.constant dense<0.000000e+00> : vector<256x512xf32>
    %dot_general3A_43 = tpu.matmul %convert_element_type3A, %get3A_41, %dot_general3A_42 {dimension_numbers = #tpu.dot_dimension_numbers<[1], [0], [0], [1], [0, 0, 1, 1], [], []>, transpose_lhs_hint = false} : vector<256x1024xbf16>, vector<1024x512xbf16>, vector<256x512xf32> -> vector<256x512xf32>
    %mul3A_44 = arith.constant 1.250000e-01 : f32
    %mul3A_45 = vector.broadcast %mul3A_44 : f32 to vector<256x1024xf32>
    %mul3A_46 = arith.mulf %dot_general3A_33, %mul3A_45 : vector<256x1024xf32>
    %concatenate3A = tpu.concatenate %get3A_26, %get3A_26, %get3A_26, %get3A_26, %get3A_26, %get3A_26, %get3A_26, %get3A_26, %get3A_26, %get3A_26, %get3A_26, %get3A_26, %get3A_26, %get3A_26, %get3A_26, %get3A_26 in 1 : vector<256x64xf32>, vector<256x64xf32>, vector<256x64xf32>, vector<256x64xf32>, vector<256x64xf32>, vector<256x64xf32>, vector<256x64xf32>, vector<256x64xf32>, vector<256x64xf32>, vector<256x64xf32>, vector<256x64xf32>, vector<256x64xf32>, vector<256x64xf32>, vector<256x64xf32>, vector<256x64xf32>, vector<256x64xf32> -> vector<256x1024xf32>
    %concatenate3A_47 = tpu.concatenate %get3A_29, %get3A_29, %get3A_29, %get3A_29, %get3A_29, %get3A_29, %get3A_29, %get3A_29, %get3A_29, %get3A_29, %get3A_29, %get3A_29, %get3A_29, %get3A_29, %get3A_29, %get3A_29 in 1 : vector<256x64xf32>, vector<256x64xf32>, vector<256x64xf32>, vector<256x64xf32>, vector<256x64xf32>, vector<256x64xf32>, vector<256x64xf32>, vector<256x64xf32>, vector<256x64xf32>, vector<256x64xf32>, vector<256x64xf32>, vector<256x64xf32>, vector<256x64xf32>, vector<256x64xf32>, vector<256x64xf32>, vector<256x64xf32> -> vector<256x1024xf32>
    %iota3A = tpu.iota {dimensions = array<i32: 1>} : vector<256x1024xi32>
    %jit3A = arith.constant 64 : i32
    %eq3A = arith.constant 0 : i32
    %eq3A_48 = arith.cmpi eq, %jit3A, %eq3A : i32
    %jit3A_49 = arith.constant 1 : i32
    %select_n3A = arith.select %eq3A_48, %jit3A_49, %jit3A : i32
    %rem3A = vector.broadcast %select_n3A : i32 to vector<256x1024xi32>
    %rem3A_50 = arith.remsi %iota3A, %rem3A : vector<256x1024xi32>
    %ne3A = arith.constant 0 : i32
    %ne3A_51 = vector.broadcast %ne3A : i32 to vector<256x1024xi32>
    %ne3A_52 = arith.cmpi ne, %rem3A_50, %ne3A_51 : vector<256x1024xi32>
    %lt3A = arith.constant 0 : i32
    %lt3A_53 = vector.broadcast %lt3A : i32 to vector<256x1024xi32>
    %lt3A_54 = arith.cmpi slt, %rem3A_50, %lt3A_53 : vector<256x1024xi32>
    %lt3A_55 = arith.constant 0 : i32
    %lt3A_56 = arith.cmpi slt, %select_n3A, %lt3A_55 : i32
    %ne3A_57 = vector.broadcast %lt3A_56 : i1 to vector<256x1024xi1>
    %ne3A_58 = vector.broadcast %ne3A_57 : vector<256x1024xi1> to vector<256x1024xi1>
    %ne3A_59 = arith.xori %lt3A_54, %ne3A_58 : vector<256x1024xi1>
    %and3A = arith.andi %ne3A_59, %ne3A_52 : vector<256x1024xi1>
    %add3A_60 = vector.broadcast %select_n3A : i32 to vector<256x1024xi32>
    %add3A_61 = arith.addi %rem3A_50, %add3A_60 : vector<256x1024xi32>
    %select_n3A_62 = arith.select %and3A, %add3A_61, %rem3A_50 : vector<256x1024xi1>, vector<256x1024xi32>
    %lt3A_63 = arith.constant 32 : i32
    %lt3A_64 = vector.broadcast %lt3A_63 : i32 to vector<256x1024xi32>
    %lt3A_65 = arith.cmpi slt, %select_n3A_62, %lt3A_64 : vector<256x1024xi32>
    %roll3A = arith.constant 992 : i32
    %roll3A_66 = tpu.dynamic_rotate %mul3A_46 by %roll3A dim 1 : vector<256x1024xf32>, i32 -> vector<256x1024xf32>
    %roll3A_67 = arith.constant 32 : i32
    %roll3A_68 = tpu.dynamic_rotate %mul3A_46 by %roll3A_67 dim 1 : vector<256x1024xf32>, i32 -> vector<256x1024xf32>
    %neg3A = arith.constant 0.000000e+00 : f32
    %neg3A_69 = vector.broadcast %neg3A : f32 to vector<256x1024xf32>
    %neg3A_70 = arith.subf %neg3A_69, %roll3A_66 : vector<256x1024xf32>
    %select_n3A_71 = arith.select %lt3A_65, %neg3A_70, %roll3A_68 : vector<256x1024xi1>, vector<256x1024xf32>
    %mul3A_72 = arith.mulf %mul3A_46, %concatenate3A : vector<256x1024xf32>
    %mul3A_73 = arith.mulf %select_n3A_71, %concatenate3A_47 : vector<256x1024xf32>
    %add3A_74 = arith.addf %mul3A_72, %mul3A_73 : vector<256x1024xf32>
    %convert_element_type3A_75 = arith.truncf %add3A_74 : vector<256x1024xf32> to vector<256x1024xbf16>
    %swap3A_76 = arith.constant 0 : index
    %swap3A_77 = arith.constant 0 : index
    %swap3A_78 = vector.load %arg10[%swap3A_76, %swap3A_77] : memref<256x1024xbf16, #tpu.memory_space<vmem>>, vector<256x1024xbf16>
    tpu.vector_store %arg10[%swap3A_76, %swap3A_77], %convert_element_type3A_75 {strides = array<i32>} : memref<256x1024xbf16, #tpu.memory_space<vmem>>, vector<256x1024xbf16>,
    %concatenate3A_79 = tpu.concatenate %get3A_26, %get3A_26, %get3A_26, %get3A_26, %get3A_26, %get3A_26, %get3A_26, %get3A_26 in 1 : vector<256x64xf32>, vector<256x64xf32>, vector<256x64xf32>, vector<256x64xf32>, vector<256x64xf32>, vector<256x64xf32>, vector<256x64xf32>, vector<256x64xf32> -> vector<256x512xf32>
    %concatenate3A_80 = tpu.concatenate %get3A_29, %get3A_29, %get3A_29, %get3A_29, %get3A_29, %get3A_29, %get3A_29, %get3A_29 in 1 : vector<256x64xf32>, vector<256x64xf32>, vector<256x64xf32>, vector<256x64xf32>, vector<256x64xf32>, vector<256x64xf32>, vector<256x64xf32>, vector<256x64xf32> -> vector<256x512xf32>
    %iota3A_81 = tpu.iota {dimensions = array<i32: 1>} : vector<256x512xi32>
    %jit3A_82 = arith.constant 64 : i32
    %eq3A_83 = arith.constant 0 : i32
    %eq3A_84 = arith.cmpi eq, %jit3A_82, %eq3A_83 : i32
    %jit3A_85 = arith.constant 1 : i32
    %select_n3A_86 = arith.select %eq3A_84, %jit3A_85, %jit3A_82 : i32
    %rem3A_87 = vector.broadcast %select_n3A_86 : i32 to vector<256x512xi32>
    %rem3A_88 = arith.remsi %iota3A_81, %rem3A_87 : vector<256x512xi32>
    %ne3A_89 = arith.constant 0 : i32
    %ne3A_90 = vector.broadcast %ne3A_89 : i32 to vector<256x512xi32>
    %ne3A_91 = arith.cmpi ne, %rem3A_88, %ne3A_90 : vector<256x512xi32>
    %lt3A_92 = arith.constant 0 : i32
    %lt3A_93 = vector.broadcast %lt3A_92 : i32 to vector<256x512xi32>
    %lt3A_94 = arith.cmpi slt, %rem3A_88, %lt3A_93 : vector<256x512xi32>
    %lt3A_95 = arith.constant 0 : i32
    %lt3A_96 = arith.cmpi slt, %select_n3A_86, %lt3A_95 : i32
    %ne3A_97 = vector.broadcast %lt3A_96 : i1 to vector<256x512xi1>
    %ne3A_98 = vector.broadcast %ne3A_97 : vector<256x512xi1> to vector<256x512xi1>
    %ne3A_99 = arith.xori %lt3A_94, %ne3A_98 : vector<256x512xi1>
    %and3A_100 = arith.andi %ne3A_99, %ne3A_91 : vector<256x512xi1>
    %add3A_101 = vector.broadcast %select_n3A_86 : i32 to vector<256x512xi32>
    %add3A_102 = arith.addi %rem3A_88, %add3A_101 : vector<256x512xi32>
    %select_n3A_103 = arith.select %and3A_100, %add3A_102, %rem3A_88 : vector<256x512xi1>, vector<256x512xi32>
    %lt3A_104 = arith.constant 32 : i32
    %lt3A_105 = vector.broadcast %lt3A_104 : i32 to vector<256x512xi32>
    %lt3A_106 = arith.cmpi slt, %select_n3A_103, %lt3A_105 : vector<256x512xi32>
    %roll3A_107 = arith.constant 480 : i32
    %roll3A_108 = tpu.dynamic_rotate %dot_general3A_38 by %roll3A_107 dim 1 : vector<256x512xf32>, i32 -> vector<256x512xf32>
    %roll3A_109 = arith.constant 32 : i32
    %roll3A_110 = tpu.dynamic_rotate %dot_general3A_38 by %roll3A_109 dim 1 : vector<256x512xf32>, i32 -> vector<256x512xf32>
    %neg3A_111 = arith.constant 0.000000e+00 : f32
    %neg3A_112 = vector.broadcast %neg3A_111 : f32 to vector<256x512xf32>
    %neg3A_113 = arith.subf %neg3A_112, %roll3A_108 : vector<256x512xf32>
    %select_n3A_114 = arith.select %lt3A_106, %neg3A_113, %roll3A_110 : vector<256x512xi1>, vector<256x512xf32>
    %mul3A_115 = arith.mulf %dot_general3A_38, %concatenate3A_79 : vector<256x512xf32>
    %mul3A_116 = arith.mulf %select_n3A_114, %concatenate3A_80 : vector<256x512xf32>
    %add3A_117 = arith.addf %mul3A_115, %mul3A_116 : vector<256x512xf32>
    %convert_element_type3A_118 = arith.truncf %add3A_117 : vector<256x512xf32> to vector<256x512xbf16>
    %swap3A_119 = arith.constant 0 : index
    %swap3A_120 = arith.constant 0 : index
    %swap3A_121 = vector.load %arg11[%swap3A_119, %swap3A_120] : memref<256x512xbf16, #tpu.memory_space<vmem>>, vector<256x512xbf16>
    tpu.vector_store %arg11[%swap3A_119, %swap3A_120], %convert_element_type3A_118 {strides = array<i32>} : memref<256x512xbf16, #tpu.memory_space<vmem>>, vector<256x512xbf16>,
    %convert_element_type3A_122 = arith.truncf %dot_general3A_43 : vector<256x512xf32> to vector<256x512xbf16>
    %swap3A_123 = arith.constant 0 : index
    %swap3A_124 = arith.constant 0 : index
    %swap3A_125 = vector.load %arg12[%swap3A_123, %swap3A_124] : memref<256x512xbf16, #tpu.memory_space<vmem>>, vector<256x512xbf16>
    tpu.vector_store %arg12[%swap3A_123, %swap3A_124], %convert_element_type3A_122 {strides = array<i32>} : memref<256x512xbf16, #tpu.memory_space<vmem>>, vector<256x512xbf16>,
    return
  }
  func.func @transform_0(%arg0: i32) -> (i32, i32) {
    %c0_i32 = arith.constant 0 : i32
    %c0_i32_0 = arith.constant 0 : i32
    return %arg0, %c0_i32 : i32, i32
  }
  func.func @transform_1(%arg0: i32) -> (i32, i32) {
    %c0_i32 = arith.constant 0 : i32
    %c0_i32_0 = arith.constant 0 : i32
    return %arg0, %c0_i32 : i32, i32
  }
  func.func @transform_2(%arg0: i32) -> (i32, i32) {
    %c0_i32 = arith.constant 0 : i32
    %c0_i32_0 = arith.constant 0 : i32
    return %arg0, %c0_i32 : i32, i32
  }
  func.func @transform_3(%arg0: i32) -> (i32, i32) {
    %c0_i32 = arith.constant 0 : i32
    %c0_i32_0 = arith.constant 0 : i32
    %c0_i32_1 = arith.constant 0 : i32
    return %c0_i32, %c0_i32_0 : i32, i32
  }
  func.func @transform_4(%arg0: i32) -> (i32, i32) {
    %c0_i32 = arith.constant 0 : i32
    %c0_i32_0 = arith.constant 0 : i32
    %c0_i32_1 = arith.constant 0 : i32
    return %c0_i32, %c0_i32_0 : i32, i32
  }
  func.func @transform_5(%arg0: i32) -> (i32, i32) {
    %c0_i32 = arith.constant 0 : i32
    %c0_i32_0 = arith.constant 0 : i32
    %c0_i32_1 = arith.constant 0 : i32
    return %c0_i32, %c0_i32_0 : i32, i32
  }
  func.func @transform_6(%arg0: i32) -> (i32, i32) {
    %c0_i32 = arith.constant 0 : i32
    %c0_i32_0 = arith.constant 0 : i32
    %c0_i32_1 = arith.constant 0 : i32
    return %c0_i32, %c0_i32_0 : i32, i32
  }
  func.func @transform_7(%arg0: i32) -> (i32, i32) {
    %c0_i32 = arith.constant 0 : i32
    %c0_i32_0 = arith.constant 0 : i32
    return %arg0, %c0_i32 : i32, i32
  }
  func.func @transform_8(%arg0: i32) -> (i32, i32) {
    %c0_i32 = arith.constant 0 : i32
    %c0_i32_0 = arith.constant 0 : i32
    return %arg0, %c0_i32 : i32, i32
  }
  func.func @transform_9(%arg0: i32) -> (i32, i32) {
    %c0_i32 = arith.constant 0 : i32
    %c0_i32_0 = arith.constant 0 : i32
    return %arg0, %c0_i32 : i32, i32
  }
  func.func @transform_10(%arg0: i32) -> (i32, i32) {
    %c0_i32 = arith.constant 0 : i32
    %c0_i32_0 = arith.constant 0 : i32
    return %arg0, %c0_i32 : i32, i32
  }
  func.func @transform_11(%arg0: i32) -> (i32, i32) {
    %c0_i32 = arith.constant 0 : i32
    %c0_i32_0 = arith.constant 0 : i32
    return %arg0, %c0_i32 : i32, i32
  }
  func.func @transform_12(%arg0: i32) -> (i32, i32) {
    %c0_i32 = arith.constant 0 : i32
    %c0_i32_0 = arith.constant 0 : i32
    return %arg0, %c0_i32 : i32, i32
  }
}

module attributes {stable_mosaic.version = 14 : i64} {
  func.func @_fln_body(%arg0: i32, %arg1: memref<256x1024xf32, #tpu.memory_space<vmem>>, %arg2: memref<256x1024xf32, #tpu.memory_space<vmem>>, %arg3: memref<256x1024xf32, #tpu.memory_space<vmem>>, %arg4: memref<1x1024xf32, #tpu.memory_space<vmem>>, %arg5: memref<256x1024xf32, #tpu.memory_space<vmem>>) attributes {dimension_semantics = [#tpu.dimension_semantics<arbitrary>], iteration_bounds = array<i64: 8>, scalar_prefetch = 0 : i64, scratch_operands = 0 : i64, tpu.core_type = #tpu.core_type<tc>, window_params = [{transform_indices = @transform_0, window_bounds = array<i64: 256, 1024>}, {transform_indices = @transform_1, window_bounds = array<i64: 256, 1024>}, {transform_indices = @transform_2, window_bounds = array<i64: 256, 1024>}, {pipeline_mode = #tpu.pipeline_mode<synchronous>, transform_indices = @transform_3, window_bounds = array<i64: 1, 1024>}, {transform_indices = @transform_4, window_bounds = array<i64: 256, 1024>}]} {
    %get3A = arith.constant 0 : index
    %get3A_0 = arith.constant 0 : index
    %get3A_1 = vector.load %arg1[%get3A, %get3A_0] : memref<256x1024xf32, #tpu.memory_space<vmem>>, vector<256x1024xf32>
    %get3A_2 = arith.constant 0 : index
    %get3A_3 = arith.constant 0 : index
    %get3A_4 = vector.load %arg2[%get3A_2, %get3A_3] : memref<256x1024xf32, #tpu.memory_space<vmem>>, vector<256x1024xf32>
    %add3A = arith.addf %get3A_1, %get3A_4 : vector<256x1024xf32>
    %get3A_5 = arith.constant 0 : index
    %get3A_6 = arith.constant 0 : index
    %get3A_7 = vector.load %arg3[%get3A_5, %get3A_6] : memref<256x1024xf32, #tpu.memory_space<vmem>>, vector<256x1024xf32>
    %add3A_8 = arith.addf %add3A, %get3A_7 : vector<256x1024xf32>
    %get3A_9 = arith.constant 0 : index
    %get3A_10 = arith.constant 0 : index
    %get3A_11 = vector.load %arg4[%get3A_9, %get3A_10] : memref<1x1024xf32, #tpu.memory_space<vmem>>, vector<1x1024xf32>
    %mul3A = arith.mulf %add3A_8, %add3A_8 : vector<256x1024xf32>
    %reduce_sum3A = arith.constant dense<0.000000e+00> : vector<256xf32>
    %reduce_sum3A_12 = vector.multi_reduction <add>, %mul3A, %reduce_sum3A [1] : vector<256x1024xf32> to vector<256xf32>
    %broadcast_in_dim3A = vector.shape_cast %reduce_sum3A_12 : vector<256xf32> to vector<256x1xf32>
    %div3A = arith.constant 1.024000e+03 : f32
    %div3A_13 = vector.broadcast %div3A : f32 to vector<256x1xf32>
    %div3A_14 = arith.divf %broadcast_in_dim3A, %div3A_13 : vector<256x1xf32>
    %add3A_15 = arith.constant 9.99999997E-7 : f32
    %add3A_16 = vector.broadcast %add3A_15 : f32 to vector<256x1xf32>
    %add3A_17 = arith.addf %div3A_14, %add3A_16 : vector<256x1xf32>
    %rsqrt3A = math.rsqrt %add3A_17 : vector<256x1xf32>
    %mul3A_18 = vector.broadcast %rsqrt3A : vector<256x1xf32> to vector<256x1024xf32>
    %mul3A_19 = arith.mulf %add3A_8, %mul3A_18 : vector<256x1024xf32>
    %mul3A_20 = vector.broadcast %get3A_11 : vector<1x1024xf32> to vector<256x1024xf32>
    %mul3A_21 = arith.mulf %mul3A_19, %mul3A_20 : vector<256x1024xf32>
    %swap3A = arith.constant 0 : index
    %swap3A_22 = arith.constant 0 : index
    %swap3A_23 = vector.load %arg5[%swap3A, %swap3A_22] : memref<256x1024xf32, #tpu.memory_space<vmem>>, vector<256x1024xf32>
    tpu.vector_store %arg5[%swap3A, %swap3A_22], %mul3A_21 {strides = array<i32>} : memref<256x1024xf32, #tpu.memory_space<vmem>>, vector<256x1024xf32>,
    return
  }
  func.func @transform_0(%arg0: i32) -> (i32, i32) {
    %c0_i32 = arith.constant 0 : i32
    %c0_i32_0 = arith.constant 0 : i32
    return %arg0, %c0_i32 : i32, i32
  }
  func.func @transform_1(%arg0: i32) -> (i32, i32) {
    %c0_i32 = arith.constant 0 : i32
    %c0_i32_0 = arith.constant 0 : i32
    return %arg0, %c0_i32 : i32, i32
  }
  func.func @transform_2(%arg0: i32) -> (i32, i32) {
    %c0_i32 = arith.constant 0 : i32
    %c0_i32_0 = arith.constant 0 : i32
    return %arg0, %c0_i32 : i32, i32
  }
  func.func @transform_3(%arg0: i32) -> (i32, i32) {
    %c0_i32 = arith.constant 0 : i32
    %c0_i32_0 = arith.constant 0 : i32
    %c0_i32_1 = arith.constant 0 : i32
    return %c0_i32, %c0_i32_0 : i32, i32
  }
  func.func @transform_4(%arg0: i32) -> (i32, i32) {
    %c0_i32 = arith.constant 0 : i32
    %c0_i32_0 = arith.constant 0 : i32
    return %arg0, %c0_i32 : i32, i32
  }
}

</mosaic_0001>

<sc_bundles>
// kernel: kernel.15.cloned.1.call-start
scs
__scs_entry_jumppad:
0x0: {  	(pc) =	sbr.rel $0x88, $3  }
0x1: {  	(tag) =	ssettag $0x0;
	lr =	simm.s32 $0x1  }
0x2: {  	[smem:$0x3F8B] =	sst lr;
	_ =	strace $0xD0000000  }
0x3: {  	_ = 	snop  }
0x4: {  	_ = 	snop  }
0x5: {  	_ = 	snop  }
0x6: {  	_ = 	snop  }
0x7: {  	_ = 	snop  }
__scs_overlays_trampoline_lowered:
0x8: {  	[smem:$0x3F9A] =	sst s0  }
0x9: {  	[smem:$0x3F9B] =	sst s1  }
0xa: {  	[smem:$0x3F9C] =	sst s2  }
0xb: {  	[smem:$0x3F9D] =	sst s3  }
0xc: {  	[smem:$0x3F9E] =	sst s4  }
0xd: {  	[smem:$0x3F9F] =	sst s5  }
0xe: {  	[smem:$0x3FA0] =	sst s6  }
0xf: {  	[smem:$0x3FA1] =	sst s7  }
0x10: {  	[smem:$0x3FA2] =	sst s8  }
0x11: {  	[smem:$0x3FA3] =	sst s9;
	s0 =	simm.s32 @!p0 $0x0  }
0x12: {  	s1 =	sld [smem:$0x3F89];
	s0 =	simm.s32 @p0 $0x1  }
0x13: {  	[smem:$0x3FA4] =	sst s0;
	s0 =	simm.s32 @!p1 $0x0  }
0x14: {  	s2 =	sld [smem:$0x3F88];
	s0 =	simm.s32 @p1 $0x1  }
0x15: {  	[smem:$0x3FA5] =	sst s0;
	s0 =	simm.s32 @!p2 $0x0  }
0x16: {  	s3 =	sld [smem:$0x3FDB];
	s0 =	simm.s32 @p2 $0x1  }
0x17: {  	s4 =	simm.s32 $0x1BF5;
	[smem:$0x3FA7] =	sst s0  }
0x18: {  	s0 =	sld [smem:$0x3F8A];
	_ =	swait.ge [sflag:s4], $0x0  }
0x19: {  	s7 =	sld [smem:$0x3F8B]  }
0x1a: {  	s8 =	sadd.s32 $0xFFFFE003, lr  }
0x1b: {  	s9 =	sadd.s32 $0xFFFFFEF7, lr;
	s5 =	simm.s32 $0xFFFFFFFF;
	p2 =	slt.u32 s8, $0xFFFFF086  }
0x1c: {  	p1 =	slt.u32 s9, $0xF7A;
	s5 =	simm.s32 @!p2 $0x0  }
0x1d: {  	s5 =	simm.s32 @p1 $0x1;
	p0 =	seq.s32 s7, s2  }
0x1e: {  	s7 =	smul.u32 @!p0 $0xF7A, s2;
	p2 =	seq.s32 @!p0 s5, $0x0  }
0x1f: {  	s9 =	smul.u32 $0xF7A, s1;
	s8 =	simm.s32 @!p0 $0x1BF5;
	p2 =	por !p2, p0  }
0x20: {  	[sflag:s8] =	ssyncset.s32 @!p0 $0xFFFFF086;
	s6 =	sadd.s32 @!p0 s3, s7;
	s7 =	simm.s32 @!p0 $0x108  }
0x21: {  	s3 =	sadd.s32 s3, s9;
	s6 =	sadd.s32 @!p0 $0x88, s6;
	s7 =	simm.s32 @p2 $0x1082  }
0x22: {  	[simem:s7], [sflag:s8] =	dma.local @!p0 [hbm:s6], $0xF7A  }
0x23: {  	s9 =	sor.u32 $0xD0000000, s2;
	s6 =	simm.s32 $0x108;
	_ =	swait.ge @!p0 [sflag:s8], $0x0  }
0x24: {  	s3 =	sadd.s32 $0x88, s3;
	s6 =	simm.s32 @!p1 $0x1082;
	[sflag:s4] =	ssyncset.s32 $0xFFFFF086  }
0x25: {  	[simem:s6], [sflag:s4] =	dma.local [hbm:s3], $0xF7A  }
0x26: {  	[smem:$0x3F8B] =	sst s1;
	(tag) =	ssettag s2;
	_ =	strace s9  }
0x27: {  	s1 =	sld [smem:$0x3F9B]  }
0x28: {  	s2 =	sld [smem:$0x3F9C]  }
0x29: {  	s4 =	sld [smem:$0x3F9E]  }
0x2a: {  	p0 =	seq.s32 s5, $0x0;
	s5 =	sld [smem:$0x3F9F]  }
0x2b: {  	s6 =	sld [smem:$0x3FA0]  }
0x2c: {  	s7 =	sld [smem:$0x3FA1]  }
0x2d: {  	s3 =	simm.s32 $0x108;
	s8 =	sld [smem:$0x3FA2]  }
0x2e: {  	s3 =	simm.s32 @!p0 $0x1082;
	s9 =	sld [smem:$0x3FA3]  }
0x2f: {  	lr =	sadd.s32 s0, s3;
	s0 =	sld [smem:$0x3F9A]  }
0x30: {  	s3 =	sld [smem:$0x3F9D]  }
0x31: {  	[smem:$0x3FA6] =	sst s10  }
0x32: {  	s10 =	sld [smem:$0x3FA4];
	_ =	sdelay $0x3  }
0x33: {  	p0 =	seq.s32 s10, $0x1;
	s10 =	sld [smem:$0x3FA6];
	_ =	sdelay $0x3  }
0x34: {  	[smem:$0x3FA6] =	sst s10  }
0x35: {  	s10 =	sld [smem:$0x3FA5];
	_ =	sdelay $0x3  }
0x36: {  	p1 =	seq.s32 s10, $0x1;
	s10 =	sld [smem:$0x3FA6];
	_ =	sdelay $0x3  }
0x37: {  	[smem:$0x3FA6] =	sst s10  }
0x38: {  	s10 =	sld [smem:$0x3FA7]  }
0x39: {  	_ = 	snop;
	(pc) =	sbr.ind lr, $3  }
0x3a: {  	_ = 	snop  }
0x3b: {  	_ = 	snop  }
0x3c: {  	p2 =	seq.s32 s10, $0x1;
	s10 =	sld [smem:$0x3FA6]  }
0x3d: {  	_ =	shalt  }
0x3e: {  	_ =	shalt  }
0x3f: {  	_ =	shalt  }
0x40: {  	_ =	shalt  }
0x41: {  	_ =	shalt  }
0x42: {  	_ =	shalt  }
0x43: {  	_ =	shalt  }
0x44: {  	_ =	shalt  }
0x45: {  	_ =	shalt  }
0x46: {  	_ =	shalt  }
0x47: {  	_ =	shalt  }
0x48: {  	_ =	shalt  }
0x49: {  	_ =	shalt  }
0x4a: {  	_ =	shalt  }
0x4b: {  	_ =	shalt  }
0x4c: {  	_ =	shalt  }
0x4d: {  	_ =	shalt  }
0x4e: {  	_ =	shalt  }
0x4f: {  	_ =	shalt  }
0x50: {  	_ =	shalt  }
0x51: {  	_ =	shalt  }
0x52: {  	_ =	shalt  }
0x53: {  	_ =	shalt  }
0x54: {  	_ =	shalt  }
0x55: {  	_ =	shalt  }
0x56: {  	_ =	shalt  }
0x57: {  	_ =	shalt  }
0x58: {  	_ =	shalt  }
0x59: {  	_ =	shalt  }
0x5a: {  	_ =	shalt  }
0x5b: {  	_ =	shalt  }
0x5c: {  	_ =	shalt  }
0x5d: {  	_ =	shalt  }
0x5e: {  	_ =	shalt  }
0x5f: {  	_ =	shalt  }
0x60: {  	_ =	shalt  }
0x61: {  	_ =	shalt  }
0x62: {  	_ =	shalt  }
0x63: {  	_ =	shalt  }
0x64: {  	_ =	shalt  }
0x65: {  	_ =	shalt  }
0x66: {  	_ =	shalt  }
0x67: {  	_ =	shalt  }
0x68: {  	_ =	shalt  }
0x69: {  	_ =	shalt  }
0x6a: {  	_ =	shalt  }
0x6b: {  	_ =	shalt  }
0x6c: {  	_ =	shalt  }
0x6d: {  	_ =	shalt  }
0x6e: {  	_ =	shalt  }
0x6f: {  	_ =	shalt  }
0x70: {  	_ =	shalt  }
0x71: {  	_ =	shalt  }
0x72: {  	_ =	shalt  }
0x73: {  	_ =	shalt  }
0x74: {  	_ =	shalt  }
0x75: {  	_ =	shalt  }
0x76: {  	_ =	shalt  }
0x77: {  	_ =	shalt  }
0x78: {  	_ =	shalt  }
0x79: {  	_ =	shalt  }
0x7a: {  	_ =	shalt  }
0x7b: {  	_ =	shalt  }
0x7c: {  	_ =	shalt  }
0x7d: {  	_ =	shalt  }
0x7e: {  	_ =	shalt  }
0x7f: {  	_ =	shalt  }
0x80: {  	_ =	shalt  }
0x81: {  	_ =	shalt  }
0x82: {  	_ =	shalt  }
0x83: {  	_ =	shalt  }
0x84: {  	_ =	shalt  }
0x85: {  	_ =	shalt  }
0x86: {  	_ =	shalt  }
0x87: {  	_ =	shalt  }
.Lfunc_end0:
.L_simem_size_0:
called_computation_lowered:
.L_overlay_start_0:
0x88: {  	s2 =	sld [smem:$0x3FD9]  }
0x89: {  	s3 =	sld [smem:$0x3FFE];
	_ =	sdelay $0x1  }
0x8a: {  	s1 =	srdreg.scid  }
0x8b: {  	s0 =	sand.u32 $0x1, s1  }
0x8c: {  	s17 =	sshll.u32 s0, $0xA;
	s2 =	sadd.s32 s3, s2  }
0x8d: {  	s2 =	sadd.s32 s2, s17  }
0x8e: {  	[smem:$0x3FB2] =	sst s2  }
0x8f: {  	_ = 	snop  }
0x90: {  	s2 =	sld [smem:$0x3FD0];
	(tm) =	ssettm $0x1  }
0x91: {  	s18 =	sld [smem:$0x3FFB];
	_ =	sdelay $0x3  }
0x92: {  	_ =	strace s18  }
0x93: {  	s3 =	sld [smem:$0x3FFC];
	_ =	sdelay $0x3  }
0x94: {  	_ =	strace s3  }
0x95: {  	s3 =	sld [smem:$0x3FFD];
	_ =	sdelay $0x3  }
0x96: {  	_ =	strace s3  }
0x97: {  	_ =	strace $0x8FFFFFFF  }
0x98: {  	s19 =	sld [smem:$0x3FDB];
	_ =	sdelay $0x1  }
0x99: {  	s4 =	simm.s32 $_scs_section_size  }
0x9a: {  	s5 =	simm.s32 $_size__tile_overlayer_lowered;
	s6 =	simm.s32 $_tile_overlayer_lowered  }
0x9b: {  	s22 =	simm.s32 $0x1BFF;
	s21 =	sshll.u32 s6, $0x1;
	s3 =	sadd.s32 s4, s19  }
0x9c: {  	s7 =	simm.s32 $0x0;
	s20 =	sshll.u32 s5, $0x1;
	s5 =	sadd.s32 s21, s3  }
0x9d: {  	[timem:s7], [sflag:s22] =	dma.local [hbm:s5], s20  }
0x9e: {  	_ =	swait.ge [sflag:s22], s20  }
0x9f: {  	s4 =	ssub.s32 $0x0, s20;
	[sflag:s22] =	ssyncset.done $0x0  }
0xa0: {  	[sflag:s22] =	ssyncadd.s32 s4;
	_ =	sdelay $0x1  }
0xa1: {  	s23 =	simm.s32 $0x1B8B  }
0xa2: {  	_ =	swait.ge [sflag:s23], $0x1  }
0xa3: {  	[sflag:s23] =	ssyncset.done $0x0  }
0xa4: {  	s25 =	simm.s32 $0x1B8E;
	s24 =	sld [smem:$0x3FFE];
	[sflag:s23] =	ssyncadd.s32 $0xFFFFFFFF  }
0xa5: {  	s26 =	simm.s32 $execute0_lowered;
	[smem:$0x3FD2] =	sst s25  }
0xa6: {  	s5 =	sshll.u32 s26, $0x1;
	_ =	strace $0x80000046;
	[dreg:$0x1] =	wrdreg $0xFFFFFFFF  }
0xa7: {  	s28 =	simm.s32 $_size_execute0_lowered;
	s3 =	sadd.s32 s3, s5;
	[dreg:$0x0] =	wrdreg $0x0  }
0xa8: {  	s5 =	sshll.u32 s28, $0x1;
	[dreg:$0x2] =	wrdreg s3  }
0xa9: {  	[dreg:$0x3] =	wrdreg s5  }
0xaa: {  	[dreg:$0x4] =	wrdreg $0xC0  }
0xab: {  	_ =	task [dreg:s7], $0x5FFFF  }
0xac: {  	[dreg:$0x1] =	wrdreg $0xFFFFFFFF  }
0xad: {  	[dreg:$0x0] =	wrdreg $0x60  }
0xae: {  	[dreg:$0x2] =	wrdreg s2  }
0xaf: {  	[dreg:$0x3] =	wrdreg s24  }
0xb0: {  	[dreg:$0x4] =	wrdreg $0x9  }
0xb1: {  	_ =	task.clear_ibuf [dreg:s7], $0x5FFFF;
	_ =	strace $0x90000046  }
0xb2: {  	s29 =	simm.s32 $0x9;
	_ =	strace $0x80000048  }
0xb3: {  	_ =	swait.ge [sflag:s29], $0x1  }
0xb4: {  	[sflag:s29] =	ssyncadd.s32 $0xFFFFFFFF  }
0xb5: {  	_ =	strace $0x90000048  }
0xb6: {  	_ =	sfence  }
0xb7: {  	s30 =	sld [smem:$0x0];
	_ =	sdelay $0x2  }
0xb8: {  	s31 =	sshll.u32 s1, $0xD;
	s1 =	sshrl.u32 s1, $0x2  }
0xb9: {  	s3 =	sand.u32 $0x4000, s31;
	s1 =	sadd.s32 s1, s30  }
0xba: {  	s0 =	sor.u32 s3, s0;
	s1 =	sshll.u32 s1, $0x11  }
0xbb: {  	s0 =	sor.u32 s1, s0  }
0xbc: {  	s0 =	sadd.s32 $0x8F2B, s0  }
0xbd: {  	[sflag:s0] =	ssyncadd.remote.s32 $0x1  }
0xbe: {  	_ =	sfence.sel $0xFFFF  }
0xbf: {  	[dreg:$0x0] =	wrdreg $0xFFFFFFFF;
	(pc) =	sbr.abs _section_cstart, $3  }
0xc0: {  	[dreg:$0x1] =	wrdreg $0xFFFFFFFF  }
0xc1: {  	_ =	task.clear_ibuf [dreg:s7], $0x2FFFF;
	_ =	strace $0x9FFFFFFF  }
0xc2: {  	(tm) =	ssettm $0x7FFFFFFF  }
0xc3: {  	_ =	shalt  }
tec
execute0_lowered:
.L_overlay_start_1:
0x0: {  	(tag) =	ssettag $0x1  }
0x1: {  	s0 =	srdreg.scid;
	s1 =	rddreg [dreg:$0x0]  }
0x2: {  	s2 =	stileid.u32;
	s7 =	rddreg [dreg:$0x1];
	s9 =	simm.s32 $0x2  }
0x3: {  	s30 =	simm.s32 $0x1100;
	s31 =	simm.s32 $0x1900;
	s11 =	simm.s32 $0x3900  }
0x4: {  	s12 =	simm.s32 $0x4100;
	s14 =	simm.s32 $0x4900;
	s15 =	simm.s32 $0x5100  }
0x5: {  	s16 =	simm.s32 $0x5900;
	s17 =	simm.s32 $0x6100;
	s18 =	simm.s32 $0x6900  }
0x6: {  	s19 =	simm.s32 $0x7100;
	s20 =	simm.s32 $0x7900;
	s21 =	simm.s32 $0x8100  }
0x7: {  	s13 =	simm.s32 $0x9900;
	s28 =	simm.s32 $0xA900;
	s0 =	sand.u32 $0x1, s0  }
0x8: {  	s29 =	simm.s32 $0xB100;
	s2 =	sshll.u32 s2, $0x7;
	s3 =	sshll.u32 s0, $0x6  }
0x9: {  	s26 =	sadd.s32 $0x53400, s7;
	s0 =	ssub.s32 $0x2, s0;
	s4 =	sor.u32 s3, s2  }
0xa: {  	s2 =	simm.s32 $0x0;
	s25 =	sshrl.u32 s0, $0x1;
	s3 =	sshrl.u32 s4, $0x3  }
0xb: {  	[smem:$0x7FF] =	sst s2;
	s22 =	sshll.u32 s4, $0x4;
	s4 =	sshll.u32 s4, $0x7  }
0xc: {  	s0 =	ssub.s32 s0, s25;
	s5 =	sadd.s32 s3, s7;
	_ =	strace $0x80000047  }
0xd: {  	s6 =	sadd.s32 s22, s7;
	s1 =	sadd.s32 s1, s4;
	[dreg:$0x8] =	wrdreg s26  }
0xe: {  	s3 =	sadd.s32 $0x6B400, s7;
	s8 =	sadd.s32 $0x53200, s5;
	[dreg:$0x7] =	wrdreg s1  }
0xf: {  	s22 =	simm.s32 $0x8900;
	s5 =	sadd.s32 $0x53000, s5;
	[dreg:$0x3] =	wrdreg s8  }
0x10: {  	s26 =	simm.s32 $0xA100;
	s23 =	sadd.s32 $0x43000, s6;
	[dreg:$0x4] =	wrdreg s5  }
0x11: {  	v2 =	vlaneseq.u32;
	s24 =	sadd.s32 $0x4B000, s6;
	s6 =	sadd.s32 $0x6B600, s7;
	[dreg:$0x5] =	wrdreg s23  }
0x12: {  	vm0 =	vmmov $0xffff;
	v1 =	vshrl.u32 v2, $0x3;
	[dreg:$0x6] =	wrdreg s24;
	s5 =	sadd.s32 $0x6B500, s7;
	s7 =	sadd.s32 $0x6B700, s7  }
0x13: {  	v0 =	vand.u32 $0x7, v2;
	v2 =	vor.u32 $0x8, v2;
	v1 =	vmul.u32 $0x8, v1;
	s8 =	smax.u32 s0, $0x1;
	s23 =	simm.s32 $0x1;
	s24 =	simm.s32 $0x9100  }
.LBB2_1:
0x14: {  	s25 =	rddreg [dreg:$0x3]  }
0x15: {  	[tilespmem:s2], [sflag:$0x2] =	stream.linear.gather [hbm4b:s25+s2], $0x40, $0x38;
	[tilespmem:$0x14100] =	vst v63  }
0x16: {  	_ =	swait.ge [sflag:s9], $0x40  }
0x17: {  	[sflag:s9] =	ssyncset.done $0x0  }
0x18: {  	s0 =	simm.s32 $0x80;
	s10 =	rddreg [dreg:$0x4];
	[sflag:s9] =	ssyncadd.s32 $0xFFFFFFC0  }
0x19: {  	[tilespmem:s0], [sflag:$0x2] =	stream.linear.gather [hbm4b:s10+s2], $0x40, $0x38;
	[tilespmem:$0x14100] =	vst v63  }
0x1a: {  	_ =	swait.ge [sflag:s9], $0x40  }
0x1b: {  	[sflag:s9] =	ssyncset.done $0x0  }
0x1c: {  	s1 =	simm.s32 $0x10100;
	s0 =	rddreg [dreg:$0x5];
	[sflag:s9] =	ssyncadd.s32 $0xFFFFFFC0  }
0x1d: {  	[tilespmem:s1], [sflag:$0x2] =	stream.linear.gather [hbm4b:s0+s2], $0x2000, $0x38;
	[tilespmem:$0x14100] =	vst v63  }
0x1e: {  	_ =	swait.ge [sflag:s9], $0x2000  }
0x1f: {  	[sflag:s9] =	ssyncset.done $0x0  }
0x20: {  	s10 =	simm.s32 $0x12100;
	s4 =	rddreg [dreg:$0x6];
	[sflag:s9] =	ssyncadd.s32 $0xFFFFE000  }
0x21: {  	[tilespmem:s10], [sflag:$0x2] =	stream.linear.gather [hbm4b:s4+s2], $0x2000, $0x38;
	[tilespmem:$0x14100] =	vst v63  }
0x22: {  	_ =	swait.ge [sflag:s9], $0x2000  }
0x23: {  	[sflag:s9] =	ssyncset.done $0x0  }
0x24: {  	s4 =	simm.s32 $0x100;
	s1 =	rddreg [dreg:$0x7];
	[sflag:s9] =	ssyncadd.s32 $0xFFFFE000  }
0x25: {  	[tilespmem:s4], [sflag:$0x2] =	stream.linear.gather [hbm4b:s1+s2], $0x10000, $0x38;
	[tilespmem:$0x14100] =	vst v63  }
0x26: {  	_ =	swait.ge [sflag:s9], $0x10000  }
0x27: {  	[sflag:s9] =	ssyncset.done $0x0  }
0x28: {  	[sflag:s9] =	ssyncadd.s32 $0xFFFF0000  }
0x29: {  	v3 =	vld [tilespmem:$0x0];
	_ =	sdelay $0x4  }
0x2a: {  	v4 =	vshll.u32 v3, $0x3  }
0x2b: {  	v3 =	vand.u32 $0x7, v3;
	v4 =	vand.u32 $0xFFFFFFC0, v4  }
0x2c: {  	v3 =	vor.u32 v3, v4  }
0x2d: {  	v4 =	vperm.xlane v3, v0;
	_ =	sdelay $0x1  }
0x2e: {  	v4 =	vadd.s32 v1, v4;
	_ =	sdelay $0x4  }
0x2f: {  	[hbm4b:s3+s2] =	stream.indirect_vreg.scatter [tilespmem:s4], [sflag:$0x1], $0x80, v4, vm0, $0xb8;
	[tilespmem:$0x14100] =	vst v63  }
0x30: {  	s25 =	simm.s32 $0x900;
	v3 =	vperm.xlane v3, v2  }
0x31: {  	[hbm4b:s5+s2] =	stream.indirect_vreg.scatter [tilespmem:s25], [sflag:$0x1], $0x80, v4, vm0, $0xb8;
	[tilespmem:$0x14100] =	vst v63  }
0x32: {  	v3 =	vadd.s32 v1, v3  }
0x33: {  	[hbm4b:s6+s2] =	stream.indirect_vreg.scatter [tilespmem:s30], [sflag:$0x1], $0x80, v4, vm0, $0xb8;
	[tilespmem:$0x14100] =	vst v63  }
0x34: {  	_ = 	snop  }
0x35: {  	[hbm4b:s7+s2] =	stream.indirect_vreg.scatter [tilespmem:s31], [sflag:$0x1], $0x80, v4, vm0, $0xb8;
	[tilespmem:$0x14100] =	vst v63  }
0x36: {  	s1 =	simm.s32 $0x2100  }
0x37: {  	[hbm4b:s3+s2] =	stream.indirect_vreg.scatter [tilespmem:s1], [sflag:$0x1], $0x80, v3, vm0, $0xb8;
	[tilespmem:$0x14100] =	vst v63  }
0x38: {  	s10 =	simm.s32 $0x2900  }
0x39: {  	[hbm4b:s5+s2] =	stream.indirect_vreg.scatter [tilespmem:s10], [sflag:$0x1], $0x80, v3, vm0, $0xb8;
	[tilespmem:$0x14100] =	vst v63  }
0x3a: {  	s10 =	simm.s32 $0x3100  }
0x3b: {  	[hbm4b:s6+s2] =	stream.indirect_vreg.scatter [tilespmem:s10], [sflag:$0x1], $0x80, v3, vm0, $0xb8;
	[tilespmem:$0x14100] =	vst v63  }
0x3c: {  	_ = 	snop  }
0x3d: {  	[hbm4b:s7+s2] =	stream.indirect_vreg.scatter [tilespmem:s11], [sflag:$0x1], $0x80, v3, vm0, $0xb8;
	[tilespmem:$0x14100] =	vst v63  }
0x3e: {  	v3 =	vld [tilespmem:$0x10];
	_ =	sdelay $0x4  }
0x3f: {  	v57 =	vshll.u32 v3, $0x3  }
0x40: {  	v3 =	vand.u32 $0x7, v3;
	v4 =	vand.u32 $0xFFFFFFC0, v57  }
0x41: {  	v3 =	vor.u32 v3, v4  }
0x42: {  	v4 =	vperm.xlane v3, v0;
	_ =	sdelay $0x1  }
0x43: {  	v4 =	vadd.s32 v1, v4;
	_ =	sdelay $0x4  }
0x44: {  	[hbm4b:s3+s2] =	stream.indirect_vreg.scatter [tilespmem:s12], [sflag:$0x1], $0x80, v4, vm0, $0xb8;
	[tilespmem:$0x14100] =	vst v63  }
0x45: {  	v3 =	vperm.xlane v3, v2  }
0x46: {  	[hbm4b:s5+s2] =	stream.indirect_vreg.scatter [tilespmem:s14], [sflag:$0x1], $0x80, v4, vm0, $0xb8;
	[tilespmem:$0x14100] =	vst v63  }
0x47: {  	v3 =	vadd.s32 v1, v3  }
0x48: {  	[hbm4b:s6+s2] =	stream.indirect_vreg.scatter [tilespmem:s15], [sflag:$0x1], $0x80, v4, vm0, $0xb8;
	[tilespmem:$0x14100] =	vst v63  }
0x49: {  	_ = 	snop  }
0x4a: {  	[hbm4b:s7+s2] =	stream.indirect_vreg.scatter [tilespmem:s16], [sflag:$0x1], $0x80, v4, vm0, $0xb8;
	[tilespmem:$0x14100] =	vst v63  }
0x4b: {  	_ = 	snop  }
0x4c: {  	[hbm4b:s3+s2] =	stream.indirect_vreg.scatter [tilespmem:s17], [sflag:$0x1], $0x80, v3, vm0, $0xb8;
	[tilespmem:$0x14100] =	vst v63  }
0x4d: {  	_ = 	snop  }
0x4e: {  	[hbm4b:s5+s2] =	stream.indirect_vreg.scatter [tilespmem:s18], [sflag:$0x1], $0x80, v3, vm0, $0xb8;
	[tilespmem:$0x14100] =	vst v63  }
0x4f: {  	_ = 	snop  }
0x50: {  	[hbm4b:s6+s2] =	stream.indirect_vreg.scatter [tilespmem:s19], [sflag:$0x1], $0x80, v3, vm0, $0xb8;
	[tilespmem:$0x14100] =	vst v63  }
0x51: {  	_ = 	snop  }
0x52: {  	[hbm4b:s7+s2] =	stream.indirect_vreg.scatter [tilespmem:s20], [sflag:$0x1], $0x80, v3, vm0, $0xb8;
	[tilespmem:$0x14100] =	vst v63  }
0x53: {  	v3 =	vld [tilespmem:$0x20];
	_ =	sdelay $0x4  }
0x54: {  	v58 =	vshll.u32 v3, $0x3  }
0x55: {  	v3 =	vand.u32 $0x7, v3;
	v4 =	vand.u32 $0xFFFFFFC0, v58  }
0x56: {  	v3 =	vor.u32 v3, v4  }
0x57: {  	v4 =	vperm.xlane v3, v0;
	_ =	sdelay $0x1  }
0x58: {  	v4 =	vadd.s32 v1, v4;
	_ =	sdelay $0x4  }
0x59: {  	[hbm4b:s3+s2] =	stream.indirect_vreg.scatter [tilespmem:s21], [sflag:$0x1], $0x80, v4, vm0, $0xb8;
	[tilespmem:$0x14100] =	vst v63  }
0x5a: {  	v3 =	vperm.xlane v3, v2  }
0x5b: {  	[hbm4b:s5+s2] =	stream.indirect_vreg.scatter [tilespmem:s22], [sflag:$0x1], $0x80, v4, vm0, $0xb8;
	[tilespmem:$0x14100] =	vst v63  }
0x5c: {  	v3 =	vadd.s32 v1, v3  }
0x5d: {  	[hbm4b:s6+s2] =	stream.indirect_vreg.scatter [tilespmem:s24], [sflag:$0x1], $0x80, v4, vm0, $0xb8;
	[tilespmem:$0x14100] =	vst v63  }
0x5e: {  	_ = 	snop  }
0x5f: {  	[hbm4b:s7+s2] =	stream.indirect_vreg.scatter [tilespmem:s13], [sflag:$0x1], $0x80, v4, vm0, $0xb8;
	[tilespmem:$0x14100] =	vst v63  }
0x60: {  	_ = 	snop  }
0x61: {  	[hbm4b:s3+s2] =	stream.indirect_vreg.scatter [tilespmem:s26], [sflag:$0x1], $0x80, v3, vm0, $0xb8;
	[tilespmem:$0x14100] =	vst v63  }
0x62: {  	_ = 	snop  }
0x63: {  	[hbm4b:s5+s2] =	stream.indirect_vreg.scatter [tilespmem:s28], [sflag:$0x1], $0x80, v3, vm0, $0xb8;
	[tilespmem:$0x14100] =	vst v63  }
0x64: {  	_ = 	snop  }
0x65: {  	[hbm4b:s6+s2] =	stream.indirect_vreg.scatter [tilespmem:s29], [sflag:$0x1], $0x80, v3, vm0, $0xb8;
	[tilespmem:$0x14100] =	vst v63  }
0x66: {  	s0 =	simm.s32 $0xB900  }
0x67: {  	[hbm4b:s7+s2] =	stream.indirect_vreg.scatter [tilespmem:s0], [sflag:$0x1], $0x80, v3, vm0, $0xb8;
	[tilespmem:$0x14100] =	vst v63  }
0x68: {  	v3 =	vld [tilespmem:$0x30];
	_ =	sdelay $0x4  }
0x69: {  	v59 =	vshll.u32 v3, $0x3  }
0x6a: {  	v3 =	vand.u32 $0x7, v3;
	v4 =	vand.u32 $0xFFFFFFC0, v59  }
0x6b: {  	v3 =	vor.u32 v3, v4  }
0x6c: {  	v4 =	vperm.xlane v3, v0;
	_ =	sdelay $0x1  }
0x6d: {  	v4 =	vadd.s32 v1, v4;
	_ =	sdelay $0x3  }
0x6e: {  	s0 =	simm.s32 $0xC100  }
0x6f: {  	[hbm4b:s3+s2] =	stream.indirect_vreg.scatter [tilespmem:s0], [sflag:$0x1], $0x80, v4, vm0, $0xb8;
	[tilespmem:$0x14100] =	vst v63  }
0x70: {  	v3 =	vperm.xlane v3, v2;
	s0 =	simm.s32 $0xC900  }
0x71: {  	[hbm4b:s5+s2] =	stream.indirect_vreg.scatter [tilespmem:s0], [sflag:$0x1], $0x80, v4, vm0, $0xb8;
	[tilespmem:$0x14100] =	vst v63  }
0x72: {  	v3 =	vadd.s32 v1, v3;
	s0 =	simm.s32 $0xD100  }
0x73: {  	[hbm4b:s6+s2] =	stream.indirect_vreg.scatter [tilespmem:s0], [sflag:$0x1], $0x80, v4, vm0, $0xb8;
	[tilespmem:$0x14100] =	vst v63  }
0x74: {  	s0 =	simm.s32 $0xD900  }
0x75: {  	[hbm4b:s7+s2] =	stream.indirect_vreg.scatter [tilespmem:s0], [sflag:$0x1], $0x80, v4, vm0, $0xb8;
	[tilespmem:$0x14100] =	vst v63  }
0x76: {  	s0 =	simm.s32 $0xE100  }
0x77: {  	[hbm4b:s3+s2] =	stream.indirect_vreg.scatter [tilespmem:s0], [sflag:$0x1], $0x80, v3, vm0, $0xb8;
	[tilespmem:$0x14100] =	vst v63  }
0x78: {  	s0 =	simm.s32 $0xE900  }
0x79: {  	[hbm4b:s5+s2] =	stream.indirect_vreg.scatter [tilespmem:s0], [sflag:$0x1], $0x80, v3, vm0, $0xb8;
	[tilespmem:$0x14100] =	vst v63  }
0x7a: {  	s0 =	simm.s32 $0xF100  }
0x7b: {  	[hbm4b:s6+s2] =	stream.indirect_vreg.scatter [tilespmem:s0], [sflag:$0x1], $0x80, v3, vm0, $0xb8;
	[tilespmem:$0x14100] =	vst v63  }
0x7c: {  	s0 =	simm.s32 $0xF900  }
0x7d: {  	[hbm4b:s7+s2] =	stream.indirect_vreg.scatter [tilespmem:s0], [sflag:$0x1], $0x80, v3, vm0, $0xb8;
	[tilespmem:$0x14100] =	vst v63  }
0x7e: {  	_ =	swait.ge [sflag:s23], $0x10000  }
0x7f: {  	[sflag:s23] =	ssyncset.done $0x0  }
0x80: {  	[sflag:s23] =	ssyncadd.s32 $0xFFFF0000  }
0x81: {  	v3 =	vld [tilespmem:$0x80];
	_ =	sdelay $0x4  }
0x82: {  	v60 =	vshll.u32 v3, $0x3  }
0x83: {  	v3 =	vand.u32 $0x7, v3;
	v4 =	vand.u32 $0xFFFFFFC0, v60  }
0x84: {  	v3 =	vor.u32 v3, v4  }
0x85: {  	v4 =	vperm.xlane v3, v0;
	_ =	sdelay $0x1  }
0x86: {  	v4 =	vadd.s32 v1, v4;
	_ =	sdelay $0x4  }
0x87: {  	[hbm4b:s3+s2] =	stream.indirect_vreg.scatter [tilespmem:s4], [sflag:$0x1], $0x80, v4, vm0, $0xb8;
	[tilespmem:$0x14100] =	vst v63  }
0x88: {  	v3 =	vperm.xlane v3, v2  }
0x89: {  	[hbm4b:s5+s2] =	stream.indirect_vreg.scatter [tilespmem:s25], [sflag:$0x1], $0x80, v4, vm0, $0xb8;
	[tilespmem:$0x14100] =	vst v63  }
0x8a: {  	v3 =	vadd.s32 v1, v3  }
0x8b: {  	[hbm4b:s6+s2] =	stream.indirect_vreg.scatter [tilespmem:s30], [sflag:$0x1], $0x80, v4, vm0, $0xb8;
	[tilespmem:$0x14100] =	vst v63  }
0x8c: {  	_ = 	snop  }
0x8d: {  	[hbm4b:s7+s2] =	stream.indirect_vreg.scatter [tilespmem:s31], [sflag:$0x1], $0x80, v4, vm0, $0xb8;
	[tilespmem:$0x14100] =	vst v63  }
0x8e: {  	_ = 	snop  }
0x8f: {  	[hbm4b:s3+s2] =	stream.indirect_vreg.scatter [tilespmem:s1], [sflag:$0x1], $0x80, v3, vm0, $0xb8;
	[tilespmem:$0x14100] =	vst v63  }
0x90: {  	s4 =	simm.s32 $0x2900  }
0x91: {  	[hbm4b:s5+s2] =	stream.indirect_vreg.scatter [tilespmem:s4], [sflag:$0x1], $0x80, v3, vm0, $0xb8;
	[tilespmem:$0x14100] =	vst v63  }
0x92: {  	_ = 	snop  }
0x93: {  	[hbm4b:s6+s2] =	stream.indirect_vreg.scatter [tilespmem:s10], [sflag:$0x1], $0x80, v3, vm0, $0xb8;
	[tilespmem:$0x14100] =	vst v63  }
0x94: {  	_ = 	snop  }
0x95: {  	[hbm4b:s7+s2] =	stream.indirect_vreg.scatter [tilespmem:s11], [sflag:$0x1], $0x80, v3, vm0, $0xb8;
	[tilespmem:$0x14100] =	vst v63  }
0x96: {  	v3 =	vld [tilespmem:$0x90];
	_ =	sdelay $0x4  }
0x97: {  	v61 =	vshll.u32 v3, $0x3  }
0x98: {  	v3 =	vand.u32 $0x7, v3;
	v4 =	vand.u32 $0xFFFFFFC0, v61  }
0x99: {  	v3 =	vor.u32 v3, v4  }
0x9a: {  	v4 =	vperm.xlane v3, v0;
	_ =	sdelay $0x1  }
0x9b: {  	v4 =	vadd.s32 v1, v4;
	_ =	sdelay $0x4  }
0x9c: {  	[hbm4b:s3+s2] =	stream.indirect_vreg.scatter [tilespmem:s12], [sflag:$0x1], $0x80, v4, vm0, $0xb8;
	[tilespmem:$0x14100] =	vst v63  }
0x9d: {  	v3 =	vperm.xlane v3, v2  }
0x9e: {  	[hbm4b:s5+s2] =	stream.indirect_vreg.scatter [tilespmem:s14], [sflag:$0x1], $0x80, v4, vm0, $0xb8;
	[tilespmem:$0x14100] =	vst v63  }
0x9f: {  	v3 =	vadd.s32 v1, v3  }
0xa0: {  	[hbm4b:s6+s2] =	stream.indirect_vreg.scatter [tilespmem:s15], [sflag:$0x1], $0x80, v4, vm0, $0xb8;
	[tilespmem:$0x14100] =	vst v63  }
0xa1: {  	_ = 	snop  }
0xa2: {  	[hbm4b:s7+s2] =	stream.indirect_vreg.scatter [tilespmem:s16], [sflag:$0x1], $0x80, v4, vm0, $0xb8;
	[tilespmem:$0x14100] =	vst v63  }
0xa3: {  	_ = 	snop  }
0xa4: {  	[hbm4b:s3+s2] =	stream.indirect_vreg.scatter [tilespmem:s17], [sflag:$0x1], $0x80, v3, vm0, $0xb8;
	[tilespmem:$0x14100] =	vst v63  }
0xa5: {  	_ = 	snop  }
0xa6: {  	[hbm4b:s5+s2] =	stream.indirect_vreg.scatter [tilespmem:s18], [sflag:$0x1], $0x80, v3, vm0, $0xb8;
	[tilespmem:$0x14100] =	vst v63  }
0xa7: {  	_ = 	snop  }
0xa8: {  	[hbm4b:s6+s2] =	stream.indirect_vreg.scatter [tilespmem:s19], [sflag:$0x1], $0x80, v3, vm0, $0xb8;
	[tilespmem:$0x14100] =	vst v63  }
0xa9: {  	_ = 	snop  }
0xaa: {  	[hbm4b:s7+s2] =	stream.indirect_vreg.scatter [tilespmem:s20], [sflag:$0x1], $0x80, v3, vm0, $0xb8;
	[tilespmem:$0x14100] =	vst v63  }
0xab: {  	v3 =	vld [tilespmem:$0xA0];
	_ =	sdelay $0x4  }
0xac: {  	v62 =	vshll.u32 v3, $0x3  }
0xad: {  	v3 =	vand.u32 $0x7, v3;
	v4 =	vand.u32 $0xFFFFFFC0, v62  }
0xae: {  	v3 =	vor.u32 v3, v4  }
0xaf: {  	v4 =	vperm.xlane v3, v0;
	_ =	sdelay $0x1  }
0xb0: {  	v4 =	vadd.s32 v1, v4;
	_ =	sdelay $0x4  }
0xb1: {  	[hbm4b:s3+s2] =	stream.indirect_vreg.scatter [tilespmem:s21], [sflag:$0x1], $0x80, v4, vm0, $0xb8;
	[tilespmem:$0x14100] =	vst v63  }
0xb2: {  	v3 =	vperm.xlane v3, v2  }
0xb3: {  	[hbm4b:s5+s2] =	stream.indirect_vreg.scatter [tilespmem:s22], [sflag:$0x1], $0x80, v4, vm0, $0xb8;
	[tilespmem:$0x14100] =	vst v63  }
0xb4: {  	v3 =	vadd.s32 v1, v3  }
0xb5: {  	[hbm4b:s6+s2] =	stream.indirect_vreg.scatter [tilespmem:s24], [sflag:$0x1], $0x80, v4, vm0, $0xb8;
	[tilespmem:$0x14100] =	vst v63  }
0xb6: {  	_ = 	snop  }
0xb7: {  	[hbm4b:s7+s2] =	stream.indirect_vreg.scatter [tilespmem:s13], [sflag:$0x1], $0x80, v4, vm0, $0xb8;
	[tilespmem:$0x14100] =	vst v63  }
0xb8: {  	_ = 	snop  }
0xb9: {  	[hbm4b:s3+s2] =	stream.indirect_vreg.scatter [tilespmem:s26], [sflag:$0x1], $0x80, v3, vm0, $0xb8;
	[tilespmem:$0x14100] =	vst v63  }
0xba: {  	_ = 	snop  }
0xbb: {  	[hbm4b:s5+s2] =	stream.indirect_vreg.scatter [tilespmem:s28], [sflag:$0x1], $0x80, v3, vm0, $0xb8;
	[tilespmem:$0x14100] =	vst v63  }
0xbc: {  	_ = 	snop  }
0xbd: {  	[hbm4b:s6+s2] =	stream.indirect_vreg.scatter [tilespmem:s29], [sflag:$0x1], $0x80, v3, vm0, $0xb8;
	[tilespmem:$0x14100] =	vst v63  }
0xbe: {  	s10 =	simm.s32 $0xB900  }
0xbf: {  	[hbm4b:s7+s2] =	stream.indirect_vreg.scatter [tilespmem:s10], [sflag:$0x1], $0x80, v3, vm0, $0xb8;
	[tilespmem:$0x14100] =	vst v63  }
0xc0: {  	v3 =	vld [tilespmem:$0xB0];
	_ =	sdelay $0x4  }
0xc1: {  	v63 =	vshll.u32 v3, $0x3  }
0xc2: {  	v3 =	vand.u32 $0x7, v3;
	v4 =	vand.u32 $0xFFFFFFC0, v63  }
0xc3: {  	v3 =	vor.u32 v3, v4  }
0xc4: {  	v4 =	vperm.xlane v3, v0;
	_ =	sdelay $0x1  }
0xc5: {  	v4 =	vadd.s32 v1, v4;
	_ =	sdelay $0x3  }
0xc6: {  	s25 =	simm.s32 $0xC100  }
0xc7: {  	[hbm4b:s3+s2] =	stream.indirect_vreg.scatter [tilespmem:s25], [sflag:$0x1], $0x80, v4, vm0, $0xb8;
	[tilespmem:$0x14100] =	vst v63  }
0xc8: {  	s1 =	simm.s32 $0xC900;
	v3 =	vperm.xlane v3, v2  }
0xc9: {  	[hbm4b:s5+s2] =	stream.indirect_vreg.scatter [tilespmem:s1], [sflag:$0x1], $0x80, v4, vm0, $0xb8;
	[tilespmem:$0x14100] =	vst v63  }
0xca: {  	s4 =	simm.s32 $0xD100;
	v3 =	vadd.s32 v1, v3  }
0xcb: {  	[hbm4b:s6+s2] =	stream.indirect_vreg.scatter [tilespmem:s4], [sflag:$0x1], $0x80, v4, vm0, $0xb8;
	[tilespmem:$0x14100] =	vst v63  }
0xcc: {  	s10 =	simm.s32 $0xD900  }
0xcd: {  	[hbm4b:s7+s2] =	stream.indirect_vreg.scatter [tilespmem:s10], [sflag:$0x1], $0x80, v4, vm0, $0xb8;
	[tilespmem:$0x14100] =	vst v63  }
0xce: {  	s25 =	simm.s32 $0xE100  }
0xcf: {  	[hbm4b:s3+s2] =	stream.indirect_vreg.scatter [tilespmem:s25], [sflag:$0x1], $0x80, v3, vm0, $0xb8;
	[tilespmem:$0x14100] =	vst v63  }
0xd0: {  	s1 =	simm.s32 $0xE900  }
0xd1: {  	[hbm4b:s5+s2] =	stream.indirect_vreg.scatter [tilespmem:s1], [sflag:$0x1], $0x80, v3, vm0, $0xb8;
	[tilespmem:$0x14100] =	vst v63  }
0xd2: {  	s4 =	simm.s32 $0xF100  }
0xd3: {  	[hbm4b:s6+s2] =	stream.indirect_vreg.scatter [tilespmem:s4], [sflag:$0x1], $0x80, v3, vm0, $0xb8;
	[tilespmem:$0x14100] =	vst v63  }
0xd4: {  	s10 =	simm.s32 $0xF900  }
0xd5: {  	[hbm4b:s7+s2] =	stream.indirect_vreg.scatter [tilespmem:s10], [sflag:$0x1], $0x80, v3, vm0, $0xb8;
	[tilespmem:$0x14100] =	vst v63  }
0xd6: {  	_ =	swait.ge [sflag:s23], $0x10000  }
0xd7: {  	s25 =	simm.s32 $0x10100;
	[sflag:s23] =	ssyncset.done $0x0  }
0xd8: {  	s1 =	simm.s32 $0x40;
	s0 =	rddreg [dreg:$0x8];
	[sflag:s23] =	ssyncadd.s32 $0xFFFF0000  }
0xd9: {  	[hbm4b:s0+s1] =	stream.indirect.scatter [tilespmem:s25], [sflag:$0x1], $0x80, s2, s1, $0xb8;
	[tilespmem:$0x14100] =	vst v63  }
0xda: {  	_ =	swait.ge [sflag:s23], $0x2000  }
0xdb: {  	p0 =	sne.s32 s8, $0x1;
	s10 =	simm.s32 $0x80;
	[sflag:s23] =	ssyncset.done $0x0  }
.Ltmp0:
0xdc: {  	s25 =	simm.s32 $0x12100;
	[sflag:s23] =	ssyncadd.s32 $0xFFFFE000;
	(pc) =	sbr.rel @p0 .LBB2_1-.Ltmp0, $4  }
0xdd: {  	[hbm4b:s0+s1] =	stream.indirect.scatter [tilespmem:s25], [sflag:$0x1], $0x80, s10, s1, $0xb8;
	[tilespmem:$0x14100] =	vst v63  }
0xde: {  	_ =	swait.ge [sflag:s23], $0x2000  }
0xdf: {  	[sflag:s23] =	ssyncset.done $0x0  }
0xe0: {  	s8 =	sadd.s32 $0xFFFFFFFF, s8;
	[sflag:s23] =	ssyncadd.s32 $0xFFFFE000  }
0xe1: {  	_ =	sfence.sel $0x180000  }
0xe2: {  	[bflag:$0x0] =	sbarrier.arrive $0xFFFF  }
0xe3: {  	_ =	strace $0x90000047  }
0xe4: {  	s0 =	stileid.u32;
	[bflag:$0x2] =	sbarrier.arrive $0xFFFF  }
0xe5: {  	p0 =	sne.s32 s0, $0x0;
	s0 =	rddreg [dreg:$0x2]  }
0xe6: {  	s0 =	sadd.s32 @!p0 $0x100000, s0  }
0xe7: {  	[sflag:s0] =	ssyncadd.tile.s32 @!p0 $0x1;
	_ =	shalt  }
.Lfunc_end2:
_tile_overlayer_lowered:
.L_overlay_start_2:
0xe8: {  	(tag) =	ssettag $0x2  }
0xe9: {  	s0 =	rddreg [dreg:$0x0];
	s2 =	stileid.u32  }
0xea: {  	s1 =	rddreg [dreg:$0x1];
	p0 =	sne.s32 s2, $0x0  }
0xeb: {  	s3 =	rddreg [dreg:$0x2];
	[bflag:$0x3] =	sbarrier.arrive $0xFFFF;
	s2 =	simm.s32 @!p0 $0x1C02  }
0xec: {  	[timem:s3], [sflag:s2] =	dma.local @!p0 [hbm:s0], s1  }
0xed: {  	s0 =	simm.s32 @!p0 $0x2  }
0xee: {  	_ =	swait.ge @!p0 [sflag:s0], s1  }
0xef: {  	s1 =	ssub.s32 @!p0 $0x0, s1;
	[sflag:s0] =	ssyncset.done @!p0 $0x0  }
0xf0: {  	[sflag:s0] =	ssyncadd.s32 @!p0 s1  }
0xf1: {  	[bflag:$0x3] =	sbarrier.arrive $0xFFFF  }
0xf2: {  	_ =	shalt  }

// kernel: kernel.18.cloned.1.call-start
scs
__scs_entry_jumppad:
0x0: {  	(pc) =	sbr.rel $0x88, $3  }
0x1: {  	(tag) =	ssettag $0x0;
	lr =	simm.s32 $0x1  }
0x2: {  	[smem:$0x3F8B] =	sst lr;
	_ =	strace $0xD0000000  }
0x3: {  	_ = 	snop  }
0x4: {  	_ = 	snop  }
0x5: {  	_ = 	snop  }
0x6: {  	_ = 	snop  }
0x7: {  	_ = 	snop  }
__scs_overlays_trampoline_lowered:
0x8: {  	[smem:$0x3F9A] =	sst s0  }
0x9: {  	[smem:$0x3F9B] =	sst s1  }
0xa: {  	[smem:$0x3F9C] =	sst s2  }
0xb: {  	[smem:$0x3F9D] =	sst s3  }
0xc: {  	[smem:$0x3F9E] =	sst s4  }
0xd: {  	[smem:$0x3F9F] =	sst s5  }
0xe: {  	[smem:$0x3FA0] =	sst s6  }
0xf: {  	[smem:$0x3FA1] =	sst s7  }
0x10: {  	[smem:$0x3FA2] =	sst s8  }
0x11: {  	[smem:$0x3FA3] =	sst s9;
	s0 =	simm.s32 @!p0 $0x0  }
0x12: {  	s1 =	sld [smem:$0x3F89];
	s0 =	simm.s32 @p0 $0x1  }
0x13: {  	[smem:$0x3FA4] =	sst s0;
	s0 =	simm.s32 @!p1 $0x0  }
0x14: {  	s2 =	sld [smem:$0x3F88];
	s0 =	simm.s32 @p1 $0x1  }
0x15: {  	[smem:$0x3FA5] =	sst s0;
	s0 =	simm.s32 @!p2 $0x0  }
0x16: {  	s3 =	sld [smem:$0x3FDB];
	s0 =	simm.s32 @p2 $0x1  }
0x17: {  	s4 =	simm.s32 $0x1BF5;
	[smem:$0x3FA7] =	sst s0  }
0x18: {  	s0 =	sld [smem:$0x3F8A];
	_ =	swait.ge [sflag:s4], $0x0  }
0x19: {  	s7 =	sld [smem:$0x3F8B]  }
0x1a: {  	s8 =	sadd.s32 $0xFFFFE003, lr  }
0x1b: {  	s9 =	sadd.s32 $0xFFFFFEF7, lr;
	s5 =	simm.s32 $0xFFFFFFFF;
	p2 =	slt.u32 s8, $0xFFFFF086  }
0x1c: {  	p1 =	slt.u32 s9, $0xF7A;
	s5 =	simm.s32 @!p2 $0x0  }
0x1d: {  	s5 =	simm.s32 @p1 $0x1;
	p0 =	seq.s32 s7, s2  }
0x1e: {  	s7 =	smul.u32 @!p0 $0xF7A, s2;
	p2 =	seq.s32 @!p0 s5, $0x0  }
0x1f: {  	s9 =	smul.u32 $0xF7A, s1;
	s8 =	simm.s32 @!p0 $0x1BF5;
	p2 =	por !p2, p0  }
0x20: {  	[sflag:s8] =	ssyncset.s32 @!p0 $0xFFFFF086;
	s6 =	sadd.s32 @!p0 s3, s7;
	s7 =	simm.s32 @!p0 $0x108  }
0x21: {  	s3 =	sadd.s32 s3, s9;
	s6 =	sadd.s32 @!p0 $0x88, s6;
	s7 =	simm.s32 @p2 $0x1082  }
0x22: {  	[simem:s7], [sflag:s8] =	dma.local @!p0 [hbm:s6], $0xF7A  }
0x23: {  	s9 =	sor.u32 $0xD0000000, s2;
	s6 =	simm.s32 $0x108;
	_ =	swait.ge @!p0 [sflag:s8], $0x0  }
0x24: {  	s3 =	sadd.s32 $0x88, s3;
	s6 =	simm.s32 @!p1 $0x1082;
	[sflag:s4] =	ssyncset.s32 $0xFFFFF086  }
0x25: {  	[simem:s6], [sflag:s4] =	dma.local [hbm:s3], $0xF7A  }
0x26: {  	[smem:$0x3F8B] =	sst s1;
	(tag) =	ssettag s2;
	_ =	strace s9  }
0x27: {  	s1 =	sld [smem:$0x3F9B]  }
0x28: {  	s2 =	sld [smem:$0x3F9C]  }
0x29: {  	s4 =	sld [smem:$0x3F9E]  }
0x2a: {  	p0 =	seq.s32 s5, $0x0;
	s5 =	sld [smem:$0x3F9F]  }
0x2b: {  	s6 =	sld [smem:$0x3FA0]  }
0x2c: {  	s7 =	sld [smem:$0x3FA1]  }
0x2d: {  	s3 =	simm.s32 $0x108;
	s8 =	sld [smem:$0x3FA2]  }
0x2e: {  	s3 =	simm.s32 @!p0 $0x1082;
	s9 =	sld [smem:$0x3FA3]  }
0x2f: {  	lr =	sadd.s32 s0, s3;
	s0 =	sld [smem:$0x3F9A]  }
0x30: {  	s3 =	sld [smem:$0x3F9D]  }
0x31: {  	[smem:$0x3FA6] =	sst s10  }
0x32: {  	s10 =	sld [smem:$0x3FA4];
	_ =	sdelay $0x3  }
0x33: {  	p0 =	seq.s32 s10, $0x1;
	s10 =	sld [smem:$0x3FA6];
	_ =	sdelay $0x3  }
0x34: {  	[smem:$0x3FA6] =	sst s10  }
0x35: {  	s10 =	sld [smem:$0x3FA5];
	_ =	sdelay $0x3  }
0x36: {  	p1 =	seq.s32 s10, $0x1;
	s10 =	sld [smem:$0x3FA6];
	_ =	sdelay $0x3  }
0x37: {  	[smem:$0x3FA6] =	sst s10  }
0x38: {  	s10 =	sld [smem:$0x3FA7]  }
0x39: {  	_ = 	snop;
	(pc) =	sbr.ind lr, $3  }
0x3a: {  	_ = 	snop  }
0x3b: {  	_ = 	snop  }
0x3c: {  	p2 =	seq.s32 s10, $0x1;
	s10 =	sld [smem:$0x3FA6]  }
0x3d: {  	_ =	shalt  }
0x3e: {  	_ =	shalt  }
0x3f: {  	_ =	shalt  }
0x40: {  	_ =	shalt  }
0x41: {  	_ =	shalt  }
0x42: {  	_ =	shalt  }
0x43: {  	_ =	shalt  }
0x44: {  	_ =	shalt  }
0x45: {  	_ =	shalt  }
0x46: {  	_ =	shalt  }
0x47: {  	_ =	shalt  }
0x48: {  	_ =	shalt  }
0x49: {  	_ =	shalt  }
0x4a: {  	_ =	shalt  }
0x4b: {  	_ =	shalt  }
0x4c: {  	_ =	shalt  }
0x4d: {  	_ =	shalt  }
0x4e: {  	_ =	shalt  }
0x4f: {  	_ =	shalt  }
0x50: {  	_ =	shalt  }
0x51: {  	_ =	shalt  }
0x52: {  	_ =	shalt  }
0x53: {  	_ =	shalt  }
0x54: {  	_ =	shalt  }
0x55: {  	_ =	shalt  }
0x56: {  	_ =	shalt  }
0x57: {  	_ =	shalt  }
0x58: {  	_ =	shalt  }
0x59: {  	_ =	shalt  }
0x5a: {  	_ =	shalt  }
0x5b: {  	_ =	shalt  }
0x5c: {  	_ =	shalt  }
0x5d: {  	_ =	shalt  }
0x5e: {  	_ =	shalt  }
0x5f: {  	_ =	shalt  }
0x60: {  	_ =	shalt  }
0x61: {  	_ =	shalt  }
0x62: {  	_ =	shalt  }
0x63: {  	_ =	shalt  }
0x64: {  	_ =	shalt  }
0x65: {  	_ =	shalt  }
0x66: {  	_ =	shalt  }
0x67: {  	_ =	shalt  }
0x68: {  	_ =	shalt  }
0x69: {  	_ =	shalt  }
0x6a: {  	_ =	shalt  }
0x6b: {  	_ =	shalt  }
0x6c: {  	_ =	shalt  }
0x6d: {  	_ =	shalt  }
0x6e: {  	_ =	shalt  }
0x6f: {  	_ =	shalt  }
0x70: {  	_ =	shalt  }
0x71: {  	_ =	shalt  }
0x72: {  	_ =	shalt  }
0x73: {  	_ =	shalt  }
0x74: {  	_ =	shalt  }
0x75: {  	_ =	shalt  }
0x76: {  	_ =	shalt  }
0x77: {  	_ =	shalt  }
0x78: {  	_ =	shalt  }
0x79: {  	_ =	shalt  }
0x7a: {  	_ =	shalt  }
0x7b: {  	_ =	shalt  }
0x7c: {  	_ =	shalt  }
0x7d: {  	_ =	shalt  }
0x7e: {  	_ =	shalt  }
0x7f: {  	_ =	shalt  }
0x80: {  	_ =	shalt  }
0x81: {  	_ =	shalt  }
0x82: {  	_ =	shalt  }
0x83: {  	_ =	shalt  }
0x84: {  	_ =	shalt  }
0x85: {  	_ =	shalt  }
0x86: {  	_ =	shalt  }
0x87: {  	_ =	shalt  }
.Lfunc_end0:
.L_simem_size_0:
called_computation.1_lowered:
.L_overlay_start_0:
0x88: {  	s2 =	sld [smem:$0x3FD9]  }
0x89: {  	s3 =	sld [smem:$0x3FFE];
	_ =	sdelay $0x1  }
0x8a: {  	s1 =	srdreg.scid  }
0x8b: {  	s0 =	sand.u32 $0x1, s1  }
0x8c: {  	s16 =	sshll.u32 s0, $0xA;
	s2 =	sadd.s32 s3, s2  }
0x8d: {  	s2 =	sadd.s32 s2, s16  }
0x8e: {  	[smem:$0x3FB2] =	sst s2  }
0x8f: {  	_ = 	snop  }
0x90: {  	(tm) =	ssettm $0x1  }
0x91: {  	s17 =	sld [smem:$0x3FFB];
	_ =	sdelay $0x3  }
0x92: {  	_ =	strace s17  }
0x93: {  	s2 =	sld [smem:$0x3FFC];
	_ =	sdelay $0x3  }
0x94: {  	_ =	strace s2  }
0x95: {  	s2 =	sld [smem:$0x3FFD];
	_ =	sdelay $0x3  }
0x96: {  	_ =	strace s2  }
0x97: {  	_ =	strace $0x8FFFFFFF  }
0x98: {  	s18 =	sld [smem:$0x3FDB];
	_ =	sdelay $0x1  }
0x99: {  	s19 =	simm.s32 $_scs_section_size  }
0x9a: {  	s4 =	simm.s32 $_size__tile_overlayer_lowered;
	s5 =	simm.s32 $_tile_overlayer_lowered  }
0x9b: {  	s22 =	simm.s32 $0x1BFF;
	s21 =	sshll.u32 s5, $0x1;
	s2 =	sadd.s32 s19, s18  }
0x9c: {  	s6 =	simm.s32 $0x0;
	s20 =	sshll.u32 s4, $0x1;
	s4 =	sadd.s32 s21, s2  }
0x9d: {  	[timem:s6], [sflag:s22] =	dma.local [hbm:s4], s20  }
0x9e: {  	_ =	swait.ge [sflag:s22], s20  }
0x9f: {  	s3 =	ssub.s32 $0x0, s20;
	[sflag:s22] =	ssyncset.done $0x0  }
0xa0: {  	[sflag:s22] =	ssyncadd.s32 s3;
	_ =	sdelay $0x1  }
0xa1: {  	s23 =	simm.s32 $0x1B8B  }
0xa2: {  	_ =	swait.ge [sflag:s23], $0x1  }
0xa3: {  	[sflag:s23] =	ssyncset.done $0x0  }
0xa4: {  	s25 =	simm.s32 $0x1B8E;
	s24 =	sld [smem:$0x3FFE];
	[sflag:s23] =	ssyncadd.s32 $0xFFFFFFFF  }
0xa5: {  	s26 =	simm.s32 $execute0_lowered;
	[smem:$0x3FD2] =	sst s25  }
0xa6: {  	s4 =	sshll.u32 s26, $0x1;
	_ =	strace $0x80000049;
	[dreg:$0x1] =	wrdreg $0xFFFFFFFF  }
0xa7: {  	s28 =	simm.s32 $_size_execute0_lowered;
	s2 =	sadd.s32 s2, s4;
	[dreg:$0x0] =	wrdreg $0x0  }
0xa8: {  	s4 =	sshll.u32 s28, $0x1;
	[dreg:$0x2] =	wrdreg s2  }
0xa9: {  	[dreg:$0x3] =	wrdreg s4  }
0xaa: {  	[dreg:$0x4] =	wrdreg $0xC0  }
0xab: {  	_ =	task [dreg:s6], $0x5FFFF  }
0xac: {  	[dreg:$0x1] =	wrdreg $0xFFFFFFFF  }
0xad: {  	[dreg:$0x0] =	wrdreg $0x60  }
0xae: {  	[dreg:$0x2] =	wrdreg s24  }
0xaf: {  	[dreg:$0x3] =	wrdreg $0x9  }
0xb0: {  	_ =	task.clear_ibuf [dreg:s6], $0x4FFFF;
	_ =	strace $0x90000049  }
0xb1: {  	s29 =	simm.s32 $0x9;
	_ =	strace $0x8000004B  }
0xb2: {  	_ =	swait.ge [sflag:s29], $0x1  }
0xb3: {  	[sflag:s29] =	ssyncadd.s32 $0xFFFFFFFF  }
0xb4: {  	_ =	strace $0x9000004B  }
0xb5: {  	_ =	sfence  }
0xb6: {  	s30 =	sld [smem:$0x0];
	_ =	sdelay $0x2  }
0xb7: {  	s31 =	sshll.u32 s1, $0xD;
	s1 =	sshrl.u32 s1, $0x2  }
0xb8: {  	s3 =	sand.u32 $0x4000, s31;
	s1 =	sadd.s32 s1, s30  }
0xb9: {  	s0 =	sor.u32 s3, s0;
	s1 =	sshll.u32 s1, $0x11  }
0xba: {  	s0 =	sor.u32 s1, s0  }
0xbb: {  	s0 =	sadd.s32 $0x8F2B, s0  }
0xbc: {  	[sflag:s0] =	ssyncadd.remote.s32 $0x1  }
0xbd: {  	_ =	sfence.sel $0xFFFF  }
0xbe: {  	[dreg:$0x0] =	wrdreg $0xFFFFFFFF;
	(pc) =	sbr.abs _section_cstart, $3  }
0xbf: {  	[dreg:$0x1] =	wrdreg $0xFFFFFFFF  }
0xc0: {  	_ =	task.clear_ibuf [dreg:s6], $0x2FFFF;
	_ =	strace $0x9FFFFFFF  }
0xc1: {  	(tm) =	ssettm $0x7FFFFFFF  }
tec
execute0_lowered:
.L_overlay_start_1:
0x0: {  	(tag) =	ssettag $0x1  }
0x1: {  	s0 =	rddreg [dreg:$0x0]  }
0x2: {  	s1 =	srdreg.scid;
	s3 =	stileid.u32  }
0x3: {  	s2 =	simm.s32 $0x0;
	s26 =	simm.s32 $0x80;
	s8 =	simm.s32 $0x2  }
0x4: {  	s18 =	simm.s32 $0x1;
	s21 =	simm.s32 $0x1100;
	s28 =	simm.s32 $0x4100  }
0x5: {  	s29 =	simm.s32 $0x4900;
	s30 =	simm.s32 $0x5100;
	s31 =	simm.s32 $0x5900  }
0x6: {  	s10 =	simm.s32 $0x7100;
	s11 =	simm.s32 $0x7900;
	s12 =	simm.s32 $0x8100  }
0x7: {  	s13 =	simm.s32 $0x8900;
	s14 =	simm.s32 $0x9100;
	s15 =	simm.s32 $0x9900  }
0x8: {  	s16 =	simm.s32 $0xA100;
	s17 =	simm.s32 $0xA900;
	s9 =	simm.s32 $0xB100  }
0x9: {  	s1 =	sand.u32 $0x1, s1;
	s3 =	sshll.u32 s3, $0x7;
	[smem:$0x7FF] =	sst s2  }
0xa: {  	s4 =	sshll.u32 s1, $0x6;
	_ =	strace $0x8000004A;
	s1 =	ssub.s32 $0x2, s1  }
0xb: {  	[dreg:$0x6] =	wrdreg s26;
	s26 =	simm.s32 $0x3900;
	s4 =	sor.u32 s4, s3  }
0xc: {  	s3 =	sadd.s32 $0x22B600, s0;
	s22 =	sshrl.u32 s1, $0x1;
	s5 =	sshrl.u32 s4, $0x3  }
0xd: {  	s4 =	sshll.u32 s4, $0x7;
	s1 =	ssub.s32 s1, s22;
	s5 =	sadd.s32 s5, s0  }
0xe: {  	s22 =	simm.s32 $0x1900;
	s6 =	sadd.s32 s4, s0;
	s7 =	sadd.s32 $0x53200, s5  }
0xf: {  	s4 =	sadd.s32 $0x22B700, s0;
	s23 =	sadd.s32 $0x53000, s5;
	[dreg:$0x2] =	wrdreg s7  }
0x10: {  	s24 =	sadd.s32 $0x53400, s6;
	s5 =	sadd.s32 $0x22B800, s0;
	[dreg:$0x3] =	wrdreg s23  }
0x11: {  	v2 =	vlaneseq.u32;
	s25 =	sadd.s32 $0x93400, s6;
	s6 =	sadd.s32 $0x22B900, s0;
	[dreg:$0x4] =	wrdreg s24  }
0x12: {  	vm0 =	vmmov $0xffff;
	v1 =	vshrl.u32 v2, $0x3;
	s0 =	simm.s32 $0x100;
	[dreg:$0x5] =	wrdreg s25;
	s7 =	smax.u32 s1, $0x1  }
0x13: {  	v0 =	vand.u32 $0x7, v2;
	v2 =	vor.u32 $0x8, v2;
	v1 =	vmul.u32 $0x8, v1;
	s23 =	simm.s32 $0x2100;
	s24 =	simm.s32 $0x2900;
	s25 =	simm.s32 $0x3100  }
.LBB2_1:
0x14: {  	s19 =	rddreg [dreg:$0x2]  }
0x15: {  	[tilespmem:s2], [sflag:$0x2] =	stream.linear.gather [hbm4b:s19+s2], $0x40, $0x38;
	[tilespmem:$0x10100] =	vst v63  }
0x16: {  	_ =	swait.ge [sflag:s8], $0x40  }
0x17: {  	s1 =	rddreg [dreg:$0x3];
	[sflag:s8] =	ssyncset.done $0x0  }
0x18: {  	s20 =	rddreg [dreg:$0x6];
	[sflag:s8] =	ssyncadd.s32 $0xFFFFFFC0  }
0x19: {  	[tilespmem:s20], [sflag:$0x2] =	stream.linear.gather [hbm4b:s1+s2], $0x40, $0x38;
	[tilespmem:$0x10100] =	vst v63  }
0x1a: {  	_ =	swait.ge [sflag:s8], $0x40  }
0x1b: {  	[sflag:s8] =	ssyncset.done $0x0  }
0x1c: {  	[sflag:s8] =	ssyncadd.s32 $0xFFFFFFC0  }
0x1d: {  	v3 =	vld [tilespmem:$0x0];
	_ =	sdelay $0x4  }
0x1e: {  	v4 =	vshll.u32 v3, $0x3  }
0x1f: {  	v3 =	vand.u32 $0x7, v3;
	v4 =	vand.u32 $0xFFFFFFC0, v4  }
0x20: {  	v3 =	vor.u32 v3, v4  }
0x21: {  	v4 =	vperm.xlane v3, v0;
	_ =	sdelay $0x1  }
0x22: {  	v4 =	vadd.s32 v1, v4;
	_ =	sdelay $0x4  }
0x23: {  	[tilespmem:s0], [sflag:$0x1] =	stream.indirect_vreg.gather [hbm4b:s3+s2], $0x80, v4, vm0, $0xb8;
	[tilespmem:$0x10100] =	vst v63  }
0x24: {  	s20 =	simm.s32 $0x900;
	v3 =	vperm.xlane v3, v2  }
0x25: {  	[tilespmem:s20], [sflag:$0x1] =	stream.indirect_vreg.gather [hbm4b:s4+s2], $0x80, v4, vm0, $0xb8;
	[tilespmem:$0x10100] =	vst v63  }
0x26: {  	v3 =	vadd.s32 v1, v3  }
0x27: {  	[tilespmem:s21], [sflag:$0x1] =	stream.indirect_vreg.gather [hbm4b:s5+s2], $0x80, v4, vm0, $0xb8;
	[tilespmem:$0x10100] =	vst v63  }
0x28: {  	_ = 	snop  }
0x29: {  	[tilespmem:s22], [sflag:$0x1] =	stream.indirect_vreg.gather [hbm4b:s6+s2], $0x80, v4, vm0, $0xb8;
	[tilespmem:$0x10100] =	vst v63  }
0x2a: {  	_ = 	snop  }
0x2b: {  	[tilespmem:s23], [sflag:$0x1] =	stream.indirect_vreg.gather [hbm4b:s3+s2], $0x80, v3, vm0, $0xb8;
	[tilespmem:$0x10100] =	vst v63  }
0x2c: {  	_ = 	snop  }
0x2d: {  	[tilespmem:s24], [sflag:$0x1] =	stream.indirect_vreg.gather [hbm4b:s4+s2], $0x80, v3, vm0, $0xb8;
	[tilespmem:$0x10100] =	vst v63  }
0x2e: {  	_ = 	snop  }
0x2f: {  	[tilespmem:s25], [sflag:$0x1] =	stream.indirect_vreg.gather [hbm4b:s5+s2], $0x80, v3, vm0, $0xb8;
	[tilespmem:$0x10100] =	vst v63  }
0x30: {  	_ = 	snop  }
0x31: {  	[tilespmem:s26], [sflag:$0x1] =	stream.indirect_vreg.gather [hbm4b:s6+s2], $0x80, v3, vm0, $0xb8;
	[tilespmem:$0x10100] =	vst v63  }
0x32: {  	v3 =	vld [tilespmem:$0x10];
	_ =	sdelay $0x4  }
0x33: {  	v57 =	vshll.u32 v3, $0x3  }
0x34: {  	v3 =	vand.u32 $0x7, v3;
	v4 =	vand.u32 $0xFFFFFFC0, v57  }
0x35: {  	v3 =	vor.u32 v3, v4  }
0x36: {  	v4 =	vperm.xlane v3, v0;
	_ =	sdelay $0x1  }
0x37: {  	v4 =	vadd.s32 v1, v4;
	_ =	sdelay $0x4  }
0x38: {  	[tilespmem:s28], [sflag:$0x1] =	stream.indirect_vreg.gather [hbm4b:s3+s2], $0x80, v4, vm0, $0xb8;
	[tilespmem:$0x10100] =	vst v63  }
0x39: {  	v3 =	vperm.xlane v3, v2  }
0x3a: {  	[tilespmem:s29], [sflag:$0x1] =	stream.indirect_vreg.gather [hbm4b:s4+s2], $0x80, v4, vm0, $0xb8;
	[tilespmem:$0x10100] =	vst v63  }
0x3b: {  	v3 =	vadd.s32 v1, v3  }
0x3c: {  	[tilespmem:s30], [sflag:$0x1] =	stream.indirect_vreg.gather [hbm4b:s5+s2], $0x80, v4, vm0, $0xb8;
	[tilespmem:$0x10100] =	vst v63  }
0x3d: {  	_ = 	snop  }
0x3e: {  	[tilespmem:s31], [sflag:$0x1] =	stream.indirect_vreg.gather [hbm4b:s6+s2], $0x80, v4, vm0, $0xb8;
	[tilespmem:$0x10100] =	vst v63  }
0x3f: {  	s1 =	simm.s32 $0x6100  }
0x40: {  	[tilespmem:s1], [sflag:$0x1] =	stream.indirect_vreg.gather [hbm4b:s3+s2], $0x80, v3, vm0, $0xb8;
	[tilespmem:$0x10100] =	vst v63  }
0x41: {  	s1 =	simm.s32 $0x6900  }
0x42: {  	[tilespmem:s1], [sflag:$0x1] =	stream.indirect_vreg.gather [hbm4b:s4+s2], $0x80, v3, vm0, $0xb8;
	[tilespmem:$0x10100] =	vst v63  }
0x43: {  	_ = 	snop  }
0x44: {  	[tilespmem:s10], [sflag:$0x1] =	stream.indirect_vreg.gather [hbm4b:s5+s2], $0x80, v3, vm0, $0xb8;
	[tilespmem:$0x10100] =	vst v63  }
0x45: {  	_ = 	snop  }
0x46: {  	[tilespmem:s11], [sflag:$0x1] =	stream.indirect_vreg.gather [hbm4b:s6+s2], $0x80, v3, vm0, $0xb8;
	[tilespmem:$0x10100] =	vst v63  }
0x47: {  	v3 =	vld [tilespmem:$0x20];
	_ =	sdelay $0x4  }
0x48: {  	v58 =	vshll.u32 v3, $0x3  }
0x49: {  	v3 =	vand.u32 $0x7, v3;
	v4 =	vand.u32 $0xFFFFFFC0, v58  }
0x4a: {  	v3 =	vor.u32 v3, v4  }
0x4b: {  	v4 =	vperm.xlane v3, v0;
	_ =	sdelay $0x1  }
0x4c: {  	v4 =	vadd.s32 v1, v4;
	_ =	sdelay $0x4  }
0x4d: {  	[tilespmem:s12], [sflag:$0x1] =	stream.indirect_vreg.gather [hbm4b:s3+s2], $0x80, v4, vm0, $0xb8;
	[tilespmem:$0x10100] =	vst v63  }
0x4e: {  	v3 =	vperm.xlane v3, v2  }
0x4f: {  	[tilespmem:s13], [sflag:$0x1] =	stream.indirect_vreg.gather [hbm4b:s4+s2], $0x80, v4, vm0, $0xb8;
	[tilespmem:$0x10100] =	vst v63  }
0x50: {  	v3 =	vadd.s32 v1, v3  }
0x51: {  	[tilespmem:s14], [sflag:$0x1] =	stream.indirect_vreg.gather [hbm4b:s5+s2], $0x80, v4, vm0, $0xb8;
	[tilespmem:$0x10100] =	vst v63  }
0x52: {  	_ = 	snop  }
0x53: {  	[tilespmem:s15], [sflag:$0x1] =	stream.indirect_vreg.gather [hbm4b:s6+s2], $0x80, v4, vm0, $0xb8;
	[tilespmem:$0x10100] =	vst v63  }
0x54: {  	_ = 	snop  }
0x55: {  	[tilespmem:s16], [sflag:$0x1] =	stream.indirect_vreg.gather [hbm4b:s3+s2], $0x80, v3, vm0, $0xb8;
	[tilespmem:$0x10100] =	vst v63  }
0x56: {  	_ = 	snop  }
0x57: {  	[tilespmem:s17], [sflag:$0x1] =	stream.indirect_vreg.gather [hbm4b:s4+s2], $0x80, v3, vm0, $0xb8;
	[tilespmem:$0x10100] =	vst v63  }
0x58: {  	_ = 	snop  }
0x59: {  	[tilespmem:s9], [sflag:$0x1] =	stream.indirect_vreg.gather [hbm4b:s5+s2], $0x80, v3, vm0, $0xb8;
	[tilespmem:$0x10100] =	vst v63  }
0x5a: {  	s19 =	simm.s32 $0xB900  }
0x5b: {  	[tilespmem:s19], [sflag:$0x1] =	stream.indirect_vreg.gather [hbm4b:s6+s2], $0x80, v3, vm0, $0xb8;
	[tilespmem:$0x10100] =	vst v63  }
0x5c: {  	v3 =	vld [tilespmem:$0x30];
	_ =	sdelay $0x4  }
0x5d: {  	v59 =	vshll.u32 v3, $0x3  }
0x5e: {  	v3 =	vand.u32 $0x7, v3;
	v4 =	vand.u32 $0xFFFFFFC0, v59  }
0x5f: {  	v3 =	vor.u32 v3, v4  }
0x60: {  	v4 =	vperm.xlane v3, v0;
	_ =	sdelay $0x1  }
0x61: {  	v4 =	vadd.s32 v1, v4;
	_ =	sdelay $0x3  }
0x62: {  	s19 =	simm.s32 $0xC100  }
0x63: {  	[tilespmem:s19], [sflag:$0x1] =	stream.indirect_vreg.gather [hbm4b:s3+s2], $0x80, v4, vm0, $0xb8;
	[tilespmem:$0x10100] =	vst v63  }
0x64: {  	v3 =	vperm.xlane v3, v2;
	s19 =	simm.s32 $0xC900  }
0x65: {  	[tilespmem:s19], [sflag:$0x1] =	stream.indirect_vreg.gather [hbm4b:s4+s2], $0x80, v4, vm0, $0xb8;
	[tilespmem:$0x10100] =	vst v63  }
0x66: {  	v3 =	vadd.s32 v1, v3;
	s19 =	simm.s32 $0xD100  }
0x67: {  	[tilespmem:s19], [sflag:$0x1] =	stream.indirect_vreg.gather [hbm4b:s5+s2], $0x80, v4, vm0, $0xb8;
	[tilespmem:$0x10100] =	vst v63  }
0x68: {  	s19 =	simm.s32 $0xD900  }
0x69: {  	[tilespmem:s19], [sflag:$0x1] =	stream.indirect_vreg.gather [hbm4b:s6+s2], $0x80, v4, vm0, $0xb8;
	[tilespmem:$0x10100] =	vst v63  }
0x6a: {  	s19 =	simm.s32 $0xE100  }
0x6b: {  	[tilespmem:s19], [sflag:$0x1] =	stream.indirect_vreg.gather [hbm4b:s3+s2], $0x80, v3, vm0, $0xb8;
	[tilespmem:$0x10100] =	vst v63  }
0x6c: {  	s19 =	simm.s32 $0xE900  }
0x6d: {  	[tilespmem:s19], [sflag:$0x1] =	stream.indirect_vreg.gather [hbm4b:s4+s2], $0x80, v3, vm0, $0xb8;
	[tilespmem:$0x10100] =	vst v63  }
0x6e: {  	s19 =	simm.s32 $0xF100  }
0x6f: {  	[tilespmem:s19], [sflag:$0x1] =	stream.indirect_vreg.gather [hbm4b:s5+s2], $0x80, v3, vm0, $0xb8;
	[tilespmem:$0x10100] =	vst v63  }
0x70: {  	s19 =	simm.s32 $0xF900  }
0x71: {  	[tilespmem:s19], [sflag:$0x1] =	stream.indirect_vreg.gather [hbm4b:s6+s2], $0x80, v3, vm0, $0xb8;
	[tilespmem:$0x10100] =	vst v63  }
0x72: {  	_ =	swait.ge [sflag:s18], $0x10000  }
0x73: {  	[sflag:s18] =	ssyncset.done $0x0  }
0x74: {  	s19 =	rddreg [dreg:$0x4];
	[sflag:s18] =	ssyncadd.s32 $0xFFFF0000  }
0x75: {  	[hbm4b:s19+s2] =	stream.linear.scatter [tilespmem:s0], [sflag:$0x2], $0x10000, $0x38;
	[tilespmem:$0x10100] =	vst v63  }
0x76: {  	_ =	swait.ge [sflag:s8], $0x10000  }
0x77: {  	[sflag:s8] =	ssyncset.done $0x0  }
0x78: {  	[sflag:s8] =	ssyncadd.s32 $0xFFFF0000  }
0x79: {  	v3 =	vld [tilespmem:$0x80];
	_ =	sdelay $0x4  }
0x7a: {  	v60 =	vshll.u32 v3, $0x3  }
0x7b: {  	v3 =	vand.u32 $0x7, v3;
	v4 =	vand.u32 $0xFFFFFFC0, v60  }
0x7c: {  	v3 =	vor.u32 v3, v4  }
0x7d: {  	v4 =	vperm.xlane v3, v0;
	_ =	sdelay $0x1  }
0x7e: {  	v4 =	vadd.s32 v1, v4;
	_ =	sdelay $0x4  }
0x7f: {  	[tilespmem:s0], [sflag:$0x1] =	stream.indirect_vreg.gather [hbm4b:s3+s2], $0x80, v4, vm0, $0xb8;
	[tilespmem:$0x10100] =	vst v63  }
0x80: {  	v3 =	vperm.xlane v3, v2  }
0x81: {  	[tilespmem:s20], [sflag:$0x1] =	stream.indirect_vreg.gather [hbm4b:s4+s2], $0x80, v4, vm0, $0xb8;
	[tilespmem:$0x10100] =	vst v63  }
0x82: {  	v3 =	vadd.s32 v1, v3  }
0x83: {  	[tilespmem:s21], [sflag:$0x1] =	stream.indirect_vreg.gather [hbm4b:s5+s2], $0x80, v4, vm0, $0xb8;
	[tilespmem:$0x10100] =	vst v63  }
0x84: {  	_ = 	snop  }
0x85: {  	[tilespmem:s22], [sflag:$0x1] =	stream.indirect_vreg.gather [hbm4b:s6+s2], $0x80, v4, vm0, $0xb8;
	[tilespmem:$0x10100] =	vst v63  }
0x86: {  	_ = 	snop  }
0x87: {  	[tilespmem:s23], [sflag:$0x1] =	stream.indirect_vreg.gather [hbm4b:s3+s2], $0x80, v3, vm0, $0xb8;
	[tilespmem:$0x10100] =	vst v63  }
0x88: {  	_ = 	snop  }
0x89: {  	[tilespmem:s24], [sflag:$0x1] =	stream.indirect_vreg.gather [hbm4b:s4+s2], $0x80, v3, vm0, $0xb8;
	[tilespmem:$0x10100] =	vst v63  }
0x8a: {  	_ = 	snop  }
0x8b: {  	[tilespmem:s25], [sflag:$0x1] =	stream.indirect_vreg.gather [hbm4b:s5+s2], $0x80, v3, vm0, $0xb8;
	[tilespmem:$0x10100] =	vst v63  }
0x8c: {  	_ = 	snop  }
0x8d: {  	[tilespmem:s26], [sflag:$0x1] =	stream.indirect_vreg.gather [hbm4b:s6+s2], $0x80, v3, vm0, $0xb8;
	[tilespmem:$0x10100] =	vst v63  }
0x8e: {  	v3 =	vld [tilespmem:$0x90];
	_ =	sdelay $0x4  }
0x8f: {  	v61 =	vshll.u32 v3, $0x3  }
0x90: {  	v3 =	vand.u32 $0x7, v3;
	v4 =	vand.u32 $0xFFFFFFC0, v61  }
0x91: {  	v3 =	vor.u32 v3, v4  }
0x92: {  	v4 =	vperm.xlane v3, v0;
	_ =	sdelay $0x1  }
0x93: {  	v4 =	vadd.s32 v1, v4;
	_ =	sdelay $0x4  }
0x94: {  	[tilespmem:s28], [sflag:$0x1] =	stream.indirect_vreg.gather [hbm4b:s3+s2], $0x80, v4, vm0, $0xb8;
	[tilespmem:$0x10100] =	vst v63  }
0x95: {  	v3 =	vperm.xlane v3, v2  }
0x96: {  	[tilespmem:s29], [sflag:$0x1] =	stream.indirect_vreg.gather [hbm4b:s4+s2], $0x80, v4, vm0, $0xb8;
	[tilespmem:$0x10100] =	vst v63  }
0x97: {  	v3 =	vadd.s32 v1, v3  }
0x98: {  	[tilespmem:s30], [sflag:$0x1] =	stream.indirect_vreg.gather [hbm4b:s5+s2], $0x80, v4, vm0, $0xb8;
	[tilespmem:$0x10100] =	vst v63  }
0x99: {  	_ = 	snop  }
0x9a: {  	[tilespmem:s31], [sflag:$0x1] =	stream.indirect_vreg.gather [hbm4b:s6+s2], $0x80, v4, vm0, $0xb8;
	[tilespmem:$0x10100] =	vst v63  }
0x9b: {  	s20 =	simm.s32 $0x6100  }
0x9c: {  	[tilespmem:s20], [sflag:$0x1] =	stream.indirect_vreg.gather [hbm4b:s3+s2], $0x80, v3, vm0, $0xb8;
	[tilespmem:$0x10100] =	vst v63  }
0x9d: {  	_ = 	snop  }
0x9e: {  	[tilespmem:s1], [sflag:$0x1] =	stream.indirect_vreg.gather [hbm4b:s4+s2], $0x80, v3, vm0, $0xb8;
	[tilespmem:$0x10100] =	vst v63  }
0x9f: {  	_ = 	snop  }
0xa0: {  	[tilespmem:s10], [sflag:$0x1] =	stream.indirect_vreg.gather [hbm4b:s5+s2], $0x80, v3, vm0, $0xb8;
	[tilespmem:$0x10100] =	vst v63  }
0xa1: {  	_ = 	snop  }
0xa2: {  	[tilespmem:s11], [sflag:$0x1] =	stream.indirect_vreg.gather [hbm4b:s6+s2], $0x80, v3, vm0, $0xb8;
	[tilespmem:$0x10100] =	vst v63  }
0xa3: {  	v3 =	vld [tilespmem:$0xA0];
	_ =	sdelay $0x4  }
0xa4: {  	v62 =	vshll.u32 v3, $0x3  }
0xa5: {  	v3 =	vand.u32 $0x7, v3;
	v4 =	vand.u32 $0xFFFFFFC0, v62  }
0xa6: {  	v3 =	vor.u32 v3, v4  }
0xa7: {  	v4 =	vperm.xlane v3, v0;
	_ =	sdelay $0x1  }
0xa8: {  	v4 =	vadd.s32 v1, v4;
	_ =	sdelay $0x4  }
0xa9: {  	[tilespmem:s12], [sflag:$0x1] =	stream.indirect_vreg.gather [hbm4b:s3+s2], $0x80, v4, vm0, $0xb8;
	[tilespmem:$0x10100] =	vst v63  }
0xaa: {  	v3 =	vperm.xlane v3, v2  }
0xab: {  	[tilespmem:s13], [sflag:$0x1] =	stream.indirect_vreg.gather [hbm4b:s4+s2], $0x80, v4, vm0, $0xb8;
	[tilespmem:$0x10100] =	vst v63  }
0xac: {  	v3 =	vadd.s32 v1, v3  }
0xad: {  	[tilespmem:s14], [sflag:$0x1] =	stream.indirect_vreg.gather [hbm4b:s5+s2], $0x80, v4, vm0, $0xb8;
	[tilespmem:$0x10100] =	vst v63  }
0xae: {  	_ = 	snop  }
0xaf: {  	[tilespmem:s15], [sflag:$0x1] =	stream.indirect_vreg.gather [hbm4b:s6+s2], $0x80, v4, vm0, $0xb8;
	[tilespmem:$0x10100] =	vst v63  }
0xb0: {  	_ = 	snop  }
0xb1: {  	[tilespmem:s16], [sflag:$0x1] =	stream.indirect_vreg.gather [hbm4b:s3+s2], $0x80, v3, vm0, $0xb8;
	[tilespmem:$0x10100] =	vst v63  }
0xb2: {  	_ = 	snop  }
0xb3: {  	[tilespmem:s17], [sflag:$0x1] =	stream.indirect_vreg.gather [hbm4b:s4+s2], $0x80, v3, vm0, $0xb8;
	[tilespmem:$0x10100] =	vst v63  }
0xb4: {  	_ = 	snop  }
0xb5: {  	[tilespmem:s9], [sflag:$0x1] =	stream.indirect_vreg.gather [hbm4b:s5+s2], $0x80, v3, vm0, $0xb8;
	[tilespmem:$0x10100] =	vst v63  }
0xb6: {  	s19 =	simm.s32 $0xB900  }
0xb7: {  	[tilespmem:s19], [sflag:$0x1] =	stream.indirect_vreg.gather [hbm4b:s6+s2], $0x80, v3, vm0, $0xb8;
	[tilespmem:$0x10100] =	vst v63  }
0xb8: {  	v3 =	vld [tilespmem:$0xB0];
	_ =	sdelay $0x4  }
0xb9: {  	v63 =	vshll.u32 v3, $0x3  }
0xba: {  	v3 =	vand.u32 $0x7, v3;
	v4 =	vand.u32 $0xFFFFFFC0, v63  }
0xbb: {  	v3 =	vor.u32 v3, v4  }
0xbc: {  	v4 =	vperm.xlane v3, v0;
	_ =	sdelay $0x1  }
0xbd: {  	v4 =	vadd.s32 v1, v4;
	_ =	sdelay $0x3  }
0xbe: {  	s20 =	simm.s32 $0xC100  }
0xbf: {  	[tilespmem:s20], [sflag:$0x1] =	stream.indirect_vreg.gather [hbm4b:s3+s2], $0x80, v4, vm0, $0xb8;
	[tilespmem:$0x10100] =	vst v63  }
0xc0: {  	s19 =	simm.s32 $0xC900;
	v3 =	vperm.xlane v3, v2  }
0xc1: {  	[tilespmem:s19], [sflag:$0x1] =	stream.indirect_vreg.gather [hbm4b:s4+s2], $0x80, v4, vm0, $0xb8;
	[tilespmem:$0x10100] =	vst v63  }
0xc2: {  	v3 =	vadd.s32 v1, v3;
	s20 =	simm.s32 $0xD100  }
0xc3: {  	[tilespmem:s20], [sflag:$0x1] =	stream.indirect_vreg.gather [hbm4b:s5+s2], $0x80, v4, vm0, $0xb8;
	[tilespmem:$0x10100] =	vst v63  }
0xc4: {  	s19 =	simm.s32 $0xD900  }
0xc5: {  	[tilespmem:s19], [sflag:$0x1] =	stream.indirect_vreg.gather [hbm4b:s6+s2], $0x80, v4, vm0, $0xb8;
	[tilespmem:$0x10100] =	vst v63  }
0xc6: {  	s20 =	simm.s32 $0xE100  }
0xc7: {  	[tilespmem:s20], [sflag:$0x1] =	stream.indirect_vreg.gather [hbm4b:s3+s2], $0x80, v3, vm0, $0xb8;
	[tilespmem:$0x10100] =	vst v63  }
0xc8: {  	s19 =	simm.s32 $0xE900  }
0xc9: {  	[tilespmem:s19], [sflag:$0x1] =	stream.indirect_vreg.gather [hbm4b:s4+s2], $0x80, v3, vm0, $0xb8;
	[tilespmem:$0x10100] =	vst v63  }
0xca: {  	s20 =	simm.s32 $0xF100  }
0xcb: {  	[tilespmem:s20], [sflag:$0x1] =	stream.indirect_vreg.gather [hbm4b:s5+s2], $0x80, v3, vm0, $0xb8;
	[tilespmem:$0x10100] =	vst v63  }
0xcc: {  	s19 =	simm.s32 $0xF900  }
0xcd: {  	[tilespmem:s19], [sflag:$0x1] =	stream.indirect_vreg.gather [hbm4b:s6+s2], $0x80, v3, vm0, $0xb8;
	[tilespmem:$0x10100] =	vst v63  }
0xce: {  	_ =	swait.ge [sflag:s18], $0x10000  }
0xcf: {  	p0 =	sne.s32 s7, $0x1;
	[sflag:s18] =	ssyncset.done $0x0  }
.Ltmp0:
0xd0: {  	s20 =	rddreg [dreg:$0x5];
	[sflag:s18] =	ssyncadd.s32 $0xFFFF0000;
	(pc) =	sbr.rel @p0 .LBB2_1-.Ltmp0, $4  }
0xd1: {  	[hbm4b:s20+s2] =	stream.linear.scatter [tilespmem:s0], [sflag:$0x2], $0x10000, $0x38;
	[tilespmem:$0x10100] =	vst v63  }
0xd2: {  	_ =	swait.ge [sflag:s8], $0x10000  }
0xd3: {  	[sflag:s8] =	ssyncset.done $0x0  }
0xd4: {  	s7 =	sadd.s32 $0xFFFFFFFF, s7;
	[sflag:s8] =	ssyncadd.s32 $0xFFFF0000  }
0xd5: {  	_ =	sfence.sel $0x180000  }
0xd6: {  	[bflag:$0x0] =	sbarrier.arrive $0xFFFF  }
0xd7: {  	_ =	strace $0x9000004A  }
0xd8: {  	s0 =	stileid.u32;
	[bflag:$0x2] =	sbarrier.arrive $0xFFFF  }
0xd9: {  	p0 =	sne.s32 s0, $0x0;
	s0 =	rddreg [dreg:$0x1]  }
0xda: {  	s0 =	sadd.s32 @!p0 $0x100000, s0  }
0xdb: {  	[sflag:s0] =	ssyncadd.tile.s32 @!p0 $0x1;
	_ =	shalt  }
.Lfunc_end2:
_tile_overlayer_lowered:
.L_overlay_start_2:
0xdc: {  	(tag) =	ssettag $0x2  }
0xdd: {  	s0 =	rddreg [dreg:$0x0];
	s2 =	stileid.u32  }
0xde: {  	s1 =	rddreg [dreg:$0x1];
	p0 =	sne.s32 s2, $0x0  }
0xdf: {  	s3 =	rddreg [dreg:$0x2];
	[bflag:$0x3] =	sbarrier.arrive $0xFFFF;
	s2 =	simm.s32 @!p0 $0x1C02  }
0xe0: {  	[timem:s3], [sflag:s2] =	dma.local @!p0 [hbm:s0], s1  }
0xe1: {  	s0 =	simm.s32 @!p0 $0x2  }
0xe2: {  	_ =	swait.ge @!p0 [sflag:s0], s1  }
0xe3: {  	s1 =	ssub.s32 @!p0 $0x0, s1;
	[sflag:s0] =	ssyncset.done @!p0 $0x0  }
0xe4: {  	[sflag:s0] =	ssyncadd.s32 @!p0 s1  }
0xe5: {  	[bflag:$0x3] =	sbarrier.arrive $0xFFFF  }
0xe6: {  	_ =	shalt  }

// kernel: kernel.21.cloned.1.call-start
scs
__scs_entry_jumppad:
0x0: {  	(pc) =	sbr.rel $0x88, $3  }
0x1: {  	(tag) =	ssettag $0x0;
	lr =	simm.s32 $0x1  }
0x2: {  	[smem:$0x3F8B] =	sst lr;
	_ =	strace $0xD0000000  }
0x3: {  	_ = 	snop  }
0x4: {  	_ = 	snop  }
0x5: {  	_ = 	snop  }
0x6: {  	_ = 	snop  }
0x7: {  	_ = 	snop  }
__scs_overlays_trampoline_lowered:
0x8: {  	[smem:$0x3F9A] =	sst s0  }
0x9: {  	[smem:$0x3F9B] =	sst s1  }
0xa: {  	[smem:$0x3F9C] =	sst s2  }
0xb: {  	[smem:$0x3F9D] =	sst s3  }
0xc: {  	[smem:$0x3F9E] =	sst s4  }
0xd: {  	[smem:$0x3F9F] =	sst s5  }
0xe: {  	[smem:$0x3FA0] =	sst s6  }
0xf: {  	[smem:$0x3FA1] =	sst s7  }
0x10: {  	[smem:$0x3FA2] =	sst s8  }
0x11: {  	[smem:$0x3FA3] =	sst s9;
	s0 =	simm.s32 @!p0 $0x0  }
0x12: {  	s1 =	sld [smem:$0x3F89];
	s0 =	simm.s32 @p0 $0x1  }
0x13: {  	[smem:$0x3FA4] =	sst s0;
	s0 =	simm.s32 @!p1 $0x0  }
0x14: {  	s2 =	sld [smem:$0x3F88];
	s0 =	simm.s32 @p1 $0x1  }
0x15: {  	[smem:$0x3FA5] =	sst s0;
	s0 =	simm.s32 @!p2 $0x0  }
0x16: {  	s3 =	sld [smem:$0x3FDB];
	s0 =	simm.s32 @p2 $0x1  }
0x17: {  	s4 =	simm.s32 $0x1BF5;
	[smem:$0x3FA7] =	sst s0  }
0x18: {  	s0 =	sld [smem:$0x3F8A];
	_ =	swait.ge [sflag:s4], $0x0  }
0x19: {  	s7 =	sld [smem:$0x3F8B]  }
0x1a: {  	s8 =	sadd.s32 $0xFFFFE003, lr  }
0x1b: {  	s9 =	sadd.s32 $0xFFFFFEF7, lr;
	s5 =	simm.s32 $0xFFFFFFFF;
	p2 =	slt.u32 s8, $0xFFFFF086  }
0x1c: {  	p1 =	slt.u32 s9, $0xF7A;
	s5 =	simm.s32 @!p2 $0x0  }
0x1d: {  	s5 =	simm.s32 @p1 $0x1;
	p0 =	seq.s32 s7, s2  }
0x1e: {  	s7 =	smul.u32 @!p0 $0xF7A, s2;
	p2 =	seq.s32 @!p0 s5, $0x0  }
0x1f: {  	s9 =	smul.u32 $0xF7A, s1;
	s8 =	simm.s32 @!p0 $0x1BF5;
	p2 =	por !p2, p0  }
0x20: {  	[sflag:s8] =	ssyncset.s32 @!p0 $0xFFFFF086;
	s6 =	sadd.s32 @!p0 s3, s7;
	s7 =	simm.s32 @!p0 $0x108  }
0x21: {  	s3 =	sadd.s32 s3, s9;
	s6 =	sadd.s32 @!p0 $0x88, s6;
	s7 =	simm.s32 @p2 $0x1082  }
0x22: {  	[simem:s7], [sflag:s8] =	dma.local @!p0 [hbm:s6], $0xF7A  }
0x23: {  	s9 =	sor.u32 $0xD0000000, s2;
	s6 =	simm.s32 $0x108;
	_ =	swait.ge @!p0 [sflag:s8], $0x0  }
0x24: {  	s3 =	sadd.s32 $0x88, s3;
	s6 =	simm.s32 @!p1 $0x1082;
	[sflag:s4] =	ssyncset.s32 $0xFFFFF086  }
0x25: {  	[simem:s6], [sflag:s4] =	dma.local [hbm:s3], $0xF7A  }
0x26: {  	[smem:$0x3F8B] =	sst s1;
	(tag) =	ssettag s2;
	_ =	strace s9  }
0x27: {  	s1 =	sld [smem:$0x3F9B]  }
0x28: {  	s2 =	sld [smem:$0x3F9C]  }
0x29: {  	s4 =	sld [smem:$0x3F9E]  }
0x2a: {  	p0 =	seq.s32 s5, $0x0;
	s5 =	sld [smem:$0x3F9F]  }
0x2b: {  	s6 =	sld [smem:$0x3FA0]  }
0x2c: {  	s7 =	sld [smem:$0x3FA1]  }
0x2d: {  	s3 =	simm.s32 $0x108;
	s8 =	sld [smem:$0x3FA2]  }
0x2e: {  	s3 =	simm.s32 @!p0 $0x1082;
	s9 =	sld [smem:$0x3FA3]  }
0x2f: {  	lr =	sadd.s32 s0, s3;
	s0 =	sld [smem:$0x3F9A]  }
0x30: {  	s3 =	sld [smem:$0x3F9D]  }
0x31: {  	[smem:$0x3FA6] =	sst s10  }
0x32: {  	s10 =	sld [smem:$0x3FA4];
	_ =	sdelay $0x3  }
0x33: {  	p0 =	seq.s32 s10, $0x1;
	s10 =	sld [smem:$0x3FA6];
	_ =	sdelay $0x3  }
0x34: {  	[smem:$0x3FA6] =	sst s10  }
0x35: {  	s10 =	sld [smem:$0x3FA5];
	_ =	sdelay $0x3  }
0x36: {  	p1 =	seq.s32 s10, $0x1;
	s10 =	sld [smem:$0x3FA6];
	_ =	sdelay $0x3  }
0x37: {  	[smem:$0x3FA6] =	sst s10  }
0x38: {  	s10 =	sld [smem:$0x3FA7]  }
0x39: {  	_ = 	snop;
	(pc) =	sbr.ind lr, $3  }
0x3a: {  	_ = 	snop  }
0x3b: {  	_ = 	snop  }
0x3c: {  	p2 =	seq.s32 s10, $0x1;
	s10 =	sld [smem:$0x3FA6]  }
0x3d: {  	_ =	shalt  }
0x3e: {  	_ =	shalt  }
0x3f: {  	_ =	shalt  }
0x40: {  	_ =	shalt  }
0x41: {  	_ =	shalt  }
0x42: {  	_ =	shalt  }
0x43: {  	_ =	shalt  }
0x44: {  	_ =	shalt  }
0x45: {  	_ =	shalt  }
0x46: {  	_ =	shalt  }
0x47: {  	_ =	shalt  }
0x48: {  	_ =	shalt  }
0x49: {  	_ =	shalt  }
0x4a: {  	_ =	shalt  }
0x4b: {  	_ =	shalt  }
0x4c: {  	_ =	shalt  }
0x4d: {  	_ =	shalt  }
0x4e: {  	_ =	shalt  }
0x4f: {  	_ =	shalt  }
0x50: {  	_ =	shalt  }
0x51: {  	_ =	shalt  }
0x52: {  	_ =	shalt  }
0x53: {  	_ =	shalt  }
0x54: {  	_ =	shalt  }
0x55: {  	_ =	shalt  }
0x56: {  	_ =	shalt  }
0x57: {  	_ =	shalt  }
0x58: {  	_ =	shalt  }
0x59: {  	_ =	shalt  }
0x5a: {  	_ =	shalt  }
0x5b: {  	_ =	shalt  }
0x5c: {  	_ =	shalt  }
0x5d: {  	_ =	shalt  }
0x5e: {  	_ =	shalt  }
0x5f: {  	_ =	shalt  }
0x60: {  	_ =	shalt  }
0x61: {  	_ =	shalt  }
0x62: {  	_ =	shalt  }
0x63: {  	_ =	shalt  }
0x64: {  	_ =	shalt  }
0x65: {  	_ =	shalt  }
0x66: {  	_ =	shalt  }
0x67: {  	_ =	shalt  }
0x68: {  	_ =	shalt  }
0x69: {  	_ =	shalt  }
0x6a: {  	_ =	shalt  }
0x6b: {  	_ =	shalt  }
0x6c: {  	_ =	shalt  }
0x6d: {  	_ =	shalt  }
0x6e: {  	_ =	shalt  }
0x6f: {  	_ =	shalt  }
0x70: {  	_ =	shalt  }
0x71: {  	_ =	shalt  }
0x72: {  	_ =	shalt  }
0x73: {  	_ =	shalt  }
0x74: {  	_ =	shalt  }
0x75: {  	_ =	shalt  }
0x76: {  	_ =	shalt  }
0x77: {  	_ =	shalt  }
0x78: {  	_ =	shalt  }
0x79: {  	_ =	shalt  }
0x7a: {  	_ =	shalt  }
0x7b: {  	_ =	shalt  }
0x7c: {  	_ =	shalt  }
0x7d: {  	_ =	shalt  }
0x7e: {  	_ =	shalt  }
0x7f: {  	_ =	shalt  }
0x80: {  	_ =	shalt  }
0x81: {  	_ =	shalt  }
0x82: {  	_ =	shalt  }
0x83: {  	_ =	shalt  }
0x84: {  	_ =	shalt  }
0x85: {  	_ =	shalt  }
0x86: {  	_ =	shalt  }
0x87: {  	_ =	shalt  }
.Lfunc_end0:
.L_simem_size_0:
called_computation.2_lowered:
.L_overlay_start_0:
0x88: {  	s2 =	sld [smem:$0x3FD9]  }
0x89: {  	s3 =	sld [smem:$0x3FFE];
	_ =	sdelay $0x1  }
0x8a: {  	s1 =	srdreg.scid  }
0x8b: {  	s0 =	sand.u32 $0x1, s1  }
0x8c: {  	s17 =	sshll.u32 s0, $0xA;
	s2 =	sadd.s32 s3, s2  }
0x8d: {  	s2 =	sadd.s32 s2, s17  }
0x8e: {  	[smem:$0x3FB2] =	sst s2  }
0x8f: {  	_ = 	snop  }
0x90: {  	s2 =	sld [smem:$0x3FD0];
	(tm) =	ssettm $0x1  }
0x91: {  	s18 =	sld [smem:$0x3FFB];
	_ =	sdelay $0x3  }
0x92: {  	_ =	strace s18  }
0x93: {  	s3 =	sld [smem:$0x3FFC];
	_ =	sdelay $0x3  }
0x94: {  	_ =	strace s3  }
0x95: {  	s3 =	sld [smem:$0x3FFD];
	_ =	sdelay $0x3  }
0x96: {  	_ =	strace s3  }
0x97: {  	_ =	strace $0x8FFFFFFF  }
0x98: {  	s19 =	sld [smem:$0x3FDB];
	_ =	sdelay $0x1  }
0x99: {  	s4 =	simm.s32 $_scs_section_size  }
0x9a: {  	s5 =	simm.s32 $_size__tile_overlayer_lowered;
	s6 =	simm.s32 $_tile_overlayer_lowered  }
0x9b: {  	s22 =	simm.s32 $0x1BFF;
	s21 =	sshll.u32 s6, $0x1;
	s3 =	sadd.s32 s4, s19  }
0x9c: {  	s7 =	simm.s32 $0x0;
	s20 =	sshll.u32 s5, $0x1;
	s5 =	sadd.s32 s21, s3  }
0x9d: {  	[timem:s7], [sflag:s22] =	dma.local [hbm:s5], s20  }
0x9e: {  	_ =	swait.ge [sflag:s22], s20  }
0x9f: {  	s4 =	ssub.s32 $0x0, s20;
	[sflag:s22] =	ssyncset.done $0x0  }
0xa0: {  	[sflag:s22] =	ssyncadd.s32 s4;
	_ =	sdelay $0x1  }
0xa1: {  	s23 =	simm.s32 $0x1B8B  }
0xa2: {  	_ =	swait.ge [sflag:s23], $0x1  }
0xa3: {  	[sflag:s23] =	ssyncset.done $0x0  }
0xa4: {  	s25 =	simm.s32 $0x1B8E;
	s24 =	sld [smem:$0x3FFE];
	[sflag:s23] =	ssyncadd.s32 $0xFFFFFFFF  }
0xa5: {  	s26 =	simm.s32 $execute0_lowered;
	[smem:$0x3FD2] =	sst s25  }
0xa6: {  	s5 =	sshll.u32 s26, $0x1;
	_ =	strace $0x8000004C;
	[dreg:$0x1] =	wrdreg $0xFFFFFFFF  }
0xa7: {  	s28 =	simm.s32 $_size_execute0_lowered;
	s3 =	sadd.s32 s3, s5;
	[dreg:$0x0] =	wrdreg $0x0  }
0xa8: {  	s5 =	sshll.u32 s28, $0x1;
	[dreg:$0x2] =	wrdreg s3  }
0xa9: {  	[dreg:$0x3] =	wrdreg s5  }
0xaa: {  	[dreg:$0x4] =	wrdreg $0xC0  }
0xab: {  	_ =	task [dreg:s7], $0x5FFFF  }
0xac: {  	[dreg:$0x1] =	wrdreg $0xFFFFFFFF  }
0xad: {  	[dreg:$0x0] =	wrdreg $0x60  }
0xae: {  	[dreg:$0x2] =	wrdreg s24  }
0xaf: {  	[dreg:$0x3] =	wrdreg s2  }
0xb0: {  	[dreg:$0x4] =	wrdreg $0x9  }
0xb1: {  	_ =	task.clear_ibuf [dreg:s7], $0x5FFFF;
	_ =	strace $0x9000004C  }
0xb2: {  	s29 =	simm.s32 $0x9;
	_ =	strace $0x8000004E  }
0xb3: {  	_ =	swait.ge [sflag:s29], $0x1  }
0xb4: {  	[sflag:s29] =	ssyncadd.s32 $0xFFFFFFFF  }
0xb5: {  	_ =	strace $0x9000004E  }
0xb6: {  	_ =	sfence  }
0xb7: {  	s30 =	sld [smem:$0x0];
	_ =	sdelay $0x2  }
0xb8: {  	s31 =	sshll.u32 s1, $0xD;
	s1 =	sshrl.u32 s1, $0x2  }
0xb9: {  	s3 =	sand.u32 $0x4000, s31;
	s1 =	sadd.s32 s1, s30  }
0xba: {  	s0 =	sor.u32 s3, s0;
	s1 =	sshll.u32 s1, $0x11  }
0xbb: {  	s0 =	sor.u32 s1, s0  }
0xbc: {  	s0 =	sadd.s32 $0x8F2B, s0  }
0xbd: {  	[sflag:s0] =	ssyncadd.remote.s32 $0x1  }
0xbe: {  	_ =	sfence.sel $0xFFFF  }
0xbf: {  	[dreg:$0x0] =	wrdreg $0xFFFFFFFF;
	(pc) =	sbr.abs _section_cstart, $3  }
0xc0: {  	[dreg:$0x1] =	wrdreg $0xFFFFFFFF  }
0xc1: {  	_ =	task.clear_ibuf [dreg:s7], $0x2FFFF;
	_ =	strace $0x9FFFFFFF  }
0xc2: {  	(tm) =	ssettm $0x7FFFFFFF  }
0xc3: {  	_ =	shalt  }
tec
execute0_lowered:
.L_overlay_start_1:
0x0: {  	(tag) =	ssettag $0x1  }
0x1: {  	s0 =	srdreg.scid  }
0x2: {  	s1 =	rddreg [dreg:$0x0];
	s2 =	stileid.u32;
	s3 =	simm.s32 $0x0  }
0x3: {  	s9 =	simm.s32 $0x2;
	s22 =	simm.s32 $0x1;
	s29 =	simm.s32 $0x1100  }
0x4: {  	s30 =	simm.s32 $0x1900;
	s31 =	simm.s32 $0x2100;
	s10 =	simm.s32 $0x4100  }
0x5: {  	s11 =	simm.s32 $0x4900;
	s12 =	simm.s32 $0x5100;
	s14 =	simm.s32 $0x5900  }
0x6: {  	s15 =	simm.s32 $0x6100;
	s16 =	simm.s32 $0x6900;
	s17 =	simm.s32 $0x7100  }
0x7: {  	s18 =	simm.s32 $0x7900;
	s19 =	simm.s32 $0x8100;
	s20 =	simm.s32 $0x8900  }
0x8: {  	s21 =	simm.s32 $0x9100;
	s23 =	simm.s32 $0x9900;
	s13 =	simm.s32 $0xA100  }
0x9: {  	s28 =	simm.s32 $0xB100;
	s0 =	sand.u32 $0x1, s0;
	s2 =	sshll.u32 s2, $0x7  }
0xa: {  	[smem:$0x7FF] =	sst s3;
	s7 =	sadd.s32 $0x53700, s1;
	s4 =	sshll.u32 s0, $0x6  }
0xb: {  	_ =	strace $0x8000004D;
	s0 =	ssub.s32 $0x2, s0;
	s2 =	sor.u32 s4, s2  }
0xc: {  	s25 =	sshrl.u32 s0, $0x1;
	s4 =	sshrl.u32 s2, $0x3;
	s5 =	sshll.u32 s2, $0x7  }
0xd: {  	s2 =	sshll.u32 s2, $0x4;
	s0 =	ssub.s32 s0, s25;
	s4 =	sadd.s32 s4, s1  }
0xe: {  	s25 =	simm.s32 $0x3100;
	s2 =	sadd.s32 s2, s1;
	s6 =	sadd.s32 $0x53000, s4  }
0xf: {  	s5 =	sadd.s32 s5, s1;
	s4 =	sadd.s32 $0x53200, s4;
	[dreg:$0x3] =	wrdreg s6  }
0x10: {  	s8 =	smax.u32 s0, $0x1;
	s24 =	sadd.s32 $0x43000, s2;
	[dreg:$0x4] =	wrdreg s4  }
0x11: {  	v2 =	vlaneseq.u32;
	s2 =	sadd.s32 $0x4B000, s2;
	s26 =	sadd.s32 $0x3000, s5;
	[dreg:$0x5] =	wrdreg s24  }
0x12: {  	vm0 =	vmmov $0xffff;
	v1 =	vshrl.u32 v2, $0x3;
	s5 =	sadd.s32 $0x53500, s1;
	[dreg:$0x6] =	wrdreg s2;
	s4 =	sadd.s32 $0x53400, s1  }
0x13: {  	v0 =	vand.u32 $0x7, v2;
	v2 =	vor.u32 $0x8, v2;
	v1 =	vmul.u32 $0x8, v1;
	[dreg:$0x7] =	wrdreg s26;
	s6 =	sadd.s32 $0x53600, s1;
	s26 =	simm.s32 $0xA900  }
.LBB2_1:
0x14: {  	s24 =	rddreg [dreg:$0x3]  }
0x15: {  	[tilespmem:s3], [sflag:$0x2] =	stream.linear.gather [hbm4b:s24+s3], $0x40, $0x38;
	[tilespmem:$0x14100] =	vst v63  }
0x16: {  	_ =	swait.ge [sflag:s9], $0x40  }
0x17: {  	[sflag:s9] =	ssyncset.done $0x0  }
0x18: {  	s0 =	simm.s32 $0x80;
	s2 =	rddreg [dreg:$0x4];
	[sflag:s9] =	ssyncadd.s32 $0xFFFFFFC0  }
0x19: {  	[tilespmem:s0], [sflag:$0x2] =	stream.linear.gather [hbm4b:s2+s3], $0x40, $0x38;
	[tilespmem:$0x14100] =	vst v63  }
0x1a: {  	_ =	swait.ge [sflag:s9], $0x40  }
0x1b: {  	[sflag:s9] =	ssyncset.done $0x0  }
0x1c: {  	s2 =	simm.s32 $0x10100;
	s1 =	rddreg [dreg:$0x5];
	[sflag:s9] =	ssyncadd.s32 $0xFFFFFFC0  }
0x1d: {  	[tilespmem:s2], [sflag:$0x2] =	stream.linear.gather [hbm4b:s1+s3], $0x2000, $0x38;
	[tilespmem:$0x14100] =	vst v63  }
0x1e: {  	_ =	swait.ge [sflag:s9], $0x2000  }
0x1f: {  	[sflag:s9] =	ssyncset.done $0x0  }
0x20: {  	s1 =	simm.s32 $0x12100;
	s0 =	rddreg [dreg:$0x6];
	[sflag:s9] =	ssyncadd.s32 $0xFFFFE000  }
0x21: {  	[tilespmem:s1], [sflag:$0x2] =	stream.linear.gather [hbm4b:s0+s3], $0x2000, $0x38;
	[tilespmem:$0x14100] =	vst v63  }
0x22: {  	_ =	swait.ge [sflag:s9], $0x2000  }
0x23: {  	[sflag:s9] =	ssyncset.done $0x0  }
0x24: {  	s0 =	simm.s32 $0x100;
	s2 =	rddreg [dreg:$0x7];
	[sflag:s9] =	ssyncadd.s32 $0xFFFFE000  }
0x25: {  	[tilespmem:s0], [sflag:$0x2] =	stream.linear.gather [hbm4b:s2+s3], $0x10000, $0x38;
	[tilespmem:$0x14100] =	vst v63  }
0x26: {  	_ =	swait.ge [sflag:s9], $0x10000  }
0x27: {  	[sflag:s9] =	ssyncset.done $0x0  }
0x28: {  	[sflag:s9] =	ssyncadd.s32 $0xFFFF0000  }
0x29: {  	v3 =	vld [tilespmem:$0x0];
	_ =	sdelay $0x4  }
0x2a: {  	v4 =	vshll.u32 v3, $0x3  }
0x2b: {  	v3 =	vand.u32 $0x7, v3;
	v4 =	vand.u32 $0xFFFFFFC0, v4  }
0x2c: {  	v3 =	vor.u32 v3, v4  }
0x2d: {  	v4 =	vperm.xlane v3, v0;
	_ =	sdelay $0x1  }
0x2e: {  	v4 =	vadd.s32 v1, v4;
	_ =	sdelay $0x4  }
0x2f: {  	[hbm4b:s4+s3] =	stream.indirect_vreg.scatter [tilespmem:s0], [sflag:$0x1], $0x80, v4, vm0, $0xb8;
	[tilespmem:$0x14100] =	vst v63  }
0x30: {  	s24 =	simm.s32 $0x900;
	v3 =	vperm.xlane v3, v2  }
0x31: {  	[hbm4b:s5+s3] =	stream.indirect_vreg.scatter [tilespmem:s24], [sflag:$0x1], $0x80, v4, vm0, $0xb8;
	[tilespmem:$0x14100] =	vst v63  }
0x32: {  	v3 =	vadd.s32 v1, v3  }
0x33: {  	[hbm4b:s6+s3] =	stream.indirect_vreg.scatter [tilespmem:s29], [sflag:$0x1], $0x80, v4, vm0, $0xb8;
	[tilespmem:$0x14100] =	vst v63  }
0x34: {  	_ = 	snop  }
0x35: {  	[hbm4b:s7+s3] =	stream.indirect_vreg.scatter [tilespmem:s30], [sflag:$0x1], $0x80, v4, vm0, $0xb8;
	[tilespmem:$0x14100] =	vst v63  }
0x36: {  	_ = 	snop  }
0x37: {  	[hbm4b:s4+s3] =	stream.indirect_vreg.scatter [tilespmem:s31], [sflag:$0x1], $0x80, v3, vm0, $0xb8;
	[tilespmem:$0x14100] =	vst v63  }
0x38: {  	s1 =	simm.s32 $0x2900  }
0x39: {  	[hbm4b:s5+s3] =	stream.indirect_vreg.scatter [tilespmem:s1], [sflag:$0x1], $0x80, v3, vm0, $0xb8;
	[tilespmem:$0x14100] =	vst v63  }
0x3a: {  	_ = 	snop  }
0x3b: {  	[hbm4b:s6+s3] =	stream.indirect_vreg.scatter [tilespmem:s25], [sflag:$0x1], $0x80, v3, vm0, $0xb8;
	[tilespmem:$0x14100] =	vst v63  }
0x3c: {  	s2 =	simm.s32 $0x3900  }
0x3d: {  	[hbm4b:s7+s3] =	stream.indirect_vreg.scatter [tilespmem:s2], [sflag:$0x1], $0x80, v3, vm0, $0xb8;
	[tilespmem:$0x14100] =	vst v63  }
0x3e: {  	v3 =	vld [tilespmem:$0x10];
	_ =	sdelay $0x4  }
0x3f: {  	v57 =	vshll.u32 v3, $0x3  }
0x40: {  	v3 =	vand.u32 $0x7, v3;
	v4 =	vand.u32 $0xFFFFFFC0, v57  }
0x41: {  	v3 =	vor.u32 v3, v4  }
0x42: {  	v4 =	vperm.xlane v3, v0;
	_ =	sdelay $0x1  }
0x43: {  	v4 =	vadd.s32 v1, v4;
	_ =	sdelay $0x4  }
0x44: {  	[hbm4b:s4+s3] =	stream.indirect_vreg.scatter [tilespmem:s10], [sflag:$0x1], $0x80, v4, vm0, $0xb8;
	[tilespmem:$0x14100] =	vst v63  }
0x45: {  	v3 =	vperm.xlane v3, v2  }
0x46: {  	[hbm4b:s5+s3] =	stream.indirect_vreg.scatter [tilespmem:s11], [sflag:$0x1], $0x80, v4, vm0, $0xb8;
	[tilespmem:$0x14100] =	vst v63  }
0x47: {  	v3 =	vadd.s32 v1, v3  }
0x48: {  	[hbm4b:s6+s3] =	stream.indirect_vreg.scatter [tilespmem:s12], [sflag:$0x1], $0x80, v4, vm0, $0xb8;
	[tilespmem:$0x14100] =	vst v63  }
0x49: {  	_ = 	snop  }
0x4a: {  	[hbm4b:s7+s3] =	stream.indirect_vreg.scatter [tilespmem:s14], [sflag:$0x1], $0x80, v4, vm0, $0xb8;
	[tilespmem:$0x14100] =	vst v63  }
0x4b: {  	_ = 	snop  }
0x4c: {  	[hbm4b:s4+s3] =	stream.indirect_vreg.scatter [tilespmem:s15], [sflag:$0x1], $0x80, v3, vm0, $0xb8;
	[tilespmem:$0x14100] =	vst v63  }
0x4d: {  	_ = 	snop  }
0x4e: {  	[hbm4b:s5+s3] =	stream.indirect_vreg.scatter [tilespmem:s16], [sflag:$0x1], $0x80, v3, vm0, $0xb8;
	[tilespmem:$0x14100] =	vst v63  }
0x4f: {  	_ = 	snop  }
0x50: {  	[hbm4b:s6+s3] =	stream.indirect_vreg.scatter [tilespmem:s17], [sflag:$0x1], $0x80, v3, vm0, $0xb8;
	[tilespmem:$0x14100] =	vst v63  }
0x51: {  	_ = 	snop  }
0x52: {  	[hbm4b:s7+s3] =	stream.indirect_vreg.scatter [tilespmem:s18], [sflag:$0x1], $0x80, v3, vm0, $0xb8;
	[tilespmem:$0x14100] =	vst v63  }
0x53: {  	v3 =	vld [tilespmem:$0x20];
	_ =	sdelay $0x4  }
0x54: {  	v58 =	vshll.u32 v3, $0x3  }
0x55: {  	v3 =	vand.u32 $0x7, v3;
	v4 =	vand.u32 $0xFFFFFFC0, v58  }
0x56: {  	v3 =	vor.u32 v3, v4  }
0x57: {  	v4 =	vperm.xlane v3, v0;
	_ =	sdelay $0x1  }
0x58: {  	v4 =	vadd.s32 v1, v4;
	_ =	sdelay $0x4  }
0x59: {  	[hbm4b:s4+s3] =	stream.indirect_vreg.scatter [tilespmem:s19], [sflag:$0x1], $0x80, v4, vm0, $0xb8;
	[tilespmem:$0x14100] =	vst v63  }
0x5a: {  	v3 =	vperm.xlane v3, v2  }
0x5b: {  	[hbm4b:s5+s3] =	stream.indirect_vreg.scatter [tilespmem:s20], [sflag:$0x1], $0x80, v4, vm0, $0xb8;
	[tilespmem:$0x14100] =	vst v63  }
0x5c: {  	v3 =	vadd.s32 v1, v3  }
0x5d: {  	[hbm4b:s6+s3] =	stream.indirect_vreg.scatter [tilespmem:s21], [sflag:$0x1], $0x80, v4, vm0, $0xb8;
	[tilespmem:$0x14100] =	vst v63  }
0x5e: {  	_ = 	snop  }
0x5f: {  	[hbm4b:s7+s3] =	stream.indirect_vreg.scatter [tilespmem:s23], [sflag:$0x1], $0x80, v4, vm0, $0xb8;
	[tilespmem:$0x14100] =	vst v63  }
0x60: {  	_ = 	snop  }
0x61: {  	[hbm4b:s4+s3] =	stream.indirect_vreg.scatter [tilespmem:s13], [sflag:$0x1], $0x80, v3, vm0, $0xb8;
	[tilespmem:$0x14100] =	vst v63  }
0x62: {  	_ = 	snop  }
0x63: {  	[hbm4b:s5+s3] =	stream.indirect_vreg.scatter [tilespmem:s26], [sflag:$0x1], $0x80, v3, vm0, $0xb8;
	[tilespmem:$0x14100] =	vst v63  }
0x64: {  	_ = 	snop  }
0x65: {  	[hbm4b:s6+s3] =	stream.indirect_vreg.scatter [tilespmem:s28], [sflag:$0x1], $0x80, v3, vm0, $0xb8;
	[tilespmem:$0x14100] =	vst v63  }
0x66: {  	s1 =	simm.s32 $0xB900  }
0x67: {  	[hbm4b:s7+s3] =	stream.indirect_vreg.scatter [tilespmem:s1], [sflag:$0x1], $0x80, v3, vm0, $0xb8;
	[tilespmem:$0x14100] =	vst v63  }
0x68: {  	v3 =	vld [tilespmem:$0x30];
	_ =	sdelay $0x4  }
0x69: {  	v59 =	vshll.u32 v3, $0x3  }
0x6a: {  	v3 =	vand.u32 $0x7, v3;
	v4 =	vand.u32 $0xFFFFFFC0, v59  }
0x6b: {  	v3 =	vor.u32 v3, v4  }
0x6c: {  	v4 =	vperm.xlane v3, v0;
	_ =	sdelay $0x1  }
0x6d: {  	v4 =	vadd.s32 v1, v4;
	_ =	sdelay $0x3  }
0x6e: {  	s1 =	simm.s32 $0xC100  }
0x6f: {  	[hbm4b:s4+s3] =	stream.indirect_vreg.scatter [tilespmem:s1], [sflag:$0x1], $0x80, v4, vm0, $0xb8;
	[tilespmem:$0x14100] =	vst v63  }
0x70: {  	v3 =	vperm.xlane v3, v2;
	s1 =	simm.s32 $0xC900  }
0x71: {  	[hbm4b:s5+s3] =	stream.indirect_vreg.scatter [tilespmem:s1], [sflag:$0x1], $0x80, v4, vm0, $0xb8;
	[tilespmem:$0x14100] =	vst v63  }
0x72: {  	v3 =	vadd.s32 v1, v3;
	s1 =	simm.s32 $0xD100  }
0x73: {  	[hbm4b:s6+s3] =	stream.indirect_vreg.scatter [tilespmem:s1], [sflag:$0x1], $0x80, v4, vm0, $0xb8;
	[tilespmem:$0x14100] =	vst v63  }
0x74: {  	s1 =	simm.s32 $0xD900  }
0x75: {  	[hbm4b:s7+s3] =	stream.indirect_vreg.scatter [tilespmem:s1], [sflag:$0x1], $0x80, v4, vm0, $0xb8;
	[tilespmem:$0x14100] =	vst v63  }
0x76: {  	s1 =	simm.s32 $0xE100  }
0x77: {  	[hbm4b:s4+s3] =	stream.indirect_vreg.scatter [tilespmem:s1], [sflag:$0x1], $0x80, v3, vm0, $0xb8;
	[tilespmem:$0x14100] =	vst v63  }
0x78: {  	s1 =	simm.s32 $0xE900  }
0x79: {  	[hbm4b:s5+s3] =	stream.indirect_vreg.scatter [tilespmem:s1], [sflag:$0x1], $0x80, v3, vm0, $0xb8;
	[tilespmem:$0x14100] =	vst v63  }
0x7a: {  	s1 =	simm.s32 $0xF100  }
0x7b: {  	[hbm4b:s6+s3] =	stream.indirect_vreg.scatter [tilespmem:s1], [sflag:$0x1], $0x80, v3, vm0, $0xb8;
	[tilespmem:$0x14100] =	vst v63  }
0x7c: {  	s1 =	simm.s32 $0xF900  }
0x7d: {  	[hbm4b:s7+s3] =	stream.indirect_vreg.scatter [tilespmem:s1], [sflag:$0x1], $0x80, v3, vm0, $0xb8;
	[tilespmem:$0x14100] =	vst v63  }
0x7e: {  	_ =	swait.ge [sflag:s22], $0x10000  }
0x7f: {  	[sflag:s22] =	ssyncset.done $0x0  }
0x80: {  	[sflag:s22] =	ssyncadd.s32 $0xFFFF0000  }
0x81: {  	v3 =	vld [tilespmem:$0x80];
	_ =	sdelay $0x4  }
0x82: {  	v60 =	vshll.u32 v3, $0x3  }
0x83: {  	v3 =	vand.u32 $0x7, v3;
	v4 =	vand.u32 $0xFFFFFFC0, v60  }
0x84: {  	v3 =	vor.u32 v3, v4  }
0x85: {  	v4 =	vperm.xlane v3, v0;
	_ =	sdelay $0x1  }
0x86: {  	v4 =	vadd.s32 v1, v4;
	_ =	sdelay $0x4  }
0x87: {  	[hbm4b:s4+s3] =	stream.indirect_vreg.scatter [tilespmem:s0], [sflag:$0x1], $0x80, v4, vm0, $0xb8;
	[tilespmem:$0x14100] =	vst v63  }
0x88: {  	v3 =	vperm.xlane v3, v2  }
0x89: {  	[hbm4b:s5+s3] =	stream.indirect_vreg.scatter [tilespmem:s24], [sflag:$0x1], $0x80, v4, vm0, $0xb8;
	[tilespmem:$0x14100] =	vst v63  }
0x8a: {  	v3 =	vadd.s32 v1, v3  }
0x8b: {  	[hbm4b:s6+s3] =	stream.indirect_vreg.scatter [tilespmem:s29], [sflag:$0x1], $0x80, v4, vm0, $0xb8;
	[tilespmem:$0x14100] =	vst v63  }
0x8c: {  	_ = 	snop  }
0x8d: {  	[hbm4b:s7+s3] =	stream.indirect_vreg.scatter [tilespmem:s30], [sflag:$0x1], $0x80, v4, vm0, $0xb8;
	[tilespmem:$0x14100] =	vst v63  }
0x8e: {  	_ = 	snop  }
0x8f: {  	[hbm4b:s4+s3] =	stream.indirect_vreg.scatter [tilespmem:s31], [sflag:$0x1], $0x80, v3, vm0, $0xb8;
	[tilespmem:$0x14100] =	vst v63  }
0x90: {  	s24 =	simm.s32 $0x2900  }
0x91: {  	[hbm4b:s5+s3] =	stream.indirect_vreg.scatter [tilespmem:s24], [sflag:$0x1], $0x80, v3, vm0, $0xb8;
	[tilespmem:$0x14100] =	vst v63  }
0x92: {  	_ = 	snop  }
0x93: {  	[hbm4b:s6+s3] =	stream.indirect_vreg.scatter [tilespmem:s25], [sflag:$0x1], $0x80, v3, vm0, $0xb8;
	[tilespmem:$0x14100] =	vst v63  }
0x94: {  	_ = 	snop  }
0x95: {  	[hbm4b:s7+s3] =	stream.indirect_vreg.scatter [tilespmem:s2], [sflag:$0x1], $0x80, v3, vm0, $0xb8;
	[tilespmem:$0x14100] =	vst v63  }
0x96: {  	v3 =	vld [tilespmem:$0x90];
	_ =	sdelay $0x4  }
0x97: {  	v61 =	vshll.u32 v3, $0x3  }
0x98: {  	v3 =	vand.u32 $0x7, v3;
	v4 =	vand.u32 $0xFFFFFFC0, v61  }
0x99: {  	v3 =	vor.u32 v3, v4  }
0x9a: {  	v4 =	vperm.xlane v3, v0;
	_ =	sdelay $0x1  }
0x9b: {  	v4 =	vadd.s32 v1, v4;
	_ =	sdelay $0x4  }
0x9c: {  	[hbm4b:s4+s3] =	stream.indirect_vreg.scatter [tilespmem:s10], [sflag:$0x1], $0x80, v4, vm0, $0xb8;
	[tilespmem:$0x14100] =	vst v63  }
0x9d: {  	v3 =	vperm.xlane v3, v2  }
0x9e: {  	[hbm4b:s5+s3] =	stream.indirect_vreg.scatter [tilespmem:s11], [sflag:$0x1], $0x80, v4, vm0, $0xb8;
	[tilespmem:$0x14100] =	vst v63  }
0x9f: {  	v3 =	vadd.s32 v1, v3  }
0xa0: {  	[hbm4b:s6+s3] =	stream.indirect_vreg.scatter [tilespmem:s12], [sflag:$0x1], $0x80, v4, vm0, $0xb8;
	[tilespmem:$0x14100] =	vst v63  }
0xa1: {  	_ = 	snop  }
0xa2: {  	[hbm4b:s7+s3] =	stream.indirect_vreg.scatter [tilespmem:s14], [sflag:$0x1], $0x80, v4, vm0, $0xb8;
	[tilespmem:$0x14100] =	vst v63  }
0xa3: {  	_ = 	snop  }
0xa4: {  	[hbm4b:s4+s3] =	stream.indirect_vreg.scatter [tilespmem:s15], [sflag:$0x1], $0x80, v3, vm0, $0xb8;
	[tilespmem:$0x14100] =	vst v63  }
0xa5: {  	_ = 	snop  }
0xa6: {  	[hbm4b:s5+s3] =	stream.indirect_vreg.scatter [tilespmem:s16], [sflag:$0x1], $0x80, v3, vm0, $0xb8;
	[tilespmem:$0x14100] =	vst v63  }
0xa7: {  	_ = 	snop  }
0xa8: {  	[hbm4b:s6+s3] =	stream.indirect_vreg.scatter [tilespmem:s17], [sflag:$0x1], $0x80, v3, vm0, $0xb8;
	[tilespmem:$0x14100] =	vst v63  }
0xa9: {  	_ = 	snop  }
0xaa: {  	[hbm4b:s7+s3] =	stream.indirect_vreg.scatter [tilespmem:s18], [sflag:$0x1], $0x80, v3, vm0, $0xb8;
	[tilespmem:$0x14100] =	vst v63  }
0xab: {  	v3 =	vld [tilespmem:$0xA0];
	_ =	sdelay $0x4  }
0xac: {  	v62 =	vshll.u32 v3, $0x3  }
0xad: {  	v3 =	vand.u32 $0x7, v3;
	v4 =	vand.u32 $0xFFFFFFC0, v62  }
0xae: {  	v3 =	vor.u32 v3, v4  }
0xaf: {  	v4 =	vperm.xlane v3, v0;
	_ =	sdelay $0x1  }
0xb0: {  	v4 =	vadd.s32 v1, v4;
	_ =	sdelay $0x4  }
0xb1: {  	[hbm4b:s4+s3] =	stream.indirect_vreg.scatter [tilespmem:s19], [sflag:$0x1], $0x80, v4, vm0, $0xb8;
	[tilespmem:$0x14100] =	vst v63  }
0xb2: {  	v3 =	vperm.xlane v3, v2  }
0xb3: {  	[hbm4b:s5+s3] =	stream.indirect_vreg.scatter [tilespmem:s20], [sflag:$0x1], $0x80, v4, vm0, $0xb8;
	[tilespmem:$0x14100] =	vst v63  }
0xb4: {  	v3 =	vadd.s32 v1, v3  }
0xb5: {  	[hbm4b:s6+s3] =	stream.indirect_vreg.scatter [tilespmem:s21], [sflag:$0x1], $0x80, v4, vm0, $0xb8;
	[tilespmem:$0x14100] =	vst v63  }
0xb6: {  	_ = 	snop  }
0xb7: {  	[hbm4b:s7+s3] =	stream.indirect_vreg.scatter [tilespmem:s23], [sflag:$0x1], $0x80, v4, vm0, $0xb8;
	[tilespmem:$0x14100] =	vst v63  }
0xb8: {  	_ = 	snop  }
0xb9: {  	[hbm4b:s4+s3] =	stream.indirect_vreg.scatter [tilespmem:s13], [sflag:$0x1], $0x80, v3, vm0, $0xb8;
	[tilespmem:$0x14100] =	vst v63  }
0xba: {  	_ = 	snop  }
0xbb: {  	[hbm4b:s5+s3] =	stream.indirect_vreg.scatter [tilespmem:s26], [sflag:$0x1], $0x80, v3, vm0, $0xb8;
	[tilespmem:$0x14100] =	vst v63  }
0xbc: {  	_ = 	snop  }
0xbd: {  	[hbm4b:s6+s3] =	stream.indirect_vreg.scatter [tilespmem:s28], [sflag:$0x1], $0x80, v3, vm0, $0xb8;
	[tilespmem:$0x14100] =	vst v63  }
0xbe: {  	s2 =	simm.s32 $0xB900  }
0xbf: {  	[hbm4b:s7+s3] =	stream.indirect_vreg.scatter [tilespmem:s2], [sflag:$0x1], $0x80, v3, vm0, $0xb8;
	[tilespmem:$0x14100] =	vst v63  }
0xc0: {  	v3 =	vld [tilespmem:$0xB0];
	_ =	sdelay $0x4  }
0xc1: {  	v63 =	vshll.u32 v3, $0x3  }
0xc2: {  	v3 =	vand.u32 $0x7, v3;
	v4 =	vand.u32 $0xFFFFFFC0, v63  }
0xc3: {  	v3 =	vor.u32 v3, v4  }
0xc4: {  	v4 =	vperm.xlane v3, v0;
	_ =	sdelay $0x1  }
0xc5: {  	v4 =	vadd.s32 v1, v4;
	_ =	sdelay $0x3  }
0xc6: {  	s24 =	simm.s32 $0xC100  }
0xc7: {  	[hbm4b:s4+s3] =	stream.indirect_vreg.scatter [tilespmem:s24], [sflag:$0x1], $0x80, v4, vm0, $0xb8;
	[tilespmem:$0x14100] =	vst v63  }
0xc8: {  	s2 =	simm.s32 $0xC900;
	v3 =	vperm.xlane v3, v2  }
0xc9: {  	[hbm4b:s5+s3] =	stream.indirect_vreg.scatter [tilespmem:s2], [sflag:$0x1], $0x80, v4, vm0, $0xb8;
	[tilespmem:$0x14100] =	vst v63  }
0xca: {  	v3 =	vadd.s32 v1, v3;
	s24 =	simm.s32 $0xD100  }
0xcb: {  	[hbm4b:s6+s3] =	stream.indirect_vreg.scatter [tilespmem:s24], [sflag:$0x1], $0x80, v4, vm0, $0xb8;
	[tilespmem:$0x14100] =	vst v63  }
0xcc: {  	s2 =	simm.s32 $0xD900  }
0xcd: {  	[hbm4b:s7+s3] =	stream.indirect_vreg.scatter [tilespmem:s2], [sflag:$0x1], $0x80, v4, vm0, $0xb8;
	[tilespmem:$0x14100] =	vst v63  }
0xce: {  	s24 =	simm.s32 $0xE100  }
0xcf: {  	[hbm4b:s4+s3] =	stream.indirect_vreg.scatter [tilespmem:s24], [sflag:$0x1], $0x80, v3, vm0, $0xb8;
	[tilespmem:$0x14100] =	vst v63  }
0xd0: {  	s2 =	simm.s32 $0xE900  }
0xd1: {  	[hbm4b:s5+s3] =	stream.indirect_vreg.scatter [tilespmem:s2], [sflag:$0x1], $0x80, v3, vm0, $0xb8;
	[tilespmem:$0x14100] =	vst v63  }
0xd2: {  	s24 =	simm.s32 $0xF100  }
0xd3: {  	[hbm4b:s6+s3] =	stream.indirect_vreg.scatter [tilespmem:s24], [sflag:$0x1], $0x80, v3, vm0, $0xb8;
	[tilespmem:$0x14100] =	vst v63  }
0xd4: {  	s1 =	simm.s32 $0xF900  }
0xd5: {  	[hbm4b:s7+s3] =	stream.indirect_vreg.scatter [tilespmem:s1], [sflag:$0x1], $0x80, v3, vm0, $0xb8;
	[tilespmem:$0x14100] =	vst v63  }
0xd6: {  	_ =	swait.ge [sflag:s22], $0x10000  }
0xd7: {  	[sflag:s22] =	ssyncset.done $0x0  }
0xd8: {  	[sflag:s22] =	ssyncadd.s32 $0xFFFF0000  }
0xd9: {  	s0 =	simm.s32 $0x40;
	s2 =	simm.s32 $0x10100;
	s24 =	rddreg [dreg:$0x1]  }
0xda: {  	[hbm4b:s24+s0] =	stream.indirect.scatter [tilespmem:s2], [sflag:$0x1], $0x80, s3, s0, $0xb8;
	[tilespmem:$0x14100] =	vst v63  }
0xdb: {  	_ =	swait.ge [sflag:s22], $0x2000  }
0xdc: {  	p0 =	sne.s32 s8, $0x1;
	s1 =	simm.s32 $0x80;
	[sflag:s22] =	ssyncset.done $0x0  }
.Ltmp0:
0xdd: {  	s2 =	simm.s32 $0x12100;
	[sflag:s22] =	ssyncadd.s32 $0xFFFFE000;
	(pc) =	sbr.rel @p0 .LBB2_1-.Ltmp0, $4  }
0xde: {  	[hbm4b:s24+s0] =	stream.indirect.scatter [tilespmem:s2], [sflag:$0x1], $0x80, s1, s0, $0xb8;
	[tilespmem:$0x14100] =	vst v63  }
0xdf: {  	_ =	swait.ge [sflag:s22], $0x2000  }
0xe0: {  	[sflag:s22] =	ssyncset.done $0x0  }
0xe1: {  	s8 =	sadd.s32 $0xFFFFFFFF, s8;
	[sflag:s22] =	ssyncadd.s32 $0xFFFFE000  }
0xe2: {  	_ =	sfence.sel $0x180000  }
0xe3: {  	[bflag:$0x0] =	sbarrier.arrive $0xFFFF  }
0xe4: {  	_ =	strace $0x9000004D  }
0xe5: {  	s0 =	stileid.u32;
	[bflag:$0x2] =	sbarrier.arrive $0xFFFF  }
0xe6: {  	p0 =	sne.s32 s0, $0x0;
	s0 =	rddreg [dreg:$0x2]  }
0xe7: {  	s0 =	sadd.s32 @!p0 $0x100000, s0  }
0xe8: {  	[sflag:s0] =	ssyncadd.tile.s32 @!p0 $0x1;
	_ =	shalt  }
.Lfunc_end2:
_tile_overlayer_lowered:
.L_overlay_start_2:
0xe9: {  	(tag) =	ssettag $0x2  }
0xea: {  	s0 =	rddreg [dreg:$0x0];
	s2 =	stileid.u32  }
0xeb: {  	s1 =	rddreg [dreg:$0x1];
	p0 =	sne.s32 s2, $0x0  }
0xec: {  	s3 =	rddreg [dreg:$0x2];
	[bflag:$0x3] =	sbarrier.arrive $0xFFFF;
	s2 =	simm.s32 @!p0 $0x1C02  }
0xed: {  	[timem:s3], [sflag:s2] =	dma.local @!p0 [hbm:s0], s1  }
0xee: {  	s0 =	simm.s32 @!p0 $0x2  }
0xef: {  	_ =	swait.ge @!p0 [sflag:s0], s1  }
0xf0: {  	s1 =	ssub.s32 @!p0 $0x0, s1;
	[sflag:s0] =	ssyncset.done @!p0 $0x0  }
0xf1: {  	[sflag:s0] =	ssyncadd.s32 @!p0 s1  }
0xf2: {  	[bflag:$0x3] =	sbarrier.arrive $0xFFFF  }
0xf3: {  	_ =	shalt  }

// kernel: kernel.24.cloned.1.call-start
scs
__scs_entry_jumppad:
0x0: {  	(pc) =	sbr.rel $0x88, $3  }
0x1: {  	(tag) =	ssettag $0x0;
	lr =	simm.s32 $0x1  }
0x2: {  	[smem:$0x3F8B] =	sst lr;
	_ =	strace $0xD0000000  }
0x3: {  	_ = 	snop  }
0x4: {  	_ = 	snop  }
0x5: {  	_ = 	snop  }
0x6: {  	_ = 	snop  }
0x7: {  	_ = 	snop  }
__scs_overlays_trampoline_lowered:
0x8: {  	[smem:$0x3F9A] =	sst s0  }
0x9: {  	[smem:$0x3F9B] =	sst s1  }
0xa: {  	[smem:$0x3F9C] =	sst s2  }
0xb: {  	[smem:$0x3F9D] =	sst s3  }
0xc: {  	[smem:$0x3F9E] =	sst s4  }
0xd: {  	[smem:$0x3F9F] =	sst s5  }
0xe: {  	[smem:$0x3FA0] =	sst s6  }
0xf: {  	[smem:$0x3FA1] =	sst s7  }
0x10: {  	[smem:$0x3FA2] =	sst s8  }
0x11: {  	[smem:$0x3FA3] =	sst s9;
	s0 =	simm.s32 @!p0 $0x0  }
0x12: {  	s1 =	sld [smem:$0x3F89];
	s0 =	simm.s32 @p0 $0x1  }
0x13: {  	[smem:$0x3FA4] =	sst s0;
	s0 =	simm.s32 @!p1 $0x0  }
0x14: {  	s2 =	sld [smem:$0x3F88];
	s0 =	simm.s32 @p1 $0x1  }
0x15: {  	[smem:$0x3FA5] =	sst s0;
	s0 =	simm.s32 @!p2 $0x0  }
0x16: {  	s3 =	sld [smem:$0x3FDB];
	s0 =	simm.s32 @p2 $0x1  }
0x17: {  	s4 =	simm.s32 $0x1BF5;
	[smem:$0x3FA7] =	sst s0  }
0x18: {  	s0 =	sld [smem:$0x3F8A];
	_ =	swait.ge [sflag:s4], $0x0  }
0x19: {  	s7 =	sld [smem:$0x3F8B]  }
0x1a: {  	s8 =	sadd.s32 $0xFFFFE003, lr  }
0x1b: {  	s9 =	sadd.s32 $0xFFFFFEF7, lr;
	s5 =	simm.s32 $0xFFFFFFFF;
	p2 =	slt.u32 s8, $0xFFFFF086  }
0x1c: {  	p1 =	slt.u32 s9, $0xF7A;
	s5 =	simm.s32 @!p2 $0x0  }
0x1d: {  	s5 =	simm.s32 @p1 $0x1;
	p0 =	seq.s32 s7, s2  }
0x1e: {  	s7 =	smul.u32 @!p0 $0xF7A, s2;
	p2 =	seq.s32 @!p0 s5, $0x0  }
0x1f: {  	s9 =	smul.u32 $0xF7A, s1;
	s8 =	simm.s32 @!p0 $0x1BF5;
	p2 =	por !p2, p0  }
0x20: {  	[sflag:s8] =	ssyncset.s32 @!p0 $0xFFFFF086;
	s6 =	sadd.s32 @!p0 s3, s7;
	s7 =	simm.s32 @!p0 $0x108  }
0x21: {  	s3 =	sadd.s32 s3, s9;
	s6 =	sadd.s32 @!p0 $0x88, s6;
	s7 =	simm.s32 @p2 $0x1082  }
0x22: {  	[simem:s7], [sflag:s8] =	dma.local @!p0 [hbm:s6], $0xF7A  }
0x23: {  	s9 =	sor.u32 $0xD0000000, s2;
	s6 =	simm.s32 $0x108;
	_ =	swait.ge @!p0 [sflag:s8], $0x0  }
0x24: {  	s3 =	sadd.s32 $0x88, s3;
	s6 =	simm.s32 @!p1 $0x1082;
	[sflag:s4] =	ssyncset.s32 $0xFFFFF086  }
0x25: {  	[simem:s6], [sflag:s4] =	dma.local [hbm:s3], $0xF7A  }
0x26: {  	[smem:$0x3F8B] =	sst s1;
	(tag) =	ssettag s2;
	_ =	strace s9  }
0x27: {  	s1 =	sld [smem:$0x3F9B]  }
0x28: {  	s2 =	sld [smem:$0x3F9C]  }
0x29: {  	s4 =	sld [smem:$0x3F9E]  }
0x2a: {  	p0 =	seq.s32 s5, $0x0;
	s5 =	sld [smem:$0x3F9F]  }
0x2b: {  	s6 =	sld [smem:$0x3FA0]  }
0x2c: {  	s7 =	sld [smem:$0x3FA1]  }
0x2d: {  	s3 =	simm.s32 $0x108;
	s8 =	sld [smem:$0x3FA2]  }
0x2e: {  	s3 =	simm.s32 @!p0 $0x1082;
	s9 =	sld [smem:$0x3FA3]  }
0x2f: {  	lr =	sadd.s32 s0, s3;
	s0 =	sld [smem:$0x3F9A]  }
0x30: {  	s3 =	sld [smem:$0x3F9D]  }
0x31: {  	[smem:$0x3FA6] =	sst s10  }
0x32: {  	s10 =	sld [smem:$0x3FA4];
	_ =	sdelay $0x3  }
0x33: {  	p0 =	seq.s32 s10, $0x1;
	s10 =	sld [smem:$0x3FA6];
	_ =	sdelay $0x3  }
0x34: {  	[smem:$0x3FA6] =	sst s10  }
0x35: {  	s10 =	sld [smem:$0x3FA5];
	_ =	sdelay $0x3  }
0x36: {  	p1 =	seq.s32 s10, $0x1;
	s10 =	sld [smem:$0x3FA6];
	_ =	sdelay $0x3  }
0x37: {  	[smem:$0x3FA6] =	sst s10  }
0x38: {  	s10 =	sld [smem:$0x3FA7]  }
0x39: {  	_ = 	snop;
	(pc) =	sbr.ind lr, $3  }
0x3a: {  	_ = 	snop  }
0x3b: {  	_ = 	snop  }
0x3c: {  	p2 =	seq.s32 s10, $0x1;
	s10 =	sld [smem:$0x3FA6]  }
0x3d: {  	_ =	shalt  }
0x3e: {  	_ =	shalt  }
0x3f: {  	_ =	shalt  }
0x40: {  	_ =	shalt  }
0x41: {  	_ =	shalt  }
0x42: {  	_ =	shalt  }
0x43: {  	_ =	shalt  }
0x44: {  	_ =	shalt  }
0x45: {  	_ =	shalt  }
0x46: {  	_ =	shalt  }
0x47: {  	_ =	shalt  }
0x48: {  	_ =	shalt  }
0x49: {  	_ =	shalt  }
0x4a: {  	_ =	shalt  }
0x4b: {  	_ =	shalt  }
0x4c: {  	_ =	shalt  }
0x4d: {  	_ =	shalt  }
0x4e: {  	_ =	shalt  }
0x4f: {  	_ =	shalt  }
0x50: {  	_ =	shalt  }
0x51: {  	_ =	shalt  }
0x52: {  	_ =	shalt  }
0x53: {  	_ =	shalt  }
0x54: {  	_ =	shalt  }
0x55: {  	_ =	shalt  }
0x56: {  	_ =	shalt  }
0x57: {  	_ =	shalt  }
0x58: {  	_ =	shalt  }
0x59: {  	_ =	shalt  }
0x5a: {  	_ =	shalt  }
0x5b: {  	_ =	shalt  }
0x5c: {  	_ =	shalt  }
0x5d: {  	_ =	shalt  }
0x5e: {  	_ =	shalt  }
0x5f: {  	_ =	shalt  }
0x60: {  	_ =	shalt  }
0x61: {  	_ =	shalt  }
0x62: {  	_ =	shalt  }
0x63: {  	_ =	shalt  }
0x64: {  	_ =	shalt  }
0x65: {  	_ =	shalt  }
0x66: {  	_ =	shalt  }
0x67: {  	_ =	shalt  }
0x68: {  	_ =	shalt  }
0x69: {  	_ =	shalt  }
0x6a: {  	_ =	shalt  }
0x6b: {  	_ =	shalt  }
0x6c: {  	_ =	shalt  }
0x6d: {  	_ =	shalt  }
0x6e: {  	_ =	shalt  }
0x6f: {  	_ =	shalt  }
0x70: {  	_ =	shalt  }
0x71: {  	_ =	shalt  }
0x72: {  	_ =	shalt  }
0x73: {  	_ =	shalt  }
0x74: {  	_ =	shalt  }
0x75: {  	_ =	shalt  }
0x76: {  	_ =	shalt  }
0x77: {  	_ =	shalt  }
0x78: {  	_ =	shalt  }
0x79: {  	_ =	shalt  }
0x7a: {  	_ =	shalt  }
0x7b: {  	_ =	shalt  }
0x7c: {  	_ =	shalt  }
0x7d: {  	_ =	shalt  }
0x7e: {  	_ =	shalt  }
0x7f: {  	_ =	shalt  }
0x80: {  	_ =	shalt  }
0x81: {  	_ =	shalt  }
0x82: {  	_ =	shalt  }
0x83: {  	_ =	shalt  }
0x84: {  	_ =	shalt  }
0x85: {  	_ =	shalt  }
0x86: {  	_ =	shalt  }
0x87: {  	_ =	shalt  }
.Lfunc_end0:
.L_simem_size_0:
called_computation.3_lowered:
.L_overlay_start_0:
0x88: {  	s2 =	sld [smem:$0x3FD9]  }
0x89: {  	s3 =	sld [smem:$0x3FFE];
	_ =	sdelay $0x1  }
0x8a: {  	s1 =	srdreg.scid  }
0x8b: {  	s0 =	sand.u32 $0x1, s1  }
0x8c: {  	s17 =	sshll.u32 s0, $0xA;
	s2 =	sadd.s32 s3, s2  }
0x8d: {  	s2 =	sadd.s32 s2, s17  }
0x8e: {  	[smem:$0x3FB2] =	sst s2  }
0x8f: {  	_ = 	snop  }
0x90: {  	s2 =	sld [smem:$0x3FD0];
	(tm) =	ssettm $0x1  }
0x91: {  	s18 =	sld [smem:$0x3FFB];
	_ =	sdelay $0x3  }
0x92: {  	_ =	strace s18  }
0x93: {  	s3 =	sld [smem:$0x3FFC];
	_ =	sdelay $0x3  }
0x94: {  	_ =	strace s3  }
0x95: {  	s3 =	sld [smem:$0x3FFD];
	_ =	sdelay $0x3  }
0x96: {  	_ =	strace s3  }
0x97: {  	_ =	strace $0x8FFFFFFF  }
0x98: {  	s19 =	sld [smem:$0x3FDB];
	_ =	sdelay $0x1  }
0x99: {  	s4 =	simm.s32 $_scs_section_size  }
0x9a: {  	s5 =	simm.s32 $_size__tile_overlayer_lowered;
	s6 =	simm.s32 $_tile_overlayer_lowered  }
0x9b: {  	s22 =	simm.s32 $0x1BFF;
	s21 =	sshll.u32 s6, $0x1;
	s3 =	sadd.s32 s4, s19  }
0x9c: {  	s7 =	simm.s32 $0x0;
	s20 =	sshll.u32 s5, $0x1;
	s5 =	sadd.s32 s21, s3  }
0x9d: {  	[timem:s7], [sflag:s22] =	dma.local [hbm:s5], s20  }
0x9e: {  	_ =	swait.ge [sflag:s22], s20  }
0x9f: {  	s4 =	ssub.s32 $0x0, s20;
	[sflag:s22] =	ssyncset.done $0x0  }
0xa0: {  	[sflag:s22] =	ssyncadd.s32 s4;
	_ =	sdelay $0x1  }
0xa1: {  	s23 =	simm.s32 $0x1B8B  }
0xa2: {  	_ =	swait.ge [sflag:s23], $0x1  }
0xa3: {  	[sflag:s23] =	ssyncset.done $0x0  }
0xa4: {  	s25 =	simm.s32 $0x1B8E;
	s24 =	sld [smem:$0x3FFE];
	[sflag:s23] =	ssyncadd.s32 $0xFFFFFFFF  }
0xa5: {  	s26 =	simm.s32 $execute0_lowered;
	[smem:$0x3FD2] =	sst s25  }
0xa6: {  	s5 =	sshll.u32 s26, $0x1;
	_ =	strace $0x8000004F;
	[dreg:$0x1] =	wrdreg $0xFFFFFFFF  }
0xa7: {  	s28 =	simm.s32 $_size_execute0_lowered;
	s3 =	sadd.s32 s3, s5;
	[dreg:$0x0] =	wrdreg $0x0  }
0xa8: {  	s5 =	sshll.u32 s28, $0x1;
	[dreg:$0x2] =	wrdreg s3  }
0xa9: {  	[dreg:$0x3] =	wrdreg s5  }
0xaa: {  	[dreg:$0x4] =	wrdreg $0xC0  }
0xab: {  	_ =	task [dreg:s7], $0x5FFFF  }
0xac: {  	[dreg:$0x1] =	wrdreg $0xFFFFFFFF  }
0xad: {  	[dreg:$0x0] =	wrdreg $0x60  }
0xae: {  	[dreg:$0x2] =	wrdreg s24  }
0xaf: {  	[dreg:$0x3] =	wrdreg s2  }
0xb0: {  	[dreg:$0x4] =	wrdreg $0x9  }
0xb1: {  	_ =	task.clear_ibuf [dreg:s7], $0x5FFFF;
	_ =	strace $0x9000004F  }
0xb2: {  	s29 =	simm.s32 $0x9;
	_ =	strace $0x80000051  }
0xb3: {  	_ =	swait.ge [sflag:s29], $0x1  }
0xb4: {  	[sflag:s29] =	ssyncadd.s32 $0xFFFFFFFF  }
0xb5: {  	_ =	strace $0x90000051  }
0xb6: {  	_ =	sfence  }
0xb7: {  	s30 =	sld [smem:$0x0];
	_ =	sdelay $0x2  }
0xb8: {  	s31 =	sshll.u32 s1, $0xD;
	s1 =	sshrl.u32 s1, $0x2  }
0xb9: {  	s3 =	sand.u32 $0x4000, s31;
	s1 =	sadd.s32 s1, s30  }
0xba: {  	s0 =	sor.u32 s3, s0;
	s1 =	sshll.u32 s1, $0x11  }
0xbb: {  	s0 =	sor.u32 s1, s0  }
0xbc: {  	s0 =	sadd.s32 $0x8F2B, s0  }
0xbd: {  	[sflag:s0] =	ssyncadd.remote.s32 $0x1  }
0xbe: {  	_ =	sfence.sel $0xFFFF  }
0xbf: {  	[dreg:$0x0] =	wrdreg $0xFFFFFFFF;
	(pc) =	sbr.abs _section_cstart, $3  }
0xc0: {  	[dreg:$0x1] =	wrdreg $0xFFFFFFFF  }
0xc1: {  	_ =	task.clear_ibuf [dreg:s7], $0x2FFFF;
	_ =	strace $0x9FFFFFFF  }
0xc2: {  	(tm) =	ssettm $0x7FFFFFFF  }
0xc3: {  	_ =	shalt  }
tec
execute0_lowered:
.L_overlay_start_1:
0x0: {  	(tag) =	ssettag $0x1  }
0x1: {  	s0 =	rddreg [dreg:$0x0]  }
0x2: {  	s1 =	rddreg [dreg:$0x1]  }
0x3: {  	s2 =	srdreg.scid;
	s3 =	stileid.u32  }
0x4: {  	s26 =	simm.s32 $0x80;
	s18 =	simm.s32 $0x1;
	s21 =	simm.s32 $0x1100  }
0x5: {  	s22 =	simm.s32 $0x1900;
	s23 =	simm.s32 $0x2100;
	s28 =	simm.s32 $0x4100  }
0x6: {  	s29 =	simm.s32 $0x4900;
	s30 =	simm.s32 $0x5100;
	s31 =	simm.s32 $0x5900  }
0x7: {  	s10 =	simm.s32 $0x7100;
	s11 =	simm.s32 $0x7900;
	s12 =	simm.s32 $0x8100  }
0x8: {  	s13 =	simm.s32 $0x8900;
	s14 =	simm.s32 $0x9100;
	s15 =	simm.s32 $0x9900  }
0x9: {  	s16 =	simm.s32 $0xA100;
	s17 =	simm.s32 $0xA900;
	s4 =	sand.u32 $0x1, s2  }
0xa: {  	s2 =	simm.s32 $0x0;
	s3 =	sshll.u32 s3, $0x7;
	s5 =	sshll.u32 s4, $0x6  }
0xb: {  	[smem:$0x7FF] =	sst s2;
	s4 =	ssub.s32 $0x2, s4;
	s5 =	sor.u32 s5, s3  }
0xc: {  	_ =	strace $0x80000050;
	s3 =	sadd.s32 $0x213600, s0;
	s8 =	sshrl.u32 s4, $0x1  }
0xd: {  	[dreg:$0x7] =	wrdreg s26;
	s26 =	simm.s32 $0x3900;
	s6 =	sshrl.u32 s5, $0x3  }
0xe: {  	s5 =	sshll.u32 s5, $0x7;
	s8 =	ssub.s32 s4, s8;
	s4 =	sadd.s32 $0x213700, s0  }
0xf: {  	s6 =	sadd.s32 s6, s0;
	s7 =	sadd.s32 s5, s0;
	s1 =	sadd.s32 s1, s5  }
0x10: {  	s5 =	sadd.s32 $0x213800, s0;
	s9 =	sadd.s32 $0x53000, s6;
	[dreg:$0x5] =	wrdreg s1  }
0x11: {  	s24 =	sadd.s32 $0x53200, s6;
	s25 =	sadd.s32 $0x3000, s7;
	[dreg:$0x3] =	wrdreg s9  }
0x12: {  	v2 =	vlaneseq.u32;
	s6 =	sadd.s32 $0x213900, s0;
	s7 =	smax.u32 s8, $0x1;
	[dreg:$0x4] =	wrdreg s24  }
0x13: {  	vm0 =	vmmov $0xffff;
	v1 =	vshrl.u32 v2, $0x3;
	s8 =	simm.s32 $0x2;
	s0 =	simm.s32 $0x100;
	[dreg:$0x6] =	wrdreg s25  }
0x14: {  	v0 =	vand.u32 $0x7, v2;
	v2 =	vor.u32 $0x8, v2;
	v1 =	vmul.u32 $0x8, v1;
	s24 =	simm.s32 $0x2900;
	s25 =	simm.s32 $0x3100;
	s9 =	simm.s32 $0xB100  }
.LBB2_1:
0x15: {  	s19 =	rddreg [dreg:$0x3]  }
0x16: {  	[tilespmem:s2], [sflag:$0x2] =	stream.linear.gather [hbm4b:s19+s2], $0x40, $0x38;
	[tilespmem:$0x10100] =	vst v63  }
0x17: {  	_ =	swait.ge [sflag:s8], $0x40  }
0x18: {  	s1 =	rddreg [dreg:$0x4];
	[sflag:s8] =	ssyncset.done $0x0  }
0x19: {  	s20 =	rddreg [dreg:$0x7];
	[sflag:s8] =	ssyncadd.s32 $0xFFFFFFC0  }
0x1a: {  	[tilespmem:s20], [sflag:$0x2] =	stream.linear.gather [hbm4b:s1+s2], $0x40, $0x38;
	[tilespmem:$0x10100] =	vst v63  }
0x1b: {  	_ =	swait.ge [sflag:s8], $0x40  }
0x1c: {  	[sflag:s8] =	ssyncset.done $0x0  }
0x1d: {  	[sflag:s8] =	ssyncadd.s32 $0xFFFFFFC0  }
0x1e: {  	v3 =	vld [tilespmem:$0x0];
	_ =	sdelay $0x4  }
0x1f: {  	v4 =	vshll.u32 v3, $0x3  }
0x20: {  	v3 =	vand.u32 $0x7, v3;
	v4 =	vand.u32 $0xFFFFFFC0, v4  }
0x21: {  	v3 =	vor.u32 v3, v4  }
0x22: {  	v4 =	vperm.xlane v3, v0;
	_ =	sdelay $0x1  }
0x23: {  	v4 =	vadd.s32 v1, v4;
	_ =	sdelay $0x4  }
0x24: {  	[tilespmem:s0], [sflag:$0x1] =	stream.indirect_vreg.gather [hbm4b:s3+s2], $0x80, v4, vm0, $0xb8;
	[tilespmem:$0x10100] =	vst v63  }
0x25: {  	s20 =	simm.s32 $0x900;
	v3 =	vperm.xlane v3, v2  }
0x26: {  	[tilespmem:s20], [sflag:$0x1] =	stream.indirect_vreg.gather [hbm4b:s4+s2], $0x80, v4, vm0, $0xb8;
	[tilespmem:$0x10100] =	vst v63  }
0x27: {  	v3 =	vadd.s32 v1, v3  }
0x28: {  	[tilespmem:s21], [sflag:$0x1] =	stream.indirect_vreg.gather [hbm4b:s5+s2], $0x80, v4, vm0, $0xb8;
	[tilespmem:$0x10100] =	vst v63  }
0x29: {  	_ = 	snop  }
0x2a: {  	[tilespmem:s22], [sflag:$0x1] =	stream.indirect_vreg.gather [hbm4b:s6+s2], $0x80, v4, vm0, $0xb8;
	[tilespmem:$0x10100] =	vst v63  }
0x2b: {  	_ = 	snop  }
0x2c: {  	[tilespmem:s23], [sflag:$0x1] =	stream.indirect_vreg.gather [hbm4b:s3+s2], $0x80, v3, vm0, $0xb8;
	[tilespmem:$0x10100] =	vst v63  }
0x2d: {  	_ = 	snop  }
0x2e: {  	[tilespmem:s24], [sflag:$0x1] =	stream.indirect_vreg.gather [hbm4b:s4+s2], $0x80, v3, vm0, $0xb8;
	[tilespmem:$0x10100] =	vst v63  }
0x2f: {  	_ = 	snop  }
0x30: {  	[tilespmem:s25], [sflag:$0x1] =	stream.indirect_vreg.gather [hbm4b:s5+s2], $0x80, v3, vm0, $0xb8;
	[tilespmem:$0x10100] =	vst v63  }
0x31: {  	_ = 	snop  }
0x32: {  	[tilespmem:s26], [sflag:$0x1] =	stream.indirect_vreg.gather [hbm4b:s6+s2], $0x80, v3, vm0, $0xb8;
	[tilespmem:$0x10100] =	vst v63  }
0x33: {  	v3 =	vld [tilespmem:$0x10];
	_ =	sdelay $0x4  }
0x34: {  	v57 =	vshll.u32 v3, $0x3  }
0x35: {  	v3 =	vand.u32 $0x7, v3;
	v4 =	vand.u32 $0xFFFFFFC0, v57  }
0x36: {  	v3 =	vor.u32 v3, v4  }
0x37: {  	v4 =	vperm.xlane v3, v0;
	_ =	sdelay $0x1  }
0x38: {  	v4 =	vadd.s32 v1, v4;
	_ =	sdelay $0x4  }
0x39: {  	[tilespmem:s28], [sflag:$0x1] =	stream.indirect_vreg.gather [hbm4b:s3+s2], $0x80, v4, vm0, $0xb8;
	[tilespmem:$0x10100] =	vst v63  }
0x3a: {  	v3 =	vperm.xlane v3, v2  }
0x3b: {  	[tilespmem:s29], [sflag:$0x1] =	stream.indirect_vreg.gather [hbm4b:s4+s2], $0x80, v4, vm0, $0xb8;
	[tilespmem:$0x10100] =	vst v63  }
0x3c: {  	v3 =	vadd.s32 v1, v3  }
0x3d: {  	[tilespmem:s30], [sflag:$0x1] =	stream.indirect_vreg.gather [hbm4b:s5+s2], $0x80, v4, vm0, $0xb8;
	[tilespmem:$0x10100] =	vst v63  }
0x3e: {  	_ = 	snop  }
0x3f: {  	[tilespmem:s31], [sflag:$0x1] =	stream.indirect_vreg.gather [hbm4b:s6+s2], $0x80, v4, vm0, $0xb8;
	[tilespmem:$0x10100] =	vst v63  }
0x40: {  	s1 =	simm.s32 $0x6100  }
0x41: {  	[tilespmem:s1], [sflag:$0x1] =	stream.indirect_vreg.gather [hbm4b:s3+s2], $0x80, v3, vm0, $0xb8;
	[tilespmem:$0x10100] =	vst v63  }
0x42: {  	s1 =	simm.s32 $0x6900  }
0x43: {  	[tilespmem:s1], [sflag:$0x1] =	stream.indirect_vreg.gather [hbm4b:s4+s2], $0x80, v3, vm0, $0xb8;
	[tilespmem:$0x10100] =	vst v63  }
0x44: {  	_ = 	snop  }
0x45: {  	[tilespmem:s10], [sflag:$0x1] =	stream.indirect_vreg.gather [hbm4b:s5+s2], $0x80, v3, vm0, $0xb8;
	[tilespmem:$0x10100] =	vst v63  }
0x46: {  	_ = 	snop  }
0x47: {  	[tilespmem:s11], [sflag:$0x1] =	stream.indirect_vreg.gather [hbm4b:s6+s2], $0x80, v3, vm0, $0xb8;
	[tilespmem:$0x10100] =	vst v63  }
0x48: {  	v3 =	vld [tilespmem:$0x20];
	_ =	sdelay $0x4  }
0x49: {  	v58 =	vshll.u32 v3, $0x3  }
0x4a: {  	v3 =	vand.u32 $0x7, v3;
	v4 =	vand.u32 $0xFFFFFFC0, v58  }
0x4b: {  	v3 =	vor.u32 v3, v4  }
0x4c: {  	v4 =	vperm.xlane v3, v0;
	_ =	sdelay $0x1  }
0x4d: {  	v4 =	vadd.s32 v1, v4;
	_ =	sdelay $0x4  }
0x4e: {  	[tilespmem:s12], [sflag:$0x1] =	stream.indirect_vreg.gather [hbm4b:s3+s2], $0x80, v4, vm0, $0xb8;
	[tilespmem:$0x10100] =	vst v63  }
0x4f: {  	v3 =	vperm.xlane v3, v2  }
0x50: {  	[tilespmem:s13], [sflag:$0x1] =	stream.indirect_vreg.gather [hbm4b:s4+s2], $0x80, v4, vm0, $0xb8;
	[tilespmem:$0x10100] =	vst v63  }
0x51: {  	v3 =	vadd.s32 v1, v3  }
0x52: {  	[tilespmem:s14], [sflag:$0x1] =	stream.indirect_vreg.gather [hbm4b:s5+s2], $0x80, v4, vm0, $0xb8;
	[tilespmem:$0x10100] =	vst v63  }
0x53: {  	_ = 	snop  }
0x54: {  	[tilespmem:s15], [sflag:$0x1] =	stream.indirect_vreg.gather [hbm4b:s6+s2], $0x80, v4, vm0, $0xb8;
	[tilespmem:$0x10100] =	vst v63  }
0x55: {  	_ = 	snop  }
0x56: {  	[tilespmem:s16], [sflag:$0x1] =	stream.indirect_vreg.gather [hbm4b:s3+s2], $0x80, v3, vm0, $0xb8;
	[tilespmem:$0x10100] =	vst v63  }
0x57: {  	_ = 	snop  }
0x58: {  	[tilespmem:s17], [sflag:$0x1] =	stream.indirect_vreg.gather [hbm4b:s4+s2], $0x80, v3, vm0, $0xb8;
	[tilespmem:$0x10100] =	vst v63  }
0x59: {  	_ = 	snop  }
0x5a: {  	[tilespmem:s9], [sflag:$0x1] =	stream.indirect_vreg.gather [hbm4b:s5+s2], $0x80, v3, vm0, $0xb8;
	[tilespmem:$0x10100] =	vst v63  }
0x5b: {  	s19 =	simm.s32 $0xB900  }
0x5c: {  	[tilespmem:s19], [sflag:$0x1] =	stream.indirect_vreg.gather [hbm4b:s6+s2], $0x80, v3, vm0, $0xb8;
	[tilespmem:$0x10100] =	vst v63  }
0x5d: {  	v3 =	vld [tilespmem:$0x30];
	_ =	sdelay $0x4  }
0x5e: {  	v59 =	vshll.u32 v3, $0x3  }
0x5f: {  	v3 =	vand.u32 $0x7, v3;
	v4 =	vand.u32 $0xFFFFFFC0, v59  }
0x60: {  	v3 =	vor.u32 v3, v4  }
0x61: {  	v4 =	vperm.xlane v3, v0;
	_ =	sdelay $0x1  }
0x62: {  	v4 =	vadd.s32 v1, v4;
	_ =	sdelay $0x3  }
0x63: {  	s19 =	simm.s32 $0xC100  }
0x64: {  	[tilespmem:s19], [sflag:$0x1] =	stream.indirect_vreg.gather [hbm4b:s3+s2], $0x80, v4, vm0, $0xb8;
	[tilespmem:$0x10100] =	vst v63  }
0x65: {  	v3 =	vperm.xlane v3, v2;
	s19 =	simm.s32 $0xC900  }
0x66: {  	[tilespmem:s19], [sflag:$0x1] =	stream.indirect_vreg.gather [hbm4b:s4+s2], $0x80, v4, vm0, $0xb8;
	[tilespmem:$0x10100] =	vst v63  }
0x67: {  	v3 =	vadd.s32 v1, v3;
	s19 =	simm.s32 $0xD100  }
0x68: {  	[tilespmem:s19], [sflag:$0x1] =	stream.indirect_vreg.gather [hbm4b:s5+s2], $0x80, v4, vm0, $0xb8;
	[tilespmem:$0x10100] =	vst v63  }
0x69: {  	s19 =	simm.s32 $0xD900  }
0x6a: {  	[tilespmem:s19], [sflag:$0x1] =	stream.indirect_vreg.gather [hbm4b:s6+s2], $0x80, v4, vm0, $0xb8;
	[tilespmem:$0x10100] =	vst v63  }
0x6b: {  	s19 =	simm.s32 $0xE100  }
0x6c: {  	[tilespmem:s19], [sflag:$0x1] =	stream.indirect_vreg.gather [hbm4b:s3+s2], $0x80, v3, vm0, $0xb8;
	[tilespmem:$0x10100] =	vst v63  }
0x6d: {  	s19 =	simm.s32 $0xE900  }
0x6e: {  	[tilespmem:s19], [sflag:$0x1] =	stream.indirect_vreg.gather [hbm4b:s4+s2], $0x80, v3, vm0, $0xb8;
	[tilespmem:$0x10100] =	vst v63  }
0x6f: {  	s19 =	simm.s32 $0xF100  }
0x70: {  	[tilespmem:s19], [sflag:$0x1] =	stream.indirect_vreg.gather [hbm4b:s5+s2], $0x80, v3, vm0, $0xb8;
	[tilespmem:$0x10100] =	vst v63  }
0x71: {  	s19 =	simm.s32 $0xF900  }
0x72: {  	[tilespmem:s19], [sflag:$0x1] =	stream.indirect_vreg.gather [hbm4b:s6+s2], $0x80, v3, vm0, $0xb8;
	[tilespmem:$0x10100] =	vst v63  }
0x73: {  	_ =	swait.ge [sflag:s18], $0x10000  }
0x74: {  	[sflag:s18] =	ssyncset.done $0x0  }
0x75: {  	s19 =	rddreg [dreg:$0x5];
	[sflag:s18] =	ssyncadd.s32 $0xFFFF0000  }
0x76: {  	[hbm4b:s19+s2] =	stream.linear.scatter [tilespmem:s0], [sflag:$0x2], $0x10000, $0x38;
	[tilespmem:$0x10100] =	vst v63  }
0x77: {  	_ =	swait.ge [sflag:s8], $0x10000  }
0x78: {  	[sflag:s8] =	ssyncset.done $0x0  }
0x79: {  	[sflag:s8] =	ssyncadd.s32 $0xFFFF0000  }
0x7a: {  	v3 =	vld [tilespmem:$0x80];
	_ =	sdelay $0x4  }
0x7b: {  	v60 =	vshll.u32 v3, $0x3  }
0x7c: {  	v3 =	vand.u32 $0x7, v3;
	v4 =	vand.u32 $0xFFFFFFC0, v60  }
0x7d: {  	v3 =	vor.u32 v3, v4  }
0x7e: {  	v4 =	vperm.xlane v3, v0;
	_ =	sdelay $0x1  }
0x7f: {  	v4 =	vadd.s32 v1, v4;
	_ =	sdelay $0x4  }
0x80: {  	[tilespmem:s0], [sflag:$0x1] =	stream.indirect_vreg.gather [hbm4b:s3+s2], $0x80, v4, vm0, $0xb8;
	[tilespmem:$0x10100] =	vst v63  }
0x81: {  	v3 =	vperm.xlane v3, v2  }
0x82: {  	[tilespmem:s20], [sflag:$0x1] =	stream.indirect_vreg.gather [hbm4b:s4+s2], $0x80, v4, vm0, $0xb8;
	[tilespmem:$0x10100] =	vst v63  }
0x83: {  	v3 =	vadd.s32 v1, v3  }
0x84: {  	[tilespmem:s21], [sflag:$0x1] =	stream.indirect_vreg.gather [hbm4b:s5+s2], $0x80, v4, vm0, $0xb8;
	[tilespmem:$0x10100] =	vst v63  }
0x85: {  	_ = 	snop  }
0x86: {  	[tilespmem:s22], [sflag:$0x1] =	stream.indirect_vreg.gather [hbm4b:s6+s2], $0x80, v4, vm0, $0xb8;
	[tilespmem:$0x10100] =	vst v63  }
0x87: {  	_ = 	snop  }
0x88: {  	[tilespmem:s23], [sflag:$0x1] =	stream.indirect_vreg.gather [hbm4b:s3+s2], $0x80, v3, vm0, $0xb8;
	[tilespmem:$0x10100] =	vst v63  }
0x89: {  	_ = 	snop  }
0x8a: {  	[tilespmem:s24], [sflag:$0x1] =	stream.indirect_vreg.gather [hbm4b:s4+s2], $0x80, v3, vm0, $0xb8;
	[tilespmem:$0x10100] =	vst v63  }
0x8b: {  	_ = 	snop  }
0x8c: {  	[tilespmem:s25], [sflag:$0x1] =	stream.indirect_vreg.gather [hbm4b:s5+s2], $0x80, v3, vm0, $0xb8;
	[tilespmem:$0x10100] =	vst v63  }
0x8d: {  	_ = 	snop  }
0x8e: {  	[tilespmem:s26], [sflag:$0x1] =	stream.indirect_vreg.gather [hbm4b:s6+s2], $0x80, v3, vm0, $0xb8;
	[tilespmem:$0x10100] =	vst v63  }
0x8f: {  	v3 =	vld [tilespmem:$0x90];
	_ =	sdelay $0x4  }
0x90: {  	v61 =	vshll.u32 v3, $0x3  }
0x91: {  	v3 =	vand.u32 $0x7, v3;
	v4 =	vand.u32 $0xFFFFFFC0, v61  }
0x92: {  	v3 =	vor.u32 v3, v4  }
0x93: {  	v4 =	vperm.xlane v3, v0;
	_ =	sdelay $0x1  }
0x94: {  	v4 =	vadd.s32 v1, v4;
	_ =	sdelay $0x4  }
0x95: {  	[tilespmem:s28], [sflag:$0x1] =	stream.indirect_vreg.gather [hbm4b:s3+s2], $0x80, v4, vm0, $0xb8;
	[tilespmem:$0x10100] =	vst v63  }
0x96: {  	v3 =	vperm.xlane v3, v2  }
0x97: {  	[tilespmem:s29], [sflag:$0x1] =	stream.indirect_vreg.gather [hbm4b:s4+s2], $0x80, v4, vm0, $0xb8;
	[tilespmem:$0x10100] =	vst v63  }
0x98: {  	v3 =	vadd.s32 v1, v3  }
0x99: {  	[tilespmem:s30], [sflag:$0x1] =	stream.indirect_vreg.gather [hbm4b:s5+s2], $0x80, v4, vm0, $0xb8;
	[tilespmem:$0x10100] =	vst v63  }
0x9a: {  	_ = 	snop  }
0x9b: {  	[tilespmem:s31], [sflag:$0x1] =	stream.indirect_vreg.gather [hbm4b:s6+s2], $0x80, v4, vm0, $0xb8;
	[tilespmem:$0x10100] =	vst v63  }
0x9c: {  	s20 =	simm.s32 $0x6100  }
0x9d: {  	[tilespmem:s20], [sflag:$0x1] =	stream.indirect_vreg.gather [hbm4b:s3+s2], $0x80, v3, vm0, $0xb8;
	[tilespmem:$0x10100] =	vst v63  }
0x9e: {  	_ = 	snop  }
0x9f: {  	[tilespmem:s1], [sflag:$0x1] =	stream.indirect_vreg.gather [hbm4b:s4+s2], $0x80, v3, vm0, $0xb8;
	[tilespmem:$0x10100] =	vst v63  }
0xa0: {  	_ = 	snop  }
0xa1: {  	[tilespmem:s10], [sflag:$0x1] =	stream.indirect_vreg.gather [hbm4b:s5+s2], $0x80, v3, vm0, $0xb8;
	[tilespmem:$0x10100] =	vst v63  }
0xa2: {  	_ = 	snop  }
0xa3: {  	[tilespmem:s11], [sflag:$0x1] =	stream.indirect_vreg.gather [hbm4b:s6+s2], $0x80, v3, vm0, $0xb8;
	[tilespmem:$0x10100] =	vst v63  }
0xa4: {  	v3 =	vld [tilespmem:$0xA0];
	_ =	sdelay $0x4  }
0xa5: {  	v62 =	vshll.u32 v3, $0x3  }
0xa6: {  	v3 =	vand.u32 $0x7, v3;
	v4 =	vand.u32 $0xFFFFFFC0, v62  }
0xa7: {  	v3 =	vor.u32 v3, v4  }
0xa8: {  	v4 =	vperm.xlane v3, v0;
	_ =	sdelay $0x1  }
0xa9: {  	v4 =	vadd.s32 v1, v4;
	_ =	sdelay $0x4  }
0xaa: {  	[tilespmem:s12], [sflag:$0x1] =	stream.indirect_vreg.gather [hbm4b:s3+s2], $0x80, v4, vm0, $0xb8;
	[tilespmem:$0x10100] =	vst v63  }
0xab: {  	v3 =	vperm.xlane v3, v2  }
0xac: {  	[tilespmem:s13], [sflag:$0x1] =	stream.indirect_vreg.gather [hbm4b:s4+s2], $0x80, v4, vm0, $0xb8;
	[tilespmem:$0x10100] =	vst v63  }
0xad: {  	v3 =	vadd.s32 v1, v3  }
0xae: {  	[tilespmem:s14], [sflag:$0x1] =	stream.indirect_vreg.gather [hbm4b:s5+s2], $0x80, v4, vm0, $0xb8;
	[tilespmem:$0x10100] =	vst v63  }
0xaf: {  	_ = 	snop  }
0xb0: {  	[tilespmem:s15], [sflag:$0x1] =	stream.indirect_vreg.gather [hbm4b:s6+s2], $0x80, v4, vm0, $0xb8;
	[tilespmem:$0x10100] =	vst v63  }
0xb1: {  	_ = 	snop  }
0xb2: {  	[tilespmem:s16], [sflag:$0x1] =	stream.indirect_vreg.gather [hbm4b:s3+s2], $0x80, v3, vm0, $0xb8;
	[tilespmem:$0x10100] =	vst v63  }
0xb3: {  	_ = 	snop  }
0xb4: {  	[tilespmem:s17], [sflag:$0x1] =	stream.indirect_vreg.gather [hbm4b:s4+s2], $0x80, v3, vm0, $0xb8;
	[tilespmem:$0x10100] =	vst v63  }
0xb5: {  	_ = 	snop  }
0xb6: {  	[tilespmem:s9], [sflag:$0x1] =	stream.indirect_vreg.gather [hbm4b:s5+s2], $0x80, v3, vm0, $0xb8;
	[tilespmem:$0x10100] =	vst v63  }
0xb7: {  	s19 =	simm.s32 $0xB900  }
0xb8: {  	[tilespmem:s19], [sflag:$0x1] =	stream.indirect_vreg.gather [hbm4b:s6+s2], $0x80, v3, vm0, $0xb8;
	[tilespmem:$0x10100] =	vst v63  }
0xb9: {  	v3 =	vld [tilespmem:$0xB0];
	_ =	sdelay $0x4  }
0xba: {  	v63 =	vshll.u32 v3, $0x3  }
0xbb: {  	v3 =	vand.u32 $0x7, v3;
	v4 =	vand.u32 $0xFFFFFFC0, v63  }
0xbc: {  	v3 =	vor.u32 v3, v4  }
0xbd: {  	v4 =	vperm.xlane v3, v0;
	_ =	sdelay $0x1  }
0xbe: {  	v4 =	vadd.s32 v1, v4;
	_ =	sdelay $0x3  }
0xbf: {  	s20 =	simm.s32 $0xC100  }
0xc0: {  	[tilespmem:s20], [sflag:$0x1] =	stream.indirect_vreg.gather [hbm4b:s3+s2], $0x80, v4, vm0, $0xb8;
	[tilespmem:$0x10100] =	vst v63  }
0xc1: {  	s19 =	simm.s32 $0xC900;
	v3 =	vperm.xlane v3, v2  }
0xc2: {  	[tilespmem:s19], [sflag:$0x1] =	stream.indirect_vreg.gather [hbm4b:s4+s2], $0x80, v4, vm0, $0xb8;
	[tilespmem:$0x10100] =	vst v63  }
0xc3: {  	v3 =	vadd.s32 v1, v3;
	s20 =	simm.s32 $0xD100  }
0xc4: {  	[tilespmem:s20], [sflag:$0x1] =	stream.indirect_vreg.gather [hbm4b:s5+s2], $0x80, v4, vm0, $0xb8;
	[tilespmem:$0x10100] =	vst v63  }
0xc5: {  	s19 =	simm.s32 $0xD900  }
0xc6: {  	[tilespmem:s19], [sflag:$0x1] =	stream.indirect_vreg.gather [hbm4b:s6+s2], $0x80, v4, vm0, $0xb8;
	[tilespmem:$0x10100] =	vst v63  }
0xc7: {  	s20 =	simm.s32 $0xE100  }
0xc8: {  	[tilespmem:s20], [sflag:$0x1] =	stream.indirect_vreg.gather [hbm4b:s3+s2], $0x80, v3, vm0, $0xb8;
	[tilespmem:$0x10100] =	vst v63  }
0xc9: {  	s19 =	simm.s32 $0xE900  }
0xca: {  	[tilespmem:s19], [sflag:$0x1] =	stream.indirect_vreg.gather [hbm4b:s4+s2], $0x80, v3, vm0, $0xb8;
	[tilespmem:$0x10100] =	vst v63  }
0xcb: {  	s20 =	simm.s32 $0xF100  }
0xcc: {  	[tilespmem:s20], [sflag:$0x1] =	stream.indirect_vreg.gather [hbm4b:s5+s2], $0x80, v3, vm0, $0xb8;
	[tilespmem:$0x10100] =	vst v63  }
0xcd: {  	s19 =	simm.s32 $0xF900  }
0xce: {  	[tilespmem:s19], [sflag:$0x1] =	stream.indirect_vreg.gather [hbm4b:s6+s2], $0x80, v3, vm0, $0xb8;
	[tilespmem:$0x10100] =	vst v63  }
0xcf: {  	_ =	swait.ge [sflag:s18], $0x10000  }
0xd0: {  	p0 =	sne.s32 s7, $0x1;
	[sflag:s18] =	ssyncset.done $0x0  }
.Ltmp0:
0xd1: {  	s20 =	rddreg [dreg:$0x6];
	[sflag:s18] =	ssyncadd.s32 $0xFFFF0000;
	(pc) =	sbr.rel @p0 .LBB2_1-.Ltmp0, $4  }
0xd2: {  	[hbm4b:s20+s2] =	stream.linear.scatter [tilespmem:s0], [sflag:$0x2], $0x10000, $0x38;
	[tilespmem:$0x10100] =	vst v63  }
0xd3: {  	_ =	swait.ge [sflag:s8], $0x10000  }
0xd4: {  	[sflag:s8] =	ssyncset.done $0x0  }
0xd5: {  	s7 =	sadd.s32 $0xFFFFFFFF, s7;
	[sflag:s8] =	ssyncadd.s32 $0xFFFF0000  }
0xd6: {  	_ =	sfence.sel $0x180000  }
0xd7: {  	[bflag:$0x0] =	sbarrier.arrive $0xFFFF  }
0xd8: {  	_ =	strace $0x90000050  }
0xd9: {  	s0 =	stileid.u32;
	[bflag:$0x2] =	sbarrier.arrive $0xFFFF  }
0xda: {  	p0 =	sne.s32 s0, $0x0;
	s0 =	rddreg [dreg:$0x2]  }
0xdb: {  	s0 =	sadd.s32 @!p0 $0x100000, s0  }
0xdc: {  	[sflag:s0] =	ssyncadd.tile.s32 @!p0 $0x1;
	_ =	shalt  }
.Lfunc_end2:
_tile_overlayer_lowered:
.L_overlay_start_2:
0xdd: {  	(tag) =	ssettag $0x2  }
0xde: {  	s0 =	rddreg [dreg:$0x0];
	s2 =	stileid.u32  }
0xdf: {  	s1 =	rddreg [dreg:$0x1];
	p0 =	sne.s32 s2, $0x0  }
0xe0: {  	s3 =	rddreg [dreg:$0x2];
	[bflag:$0x3] =	sbarrier.arrive $0xFFFF;
	s2 =	simm.s32 @!p0 $0x1C02  }
0xe1: {  	[timem:s3], [sflag:s2] =	dma.local @!p0 [hbm:s0], s1  }
0xe2: {  	s0 =	simm.s32 @!p0 $0x2  }
0xe3: {  	_ =	swait.ge @!p0 [sflag:s0], s1  }
0xe4: {  	s1 =	ssub.s32 @!p0 $0x0, s1;
	[sflag:s0] =	ssyncset.done @!p0 $0x0  }
0xe5: {  	[sflag:s0] =	ssyncadd.s32 @!p0 s1  }
0xe6: {  	[bflag:$0x3] =	sbarrier.arrive $0xFFFF  }
0xe7: {  	_ =	shalt  }

</sc_bundles>
